<compile_context>
chip_gen: v7x
topology: tpu7x:2x2x1
jax: 0.10.2.dev20260603
libtpu: 0.0.44.dev20260713+nightly
codegen_flags: <defaults>
</compile_context>

<pallas_src>
import functools

import jax
import jax.numpy as jnp
from jax import lax
from jax.experimental import pallas as pl
from jax.experimental.pallas import tpu as pltpu
from jax.experimental.pallas import tpu_sc as plsc

VOCAB = 1000
RP = 1024
DP = 1024
B = 1024
T = 50
TP = 56
N_TOK = B * T

NC = 2
NS = 16
NW = NC * NS
PPW = B // NW
TPW = N_TOK // NW
SG = 80
NSG = TPW // SG
GPP = TP // 8
NG = PPW * GPP
L = 16
NVR = TPW // L


def _lse_body(table_ref, out_ref):
    t = table_ref[...]
    m = jnp.max(t, axis=1, keepdims=True)
    s = jnp.sum(jnp.exp(t - m), axis=1, keepdims=True)
    out_ref[...] = m + jnp.log(s)


def _row_lse(table):
    return pl.pallas_call(
        _lse_body,
        out_shape=jax.ShapeDtypeStruct((VOCAB, 1), jnp.float32),
    )(table)


def _sc_body(tab_hbm, tflat_hbm, lse_hbm, idxp_hbm, idx_hbm, tgt_hbm, pt_hbm,
             logits_hbm, part_hbm,
             idxp_v, idx_v, tgt_v, flat_v, tl_v, lse_v, acc_v, p_v,
             a0, a1, a2, a3, a4, a5, a6, a7,
             sem_t, sem_l, g0, g1, g2, g3, g4, g5, g6, g7,
             s0, s1, s2, s3, s4, s5, s6, s7):
    wid = lax.axis_index("s") * NC + lax.axis_index("c")
    base = wid * TPW
    baseb = wid * PPW

    pltpu.sync_copy(idxp_hbm.at[pl.ds(wid * (PPW * TP), PPW * TP)], idxp_v)
    pltpu.sync_copy(idx_hbm.at[pl.ds(base, TPW)], idx_v)
    pltpu.sync_copy(tgt_hbm.at[pl.ds(base, TPW)], tgt_v)
    pltpu.sync_copy(pt_hbm, p_v)

    @pl.loop(0, NVR)
    def _flat(i):
        off = pl.multiple_of(i * L, L)
        flat_v[pl.ds(off, L)] = idx_v[pl.ds(off, L)] * VOCAB + tgt_v[pl.ds(off, L)]

    for k in range(NSG):
        pltpu.async_copy(tflat_hbm.at[flat_v.at[pl.ds(k * SG, SG)]],
                         tl_v.at[pl.ds(k * SG, SG)], sem_t)
        pltpu.async_copy(lse_hbm.at[idx_v.at[pl.ds(k * SG, SG)]],
                         lse_v.at[pl.ds(k * SG, SG)], sem_l)
    for k in range(NSG):
        pltpu.make_async_copy(tflat_hbm.at[flat_v.at[pl.ds(k * SG, SG)]],
                              tl_v.at[pl.ds(k * SG, SG)], sem_t).wait()
        pltpu.make_async_copy(lse_hbm.at[idx_v.at[pl.ds(k * SG, SG)]],
                              lse_v.at[pl.ds(k * SG, SG)], sem_l).wait()

    @pl.loop(0, NVR, init_carry=jnp.zeros((L,), jnp.float32))
    def _nll(i, acc):
        off = pl.multiple_of(i * L, L)
        return acc + (lse_v[pl.ds(off, L)] - tl_v[pl.ds(off, L)])

    acc_v[...] = _nll
    pltpu.sync_copy(acc_v, part_hbm.at[wid])

    def _src(j):
        off = pl.multiple_of(j * 8, 8)
        return tab_hbm.at[idxp_v.at[pl.ds(off, 8)]]

    def _dst(j):
        p = p_v[pl.ds(pl.multiple_of(j * L, L), L)][0]
        rof = pl.multiple_of(j * 8 - p * TP, 8)
        return logits_hbm.at[baseb + p].at[pl.ds(rof, 8)]

    bufs = (a0, a1, a2, a3, a4, a5, a6, a7)
    gsem = (g0, g1, g2, g3, g4, g5, g6, g7)
    ssem = (s0, s1, s2, s3, s4, s5, s6, s7)

    for b in range(8):
        pltpu.async_copy(_src(b), bufs[b], gsem[b])

    @pl.loop(0, NG - 8, step=8)
    def _pipe(c):
        for b in range(8):
            j = c + b
            pltpu.make_async_copy(_src(j), bufs[b], gsem[b]).wait()
            pltpu.async_copy(bufs[b], _dst(j), ssem[b])
        for b in range(8):
            j = c + b
            pltpu.make_async_copy(bufs[b], _dst(j), ssem[b]).wait()
            pltpu.async_copy(_src(j + 8), bufs[b], gsem[b])

    for b in range(8):
        j = NG - 8 + b
        pltpu.make_async_copy(_src(j), bufs[b], gsem[b]).wait()
        pltpu.async_copy(bufs[b], _dst(j), ssem[b])
    for b in range(8):
        j = NG - 8 + b
        pltpu.make_async_copy(bufs[b], _dst(j), ssem[b]).wait()



@functools.partial(
    pl.kernel,
    out_type=[
        jax.ShapeDtypeStruct((B, T, DP), jnp.float32),
        jax.ShapeDtypeStruct((NW, L), jnp.float32),
    ],
    mesh=plsc.VectorSubcoreMesh(core_axis_name="c", subcore_axis_name="s",
                                num_cores=NC, num_subcores=NS),
    scratch_types=[
        pltpu.VMEM((PPW * TP,), jnp.int32),
        pltpu.VMEM((TPW,), jnp.int32),
        pltpu.VMEM((TPW,), jnp.int32),
        pltpu.VMEM((TPW,), jnp.int32),
        pltpu.VMEM((TPW,), jnp.float32),
        pltpu.VMEM((TPW,), jnp.float32),
        pltpu.VMEM((L,), jnp.float32),
        pltpu.VMEM((NG * L,), jnp.int32),
        pltpu.VMEM((8, DP), jnp.float32),
        pltpu.VMEM((8, DP), jnp.float32),
        pltpu.VMEM((8, DP), jnp.float32),
        pltpu.VMEM((8, DP), jnp.float32),
        pltpu.VMEM((8, DP), jnp.float32),
        pltpu.VMEM((8, DP), jnp.float32),
        pltpu.VMEM((8, DP), jnp.float32),
        pltpu.VMEM((8, DP), jnp.float32),
    ] + [pltpu.SemaphoreType.DMA] * 18,
)
def _sc_gather(tab_hbm, tflat_hbm, lse_hbm, idxp_hbm, idx_hbm, tgt_hbm,
               pt_hbm, logits_hbm, part_hbm, *scratch):
    _sc_body(tab_hbm, tflat_hbm, lse_hbm, idxp_hbm, idx_hbm, tgt_hbm, pt_hbm,
             logits_hbm, part_hbm, *scratch)


@jax.jit
def kernel(idx, targets, table):
    idx_f = idx.reshape(-1)
    tgt_f = targets.reshape(-1)
    idx_pad = jnp.pad(idx, ((0, 0), (0, TP - T))).reshape(-1)
    table_pad = jnp.pad(table, ((0, 0), (0, DP - VOCAB)))
    p_tab = jnp.repeat(jnp.arange(NG, dtype=jnp.int32) // GPP, L)
    row_lse = _row_lse(table).reshape(VOCAB)
    logits_pad, partials = _sc_gather(table_pad, table.reshape(-1), row_lse,
                                      idx_pad, idx_f, tgt_f, p_tab)
    logits = logits_pad[:, :, :VOCAB]
    loss = jnp.sum(partials) / N_TOK
    return (logits, loss)

# --- scband reference (transcript-rebuilt; emitter-appended) ---
"""Pipeline reference for scband-bigram-language-model-5609227288747 (READ-ONLY COPY).

The authoritative reference and input builder live on the scoring server;
editing this copy changes nothing except your own understanding.
"""

import jax, jax.numpy as jnp
import numpy as np

VOCAB = 1000
B = 1024
T = 50

def setup_inputs(seed: int = 0) -> dict:
    key = jax.random.key(seed)
    k1, k2, k3 = jax.random.split(key, 3)
    idx = jax.random.randint(k1, (B, T), 0, VOCAB, dtype=jnp.int64) if jax.config.jax_enable_x64 else jax.random.randint(k1, (B, T), 0, VOCAB, dtype=jnp.int32)
    targets = jax.random.randint(k2, (B, T), 0, VOCAB, dtype=jnp.int64) if jax.config.jax_enable_x64 else jax.random.randint(k2, (B, T), 0, VOCAB, dtype=jnp.int32)
    # learned parameter: bigram lookup table, nn.Embedding(vocab, vocab)
    table = jax.random.normal(k3, (VOCAB, VOCAB), dtype=jnp.float32)
    return {"idx": idx, "targets": targets, "table": table}

def reference(idx, targets, table):
    # logits = self.lookup(idx)  -> embedding gather
    logits = jnp.take(table, idx, axis=0)  # [B, T, VOCAB]
    b, t, c = logits.shape
    logits_ = logits.reshape(b * t, c)
    targets_ = targets.reshape(-1)
    # F.cross_entropy = mean over tokens of -log_softmax(logits)[target]
    logp = jax.nn.log_softmax(logits_, axis=-1)
    nll = -jnp.take_along_axis(logp, targets_[:, None], axis=1)[:, 0]
    loss = jnp.mean(nll)
    return (logits, loss)

if __name__ == "__main__":
    import jax
    _d = setup_inputs()
    print(jax.jit(kernel)(*tuple(_d.values())))

</pallas_src>

<mosaic_0001>
#map = affine_map<(d0, d1) -> (0, 0)>
#map1 = affine_map<(d0, d1) -> (0)>
#map2 = affine_map<(d0, d1) -> (0, 0, 0)>
module attributes {stable_mosaic.version = 14 : i64} {
  func.func @_sc_gather(%arg0: i32, %arg1: i32, %arg2: memref<1000x1024xf32, #tpu.memory_space<hbm>>, %arg3: memref<1000000xf32, #tpu.memory_space<hbm>>, %arg4: memref<1000xf32, #tpu.memory_space<hbm>>, %arg5: memref<57344xi32, #tpu.memory_space<hbm>>, %arg6: memref<51200xi32, #tpu.memory_space<hbm>>, %arg7: memref<51200xi32, #tpu.memory_space<hbm>>, %arg8: memref<3584xi32, #tpu.memory_space<hbm>>, %arg9: memref<1024x50x1024xf32, #tpu.memory_space<hbm>>, %arg10: memref<32x16xf32, #tpu.memory_space<hbm>>, %arg11: memref<1792xi32, #tpu.memory_space<vmem>>, %arg12: memref<1600xi32, #tpu.memory_space<vmem>>, %arg13: memref<1600xi32, #tpu.memory_space<vmem>>, %arg14: memref<1600xi32, #tpu.memory_space<vmem>>, %arg15: memref<1600xf32, #tpu.memory_space<vmem>>, %arg16: memref<1600xf32, #tpu.memory_space<vmem>>, %arg17: memref<16xf32, #tpu.memory_space<vmem>>, %arg18: memref<3584xi32, #tpu.memory_space<vmem>>, %arg19: memref<8x1024xf32, #tpu.memory_space<vmem>>, %arg20: memref<8x1024xf32, #tpu.memory_space<vmem>>, %arg21: memref<8x1024xf32, #tpu.memory_space<vmem>>, %arg22: memref<8x1024xf32, #tpu.memory_space<vmem>>, %arg23: memref<8x1024xf32, #tpu.memory_space<vmem>>, %arg24: memref<8x1024xf32, #tpu.memory_space<vmem>>, %arg25: memref<8x1024xf32, #tpu.memory_space<vmem>>, %arg26: memref<8x1024xf32, #tpu.memory_space<vmem>>, %arg27: memref<!tpu.dma_semaphore, #tpu.memory_space<semaphore_mem>>, %arg28: memref<!tpu.dma_semaphore, #tpu.memory_space<semaphore_mem>>, %arg29: memref<!tpu.dma_semaphore, #tpu.memory_space<semaphore_mem>>, %arg30: memref<!tpu.dma_semaphore, #tpu.memory_space<semaphore_mem>>, %arg31: memref<!tpu.dma_semaphore, #tpu.memory_space<semaphore_mem>>, %arg32: memref<!tpu.dma_semaphore, #tpu.memory_space<semaphore_mem>>, %arg33: memref<!tpu.dma_semaphore, #tpu.memory_space<semaphore_mem>>, %arg34: memref<!tpu.dma_semaphore, #tpu.memory_space<semaphore_mem>>, %arg35: memref<!tpu.dma_semaphore, #tpu.memory_space<semaphore_mem>>, %arg36: memref<!tpu.dma_semaphore, #tpu.memory_space<semaphore_mem>>, %arg37: memref<!tpu.dma_semaphore, #tpu.memory_space<semaphore_mem>>, %arg38: memref<!tpu.dma_semaphore, #tpu.memory_space<semaphore_mem>>, %arg39: memref<!tpu.dma_semaphore, #tpu.memory_space<semaphore_mem>>, %arg40: memref<!tpu.dma_semaphore, #tpu.memory_space<semaphore_mem>>, %arg41: memref<!tpu.dma_semaphore, #tpu.memory_space<semaphore_mem>>, %arg42: memref<!tpu.dma_semaphore, #tpu.memory_space<semaphore_mem>>, %arg43: memref<!tpu.dma_semaphore, #tpu.memory_space<semaphore_mem>>, %arg44: memref<!tpu.dma_semaphore, #tpu.memory_space<semaphore_mem>>) attributes {dimension_semantics = [#tpu.dimension_semantics<core_parallel>, #tpu.dimension_semantics<subcore_parallel>], iteration_bounds = array<i64: 2, 16>, scalar_prefetch = 0 : i64, scratch_operands = 34 : i64, tpu.core_type = #tpu.core_type<sc_vector_subcore>, window_params = [{transform_indices = #map}, {transform_indices = #map1}, {transform_indices = #map1}, {transform_indices = #map1}, {transform_indices = #map1}, {transform_indices = #map1}, {transform_indices = #map1}, {transform_indices = #map2}, {transform_indices = #map}]} {
    %mul3A = arith.constant 2 : i32
    %mul3A_0 = arith.muli %arg1, %mul3A : i32
    %add3A = arith.addi %mul3A_0, %arg0 : i32
    %mul3A_1 = arith.constant 1600 : i32
    %mul3A_2 = arith.muli %add3A, %mul3A_1 : i32
    %mul3A_3 = arith.constant 32 : i32
    %mul3A_4 = arith.muli %add3A, %mul3A_3 : i32
    %mul3A_5 = arith.constant 1792 : i32
    %mul3A_6 = arith.muli %add3A, %mul3A_5 : i32
    "tpu.region"() ({
      %run_scoped3A = tpu.sem_alloc : memref<!tpu.dma_semaphore, #tpu.memory_space<semaphore_mem>>
      %dma_start3A_995 = tpu.memref_slice %arg5[%mul3A_6] : memref<57344xi32, #tpu.memory_space<hbm>> -> memref<1792xi32, #tpu.memory_space<hbm>>
      %dma_start3A_996 = tpu.memref_slice %arg5[%mul3A_6] : memref<57344xi32, #tpu.memory_space<hbm>> -> memref<1792xi32, #tpu.memory_space<hbm>>
      tpu.enqueue_dma source(%dma_start3A_996 : memref<1792xi32, #tpu.memory_space<hbm>>) target(%arg11 : memref<1792xi32, #tpu.memory_space<vmem>>) target_semaphore(%run_scoped3A : memref<!tpu.dma_semaphore, #tpu.memory_space<semaphore_mem>>)
      %dma_wait3A_997 = tpu.memref_slice %arg5[%mul3A_6] : memref<57344xi32, #tpu.memory_space<hbm>> -> memref<1792xi32, #tpu.memory_space<hbm>>
      %dma_wait3A_998 = tpu.memref_slice %arg5[%mul3A_6] : memref<57344xi32, #tpu.memory_space<hbm>> -> memref<1792xi32, #tpu.memory_space<hbm>>
      tpu.wait_dma2 semaphore(%run_scoped3A : memref<!tpu.dma_semaphore, #tpu.memory_space<semaphore_mem>>) src(%dma_wait3A_998 : memref<1792xi32, #tpu.memory_space<hbm>>) dst(%arg11 : memref<1792xi32, #tpu.memory_space<vmem>>)
      tpu.yield
    }) : () -> ()
    "tpu.region"() ({
      %run_scoped3A = tpu.sem_alloc : memref<!tpu.dma_semaphore, #tpu.memory_space<semaphore_mem>>
      %dma_start3A_995 = tpu.memref_slice %arg6[%mul3A_2] : memref<51200xi32, #tpu.memory_space<hbm>> -> memref<1600xi32, #tpu.memory_space<hbm>>
      %dma_start3A_996 = tpu.memref_slice %arg6[%mul3A_2] : memref<51200xi32, #tpu.memory_space<hbm>> -> memref<1600xi32, #tpu.memory_space<hbm>>
      tpu.enqueue_dma source(%dma_start3A_996 : memref<1600xi32, #tpu.memory_space<hbm>>) target(%arg12 : memref<1600xi32, #tpu.memory_space<vmem>>) target_semaphore(%run_scoped3A : memref<!tpu.dma_semaphore, #tpu.memory_space<semaphore_mem>>)
      %dma_wait3A_997 = tpu.memref_slice %arg6[%mul3A_2] : memref<51200xi32, #tpu.memory_space<hbm>> -> memref<1600xi32, #tpu.memory_space<hbm>>
      %dma_wait3A_998 = tpu.memref_slice %arg6[%mul3A_2] : memref<51200xi32, #tpu.memory_space<hbm>> -> memref<1600xi32, #tpu.memory_space<hbm>>
      tpu.wait_dma2 semaphore(%run_scoped3A : memref<!tpu.dma_semaphore, #tpu.memory_space<semaphore_mem>>) src(%dma_wait3A_998 : memref<1600xi32, #tpu.memory_space<hbm>>) dst(%arg12 : memref<1600xi32, #tpu.memory_space<vmem>>)
      tpu.yield
    }) : () -> ()
    "tpu.region"() ({
      %run_scoped3A = tpu.sem_alloc : memref<!tpu.dma_semaphore, #tpu.memory_space<semaphore_mem>>
      %dma_start3A_995 = tpu.memref_slice %arg7[%mul3A_2] : memref<51200xi32, #tpu.memory_space<hbm>> -> memref<1600xi32, #tpu.memory_space<hbm>>
      %dma_start3A_996 = tpu.memref_slice %arg7[%mul3A_2] : memref<51200xi32, #tpu.memory_space<hbm>> -> memref<1600xi32, #tpu.memory_space<hbm>>
      tpu.enqueue_dma source(%dma_start3A_996 : memref<1600xi32, #tpu.memory_space<hbm>>) target(%arg13 : memref<1600xi32, #tpu.memory_space<vmem>>) target_semaphore(%run_scoped3A : memref<!tpu.dma_semaphore, #tpu.memory_space<semaphore_mem>>)
      %dma_wait3A_997 = tpu.memref_slice %arg7[%mul3A_2] : memref<51200xi32, #tpu.memory_space<hbm>> -> memref<1600xi32, #tpu.memory_space<hbm>>
      %dma_wait3A_998 = tpu.memref_slice %arg7[%mul3A_2] : memref<51200xi32, #tpu.memory_space<hbm>> -> memref<1600xi32, #tpu.memory_space<hbm>>
      tpu.wait_dma2 semaphore(%run_scoped3A : memref<!tpu.dma_semaphore, #tpu.memory_space<semaphore_mem>>) src(%dma_wait3A_998 : memref<1600xi32, #tpu.memory_space<hbm>>) dst(%arg13 : memref<1600xi32, #tpu.memory_space<vmem>>)
      tpu.yield
    }) : () -> ()
    "tpu.region"() ({
      %run_scoped3A = tpu.sem_alloc : memref<!tpu.dma_semaphore, #tpu.memory_space<semaphore_mem>>
      tpu.enqueue_dma source(%arg8 : memref<3584xi32, #tpu.memory_space<hbm>>) target(%arg18 : memref<3584xi32, #tpu.memory_space<vmem>>) target_semaphore(%run_scoped3A : memref<!tpu.dma_semaphore, #tpu.memory_space<semaphore_mem>>)
      tpu.wait_dma2 semaphore(%run_scoped3A : memref<!tpu.dma_semaphore, #tpu.memory_space<semaphore_mem>>) src(%arg8 : memref<3584xi32, #tpu.memory_space<hbm>>) dst(%arg18 : memref<3584xi32, #tpu.memory_space<vmem>>)
      tpu.yield
    }) : () -> ()
    %scan3A = arith.constant 0 : i32
    %scan3A_7 = arith.constant 100 : i32
    %scan3A_8 = arith.addi %scan3A, %scan3A_7 : i32
    %scan3A_9 = arith.constant 1 : i32
    scf.for %scan3A_995 = %scan3A to %scan3A_8 step %scan3A_9  : i32 {
      %mul3A_996 = arith.constant 1 : i32
      %mul3A_997 = arith.muli %scan3A_995, %mul3A_996 : i32
      %add3A_998 = arith.constant 0 : i32
      %add3A_999 = arith.addi %add3A_998, %mul3A_997 : i32
      %mul3A_1000 = arith.constant 16 : i32
      %mul3A_1001 = arith.muli %add3A_999, %mul3A_1000 : i32
      %multiple_of3A_1002 = tpu.assume_multiple %mul3A_1001, 16 : i32
      %get3A_1003 = arith.index_cast %multiple_of3A_1002 : i32 to index
      %get3A_1004 = tpu.vector_load %arg12[%get3A_1003] {strides = array<i32>} : memref<1600xi32, #tpu.memory_space<vmem>>, vector<16xi32>,
      %get3A_1005 = vector.shape_cast %get3A_1004 : vector<16xi32> to vector<16xi32>
      %mul3A_1006 = arith.constant 1000 : i32
      %mul3A_1007 = vector.broadcast %mul3A_1006 : i32 to vector<16xi32>
      %mul3A_1008 = arith.muli %get3A_1005, %mul3A_1007 : vector<16xi32>
      %get3A_1009 = arith.index_cast %multiple_of3A_1002 : i32 to index
      %get3A_1010 = tpu.vector_load %arg13[%get3A_1009] {strides = array<i32>} : memref<1600xi32, #tpu.memory_space<vmem>>, vector<16xi32>,
      %get3A_1011 = vector.shape_cast %get3A_1010 : vector<16xi32> to vector<16xi32>
      %add3A_1012 = arith.addi %mul3A_1008, %get3A_1011 : vector<16xi32>
      %swap3A_1013 = arith.index_cast %multiple_of3A_1002 : i32 to index
      %swap3A_1014 = tpu.vector_load %arg14[%swap3A_1013] {strides = array<i32>} : memref<1600xi32, #tpu.memory_space<vmem>>, vector<16xi32>,
      %swap3A_1015 = vector.shape_cast %swap3A_1014 : vector<16xi32> to vector<16xi32>
      %swap3A_1016 = vector.shape_cast %add3A_1012 : vector<16xi32> to vector<16xi32>
      tpu.vector_store %arg14[%swap3A_1013], %swap3A_1016 {strides = array<i32>} : memref<1600xi32, #tpu.memory_space<vmem>>, vector<16xi32>,
    }
    %scan3A_10 = arith.constant 100 : i32
    %dma_start3A = arith.constant 0 : i32
    %dma_start3A_11 = tpu.memref_slice %arg15[%dma_start3A] : memref<1600xf32, #tpu.memory_space<vmem>> -> memref<80xf32, #tpu.memory_space<vmem>>
    %dma_start3A_12 = arith.constant 0 : i32
    %dma_start3A_13 = tpu.memref_slice %arg14[%dma_start3A_12] : memref<1600xi32, #tpu.memory_space<vmem>> -> memref<80xi32, #tpu.memory_space<vmem>>
    %dma_start3A_14 = arith.constant 0 : i32
    %dma_start3A_15 = tpu.memref_slice %arg3[%dma_start3A_14] : memref<1000000xf32, #tpu.memory_space<hbm>> -> memref<1000000xf32, #tpu.memory_space<hbm>>
    tpu.enqueue_indirect_dma source(%dma_start3A_15 : memref<1000000xf32, #tpu.memory_space<hbm>>) target(%dma_start3A_11 : memref<80xf32, #tpu.memory_space<vmem>>) offsets(%dma_start3A_13 : memref<80xi32, #tpu.memory_space<vmem>>) semaphore(%arg27 : memref<!tpu.dma_semaphore, #tpu.memory_space<semaphore_mem>>)
    %dma_start3A_16 = arith.constant 0 : i32
    %dma_start3A_17 = tpu.memref_slice %arg16[%dma_start3A_16] : memref<1600xf32, #tpu.memory_space<vmem>> -> memref<80xf32, #tpu.memory_space<vmem>>
    %dma_start3A_18 = arith.constant 0 : i32
    %dma_start3A_19 = tpu.memref_slice %arg12[%dma_start3A_18] : memref<1600xi32, #tpu.memory_space<vmem>> -> memref<80xi32, #tpu.memory_space<vmem>>
    %dma_start3A_20 = arith.constant 0 : i32
    %dma_start3A_21 = tpu.memref_slice %arg4[%dma_start3A_20] : memref<1000xf32, #tpu.memory_space<hbm>> -> memref<1000xf32, #tpu.memory_space<hbm>>
    tpu.enqueue_indirect_dma source(%dma_start3A_21 : memref<1000xf32, #tpu.memory_space<hbm>>) target(%dma_start3A_17 : memref<80xf32, #tpu.memory_space<vmem>>) offsets(%dma_start3A_19 : memref<80xi32, #tpu.memory_space<vmem>>) semaphore(%arg28 : memref<!tpu.dma_semaphore, #tpu.memory_space<semaphore_mem>>)
    %dma_start3A_22 = arith.constant 80 : i32
    %dma_start3A_23 = tpu.memref_slice %arg15[%dma_start3A_22] : memref<1600xf32, #tpu.memory_space<vmem>> -> memref<80xf32, #tpu.memory_space<vmem>>
    %dma_start3A_24 = arith.constant 80 : i32
    %dma_start3A_25 = tpu.memref_slice %arg14[%dma_start3A_24] : memref<1600xi32, #tpu.memory_space<vmem>> -> memref<80xi32, #tpu.memory_space<vmem>>
    %dma_start3A_26 = arith.constant 0 : i32
    %dma_start3A_27 = tpu.memref_slice %arg3[%dma_start3A_26] : memref<1000000xf32, #tpu.memory_space<hbm>> -> memref<1000000xf32, #tpu.memory_space<hbm>>
    tpu.enqueue_indirect_dma source(%dma_start3A_27 : memref<1000000xf32, #tpu.memory_space<hbm>>) target(%dma_start3A_23 : memref<80xf32, #tpu.memory_space<vmem>>) offsets(%dma_start3A_25 : memref<80xi32, #tpu.memory_space<vmem>>) semaphore(%arg27 : memref<!tpu.dma_semaphore, #tpu.memory_space<semaphore_mem>>)
    %dma_start3A_28 = arith.constant 80 : i32
    %dma_start3A_29 = tpu.memref_slice %arg16[%dma_start3A_28] : memref<1600xf32, #tpu.memory_space<vmem>> -> memref<80xf32, #tpu.memory_space<vmem>>
    %dma_start3A_30 = arith.constant 80 : i32
    %dma_start3A_31 = tpu.memref_slice %arg12[%dma_start3A_30] : memref<1600xi32, #tpu.memory_space<vmem>> -> memref<80xi32, #tpu.memory_space<vmem>>
    %dma_start3A_32 = arith.constant 0 : i32
    %dma_start3A_33 = tpu.memref_slice %arg4[%dma_start3A_32] : memref<1000xf32, #tpu.memory_space<hbm>> -> memref<1000xf32, #tpu.memory_space<hbm>>
    tpu.enqueue_indirect_dma source(%dma_start3A_33 : memref<1000xf32, #tpu.memory_space<hbm>>) target(%dma_start3A_29 : memref<80xf32, #tpu.memory_space<vmem>>) offsets(%dma_start3A_31 : memref<80xi32, #tpu.memory_space<vmem>>) semaphore(%arg28 : memref<!tpu.dma_semaphore, #tpu.memory_space<semaphore_mem>>)
    %dma_start3A_34 = arith.constant 160 : i32
    %dma_start3A_35 = tpu.memref_slice %arg15[%dma_start3A_34] : memref<1600xf32, #tpu.memory_space<vmem>> -> memref<80xf32, #tpu.memory_space<vmem>>
    %dma_start3A_36 = arith.constant 160 : i32
    %dma_start3A_37 = tpu.memref_slice %arg14[%dma_start3A_36] : memref<1600xi32, #tpu.memory_space<vmem>> -> memref<80xi32, #tpu.memory_space<vmem>>
    %dma_start3A_38 = arith.constant 0 : i32
    %dma_start3A_39 = tpu.memref_slice %arg3[%dma_start3A_38] : memref<1000000xf32, #tpu.memory_space<hbm>> -> memref<1000000xf32, #tpu.memory_space<hbm>>
    tpu.enqueue_indirect_dma source(%dma_start3A_39 : memref<1000000xf32, #tpu.memory_space<hbm>>) target(%dma_start3A_35 : memref<80xf32, #tpu.memory_space<vmem>>) offsets(%dma_start3A_37 : memref<80xi32, #tpu.memory_space<vmem>>) semaphore(%arg27 : memref<!tpu.dma_semaphore, #tpu.memory_space<semaphore_mem>>)
    %dma_start3A_40 = arith.constant 160 : i32
    %dma_start3A_41 = tpu.memref_slice %arg16[%dma_start3A_40] : memref<1600xf32, #tpu.memory_space<vmem>> -> memref<80xf32, #tpu.memory_space<vmem>>
    %dma_start3A_42 = arith.constant 160 : i32
    %dma_start3A_43 = tpu.memref_slice %arg12[%dma_start3A_42] : memref<1600xi32, #tpu.memory_space<vmem>> -> memref<80xi32, #tpu.memory_space<vmem>>
    %dma_start3A_44 = arith.constant 0 : i32
    %dma_start3A_45 = tpu.memref_slice %arg4[%dma_start3A_44] : memref<1000xf32, #tpu.memory_space<hbm>> -> memref<1000xf32, #tpu.memory_space<hbm>>
    tpu.enqueue_indirect_dma source(%dma_start3A_45 : memref<1000xf32, #tpu.memory_space<hbm>>) target(%dma_start3A_41 : memref<80xf32, #tpu.memory_space<vmem>>) offsets(%dma_start3A_43 : memref<80xi32, #tpu.memory_space<vmem>>) semaphore(%arg28 : memref<!tpu.dma_semaphore, #tpu.memory_space<semaphore_mem>>)
    %dma_start3A_46 = arith.constant 240 : i32
    %dma_start3A_47 = tpu.memref_slice %arg15[%dma_start3A_46] : memref<1600xf32, #tpu.memory_space<vmem>> -> memref<80xf32, #tpu.memory_space<vmem>>
    %dma_start3A_48 = arith.constant 240 : i32
    %dma_start3A_49 = tpu.memref_slice %arg14[%dma_start3A_48] : memref<1600xi32, #tpu.memory_space<vmem>> -> memref<80xi32, #tpu.memory_space<vmem>>
    %dma_start3A_50 = arith.constant 0 : i32
    %dma_start3A_51 = tpu.memref_slice %arg3[%dma_start3A_50] : memref<1000000xf32, #tpu.memory_space<hbm>> -> memref<1000000xf32, #tpu.memory_space<hbm>>
    tpu.enqueue_indirect_dma source(%dma_start3A_51 : memref<1000000xf32, #tpu.memory_space<hbm>>) target(%dma_start3A_47 : memref<80xf32, #tpu.memory_space<vmem>>) offsets(%dma_start3A_49 : memref<80xi32, #tpu.memory_space<vmem>>) semaphore(%arg27 : memref<!tpu.dma_semaphore, #tpu.memory_space<semaphore_mem>>)
    %dma_start3A_52 = arith.constant 240 : i32
    %dma_start3A_53 = tpu.memref_slice %arg16[%dma_start3A_52] : memref<1600xf32, #tpu.memory_space<vmem>> -> memref<80xf32, #tpu.memory_space<vmem>>
    %dma_start3A_54 = arith.constant 240 : i32
    %dma_start3A_55 = tpu.memref_slice %arg12[%dma_start3A_54] : memref<1600xi32, #tpu.memory_space<vmem>> -> memref<80xi32, #tpu.memory_space<vmem>>
    %dma_start3A_56 = arith.constant 0 : i32
    %dma_start3A_57 = tpu.memref_slice %arg4[%dma_start3A_56] : memref<1000xf32, #tpu.memory_space<hbm>> -> memref<1000xf32, #tpu.memory_space<hbm>>
    tpu.enqueue_indirect_dma source(%dma_start3A_57 : memref<1000xf32, #tpu.memory_space<hbm>>) target(%dma_start3A_53 : memref<80xf32, #tpu.memory_space<vmem>>) offsets(%dma_start3A_55 : memref<80xi32, #tpu.memory_space<vmem>>) semaphore(%arg28 : memref<!tpu.dma_semaphore, #tpu.memory_space<semaphore_mem>>)
    %dma_start3A_58 = arith.constant 320 : i32
    %dma_start3A_59 = tpu.memref_slice %arg15[%dma_start3A_58] : memref<1600xf32, #tpu.memory_space<vmem>> -> memref<80xf32, #tpu.memory_space<vmem>>
    %dma_start3A_60 = arith.constant 320 : i32
    %dma_start3A_61 = tpu.memref_slice %arg14[%dma_start3A_60] : memref<1600xi32, #tpu.memory_space<vmem>> -> memref<80xi32, #tpu.memory_space<vmem>>
    %dma_start3A_62 = arith.constant 0 : i32
    %dma_start3A_63 = tpu.memref_slice %arg3[%dma_start3A_62] : memref<1000000xf32, #tpu.memory_space<hbm>> -> memref<1000000xf32, #tpu.memory_space<hbm>>
    tpu.enqueue_indirect_dma source(%dma_start3A_63 : memref<1000000xf32, #tpu.memory_space<hbm>>) target(%dma_start3A_59 : memref<80xf32, #tpu.memory_space<vmem>>) offsets(%dma_start3A_61 : memref<80xi32, #tpu.memory_space<vmem>>) semaphore(%arg27 : memref<!tpu.dma_semaphore, #tpu.memory_space<semaphore_mem>>)
    %dma_start3A_64 = arith.constant 320 : i32
    %dma_start3A_65 = tpu.memref_slice %arg16[%dma_start3A_64] : memref<1600xf32, #tpu.memory_space<vmem>> -> memref<80xf32, #tpu.memory_space<vmem>>
    %dma_start3A_66 = arith.constant 320 : i32
    %dma_start3A_67 = tpu.memref_slice %arg12[%dma_start3A_66] : memref<1600xi32, #tpu.memory_space<vmem>> -> memref<80xi32, #tpu.memory_space<vmem>>
    %dma_start3A_68 = arith.constant 0 : i32
    %dma_start3A_69 = tpu.memref_slice %arg4[%dma_start3A_68] : memref<1000xf32, #tpu.memory_space<hbm>> -> memref<1000xf32, #tpu.memory_space<hbm>>
    tpu.enqueue_indirect_dma source(%dma_start3A_69 : memref<1000xf32, #tpu.memory_space<hbm>>) target(%dma_start3A_65 : memref<80xf32, #tpu.memory_space<vmem>>) offsets(%dma_start3A_67 : memref<80xi32, #tpu.memory_space<vmem>>) semaphore(%arg28 : memref<!tpu.dma_semaphore, #tpu.memory_space<semaphore_mem>>)
    %dma_start3A_70 = arith.constant 400 : i32
    %dma_start3A_71 = tpu.memref_slice %arg15[%dma_start3A_70] : memref<1600xf32, #tpu.memory_space<vmem>> -> memref<80xf32, #tpu.memory_space<vmem>>
    %dma_start3A_72 = arith.constant 400 : i32
    %dma_start3A_73 = tpu.memref_slice %arg14[%dma_start3A_72] : memref<1600xi32, #tpu.memory_space<vmem>> -> memref<80xi32, #tpu.memory_space<vmem>>
    %dma_start3A_74 = arith.constant 0 : i32
    %dma_start3A_75 = tpu.memref_slice %arg3[%dma_start3A_74] : memref<1000000xf32, #tpu.memory_space<hbm>> -> memref<1000000xf32, #tpu.memory_space<hbm>>
    tpu.enqueue_indirect_dma source(%dma_start3A_75 : memref<1000000xf32, #tpu.memory_space<hbm>>) target(%dma_start3A_71 : memref<80xf32, #tpu.memory_space<vmem>>) offsets(%dma_start3A_73 : memref<80xi32, #tpu.memory_space<vmem>>) semaphore(%arg27 : memref<!tpu.dma_semaphore, #tpu.memory_space<semaphore_mem>>)
    %dma_start3A_76 = arith.constant 400 : i32
    %dma_start3A_77 = tpu.memref_slice %arg16[%dma_start3A_76] : memref<1600xf32, #tpu.memory_space<vmem>> -> memref<80xf32, #tpu.memory_space<vmem>>
    %dma_start3A_78 = arith.constant 400 : i32
    %dma_start3A_79 = tpu.memref_slice %arg12[%dma_start3A_78] : memref<1600xi32, #tpu.memory_space<vmem>> -> memref<80xi32, #tpu.memory_space<vmem>>
    %dma_start3A_80 = arith.constant 0 : i32
    %dma_start3A_81 = tpu.memref_slice %arg4[%dma_start3A_80] : memref<1000xf32, #tpu.memory_space<hbm>> -> memref<1000xf32, #tpu.memory_space<hbm>>
    tpu.enqueue_indirect_dma source(%dma_start3A_81 : memref<1000xf32, #tpu.memory_space<hbm>>) target(%dma_start3A_77 : memref<80xf32, #tpu.memory_space<vmem>>) offsets(%dma_start3A_79 : memref<80xi32, #tpu.memory_space<vmem>>) semaphore(%arg28 : memref<!tpu.dma_semaphore, #tpu.memory_space<semaphore_mem>>)
    %dma_start3A_82 = arith.constant 480 : i32
    %dma_start3A_83 = tpu.memref_slice %arg15[%dma_start3A_82] : memref<1600xf32, #tpu.memory_space<vmem>> -> memref<80xf32, #tpu.memory_space<vmem>>
    %dma_start3A_84 = arith.constant 480 : i32
    %dma_start3A_85 = tpu.memref_slice %arg14[%dma_start3A_84] : memref<1600xi32, #tpu.memory_space<vmem>> -> memref<80xi32, #tpu.memory_space<vmem>>
    %dma_start3A_86 = arith.constant 0 : i32
    %dma_start3A_87 = tpu.memref_slice %arg3[%dma_start3A_86] : memref<1000000xf32, #tpu.memory_space<hbm>> -> memref<1000000xf32, #tpu.memory_space<hbm>>
    tpu.enqueue_indirect_dma source(%dma_start3A_87 : memref<1000000xf32, #tpu.memory_space<hbm>>) target(%dma_start3A_83 : memref<80xf32, #tpu.memory_space<vmem>>) offsets(%dma_start3A_85 : memref<80xi32, #tpu.memory_space<vmem>>) semaphore(%arg27 : memref<!tpu.dma_semaphore, #tpu.memory_space<semaphore_mem>>)
    %dma_start3A_88 = arith.constant 480 : i32
    %dma_start3A_89 = tpu.memref_slice %arg16[%dma_start3A_88] : memref<1600xf32, #tpu.memory_space<vmem>> -> memref<80xf32, #tpu.memory_space<vmem>>
    %dma_start3A_90 = arith.constant 480 : i32
    %dma_start3A_91 = tpu.memref_slice %arg12[%dma_start3A_90] : memref<1600xi32, #tpu.memory_space<vmem>> -> memref<80xi32, #tpu.memory_space<vmem>>
    %dma_start3A_92 = arith.constant 0 : i32
    %dma_start3A_93 = tpu.memref_slice %arg4[%dma_start3A_92] : memref<1000xf32, #tpu.memory_space<hbm>> -> memref<1000xf32, #tpu.memory_space<hbm>>
    tpu.enqueue_indirect_dma source(%dma_start3A_93 : memref<1000xf32, #tpu.memory_space<hbm>>) target(%dma_start3A_89 : memref<80xf32, #tpu.memory_space<vmem>>) offsets(%dma_start3A_91 : memref<80xi32, #tpu.memory_space<vmem>>) semaphore(%arg28 : memref<!tpu.dma_semaphore, #tpu.memory_space<semaphore_mem>>)
    %dma_start3A_94 = arith.constant 560 : i32
    %dma_start3A_95 = tpu.memref_slice %arg15[%dma_start3A_94] : memref<1600xf32, #tpu.memory_space<vmem>> -> memref<80xf32, #tpu.memory_space<vmem>>
    %dma_start3A_96 = arith.constant 560 : i32
    %dma_start3A_97 = tpu.memref_slice %arg14[%dma_start3A_96] : memref<1600xi32, #tpu.memory_space<vmem>> -> memref<80xi32, #tpu.memory_space<vmem>>
    %dma_start3A_98 = arith.constant 0 : i32
    %dma_start3A_99 = tpu.memref_slice %arg3[%dma_start3A_98] : memref<1000000xf32, #tpu.memory_space<hbm>> -> memref<1000000xf32, #tpu.memory_space<hbm>>
    tpu.enqueue_indirect_dma source(%dma_start3A_99 : memref<1000000xf32, #tpu.memory_space<hbm>>) target(%dma_start3A_95 : memref<80xf32, #tpu.memory_space<vmem>>) offsets(%dma_start3A_97 : memref<80xi32, #tpu.memory_space<vmem>>) semaphore(%arg27 : memref<!tpu.dma_semaphore, #tpu.memory_space<semaphore_mem>>)
    %dma_start3A_100 = arith.constant 560 : i32
    %dma_start3A_101 = tpu.memref_slice %arg16[%dma_start3A_100] : memref<1600xf32, #tpu.memory_space<vmem>> -> memref<80xf32, #tpu.memory_space<vmem>>
    %dma_start3A_102 = arith.constant 560 : i32
    %dma_start3A_103 = tpu.memref_slice %arg12[%dma_start3A_102] : memref<1600xi32, #tpu.memory_space<vmem>> -> memref<80xi32, #tpu.memory_space<vmem>>
    %dma_start3A_104 = arith.constant 0 : i32
    %dma_start3A_105 = tpu.memref_slice %arg4[%dma_start3A_104] : memref<1000xf32, #tpu.memory_space<hbm>> -> memref<1000xf32, #tpu.memory_space<hbm>>
    tpu.enqueue_indirect_dma source(%dma_start3A_105 : memref<1000xf32, #tpu.memory_space<hbm>>) target(%dma_start3A_101 : memref<80xf32, #tpu.memory_space<vmem>>) offsets(%dma_start3A_103 : memref<80xi32, #tpu.memory_space<vmem>>) semaphore(%arg28 : memref<!tpu.dma_semaphore, #tpu.memory_space<semaphore_mem>>)
    %dma_start3A_106 = arith.constant 640 : i32
    %dma_start3A_107 = tpu.memref_slice %arg15[%dma_start3A_106] : memref<1600xf32, #tpu.memory_space<vmem>> -> memref<80xf32, #tpu.memory_space<vmem>>
    %dma_start3A_108 = arith.constant 640 : i32
    %dma_start3A_109 = tpu.memref_slice %arg14[%dma_start3A_108] : memref<1600xi32, #tpu.memory_space<vmem>> -> memref<80xi32, #tpu.memory_space<vmem>>
    %dma_start3A_110 = arith.constant 0 : i32
    %dma_start3A_111 = tpu.memref_slice %arg3[%dma_start3A_110] : memref<1000000xf32, #tpu.memory_space<hbm>> -> memref<1000000xf32, #tpu.memory_space<hbm>>
    tpu.enqueue_indirect_dma source(%dma_start3A_111 : memref<1000000xf32, #tpu.memory_space<hbm>>) target(%dma_start3A_107 : memref<80xf32, #tpu.memory_space<vmem>>) offsets(%dma_start3A_109 : memref<80xi32, #tpu.memory_space<vmem>>) semaphore(%arg27 : memref<!tpu.dma_semaphore, #tpu.memory_space<semaphore_mem>>)
    %dma_start3A_112 = arith.constant 640 : i32
    %dma_start3A_113 = tpu.memref_slice %arg16[%dma_start3A_112] : memref<1600xf32, #tpu.memory_space<vmem>> -> memref<80xf32, #tpu.memory_space<vmem>>
    %dma_start3A_114 = arith.constant 640 : i32
    %dma_start3A_115 = tpu.memref_slice %arg12[%dma_start3A_114] : memref<1600xi32, #tpu.memory_space<vmem>> -> memref<80xi32, #tpu.memory_space<vmem>>
    %dma_start3A_116 = arith.constant 0 : i32
    %dma_start3A_117 = tpu.memref_slice %arg4[%dma_start3A_116] : memref<1000xf32, #tpu.memory_space<hbm>> -> memref<1000xf32, #tpu.memory_space<hbm>>
    tpu.enqueue_indirect_dma source(%dma_start3A_117 : memref<1000xf32, #tpu.memory_space<hbm>>) target(%dma_start3A_113 : memref<80xf32, #tpu.memory_space<vmem>>) offsets(%dma_start3A_115 : memref<80xi32, #tpu.memory_space<vmem>>) semaphore(%arg28 : memref<!tpu.dma_semaphore, #tpu.memory_space<semaphore_mem>>)
    %dma_start3A_118 = arith.constant 720 : i32
    %dma_start3A_119 = tpu.memref_slice %arg15[%dma_start3A_118] : memref<1600xf32, #tpu.memory_space<vmem>> -> memref<80xf32, #tpu.memory_space<vmem>>
    %dma_start3A_120 = arith.constant 720 : i32
    %dma_start3A_121 = tpu.memref_slice %arg14[%dma_start3A_120] : memref<1600xi32, #tpu.memory_space<vmem>> -> memref<80xi32, #tpu.memory_space<vmem>>
    %dma_start3A_122 = arith.constant 0 : i32
    %dma_start3A_123 = tpu.memref_slice %arg3[%dma_start3A_122] : memref<1000000xf32, #tpu.memory_space<hbm>> -> memref<1000000xf32, #tpu.memory_space<hbm>>
    tpu.enqueue_indirect_dma source(%dma_start3A_123 : memref<1000000xf32, #tpu.memory_space<hbm>>) target(%dma_start3A_119 : memref<80xf32, #tpu.memory_space<vmem>>) offsets(%dma_start3A_121 : memref<80xi32, #tpu.memory_space<vmem>>) semaphore(%arg27 : memref<!tpu.dma_semaphore, #tpu.memory_space<semaphore_mem>>)
    %dma_start3A_124 = arith.constant 720 : i32
    %dma_start3A_125 = tpu.memref_slice %arg16[%dma_start3A_124] : memref<1600xf32, #tpu.memory_space<vmem>> -> memref<80xf32, #tpu.memory_space<vmem>>
    %dma_start3A_126 = arith.constant 720 : i32
    %dma_start3A_127 = tpu.memref_slice %arg12[%dma_start3A_126] : memref<1600xi32, #tpu.memory_space<vmem>> -> memref<80xi32, #tpu.memory_space<vmem>>
    %dma_start3A_128 = arith.constant 0 : i32
    %dma_start3A_129 = tpu.memref_slice %arg4[%dma_start3A_128] : memref<1000xf32, #tpu.memory_space<hbm>> -> memref<1000xf32, #tpu.memory_space<hbm>>
    tpu.enqueue_indirect_dma source(%dma_start3A_129 : memref<1000xf32, #tpu.memory_space<hbm>>) target(%dma_start3A_125 : memref<80xf32, #tpu.memory_space<vmem>>) offsets(%dma_start3A_127 : memref<80xi32, #tpu.memory_space<vmem>>) semaphore(%arg28 : memref<!tpu.dma_semaphore, #tpu.memory_space<semaphore_mem>>)
    %dma_start3A_130 = arith.constant 800 : i32
    %dma_start3A_131 = tpu.memref_slice %arg15[%dma_start3A_130] : memref<1600xf32, #tpu.memory_space<vmem>> -> memref<80xf32, #tpu.memory_space<vmem>>
    %dma_start3A_132 = arith.constant 800 : i32
    %dma_start3A_133 = tpu.memref_slice %arg14[%dma_start3A_132] : memref<1600xi32, #tpu.memory_space<vmem>> -> memref<80xi32, #tpu.memory_space<vmem>>
    %dma_start3A_134 = arith.constant 0 : i32
    %dma_start3A_135 = tpu.memref_slice %arg3[%dma_start3A_134] : memref<1000000xf32, #tpu.memory_space<hbm>> -> memref<1000000xf32, #tpu.memory_space<hbm>>
    tpu.enqueue_indirect_dma source(%dma_start3A_135 : memref<1000000xf32, #tpu.memory_space<hbm>>) target(%dma_start3A_131 : memref<80xf32, #tpu.memory_space<vmem>>) offsets(%dma_start3A_133 : memref<80xi32, #tpu.memory_space<vmem>>) semaphore(%arg27 : memref<!tpu.dma_semaphore, #tpu.memory_space<semaphore_mem>>)
    %dma_start3A_136 = arith.constant 800 : i32
    %dma_start3A_137 = tpu.memref_slice %arg16[%dma_start3A_136] : memref<1600xf32, #tpu.memory_space<vmem>> -> memref<80xf32, #tpu.memory_space<vmem>>
    %dma_start3A_138 = arith.constant 800 : i32
    %dma_start3A_139 = tpu.memref_slice %arg12[%dma_start3A_138] : memref<1600xi32, #tpu.memory_space<vmem>> -> memref<80xi32, #tpu.memory_space<vmem>>
    %dma_start3A_140 = arith.constant 0 : i32
    %dma_start3A_141 = tpu.memref_slice %arg4[%dma_start3A_140] : memref<1000xf32, #tpu.memory_space<hbm>> -> memref<1000xf32, #tpu.memory_space<hbm>>
    tpu.enqueue_indirect_dma source(%dma_start3A_141 : memref<1000xf32, #tpu.memory_space<hbm>>) target(%dma_start3A_137 : memref<80xf32, #tpu.memory_space<vmem>>) offsets(%dma_start3A_139 : memref<80xi32, #tpu.memory_space<vmem>>) semaphore(%arg28 : memref<!tpu.dma_semaphore, #tpu.memory_space<semaphore_mem>>)
    %dma_start3A_142 = arith.constant 880 : i32
    %dma_start3A_143 = tpu.memref_slice %arg15[%dma_start3A_142] : memref<1600xf32, #tpu.memory_space<vmem>> -> memref<80xf32, #tpu.memory_space<vmem>>
    %dma_start3A_144 = arith.constant 880 : i32
    %dma_start3A_145 = tpu.memref_slice %arg14[%dma_start3A_144] : memref<1600xi32, #tpu.memory_space<vmem>> -> memref<80xi32, #tpu.memory_space<vmem>>
    %dma_start3A_146 = arith.constant 0 : i32
    %dma_start3A_147 = tpu.memref_slice %arg3[%dma_start3A_146] : memref<1000000xf32, #tpu.memory_space<hbm>> -> memref<1000000xf32, #tpu.memory_space<hbm>>
    tpu.enqueue_indirect_dma source(%dma_start3A_147 : memref<1000000xf32, #tpu.memory_space<hbm>>) target(%dma_start3A_143 : memref<80xf32, #tpu.memory_space<vmem>>) offsets(%dma_start3A_145 : memref<80xi32, #tpu.memory_space<vmem>>) semaphore(%arg27 : memref<!tpu.dma_semaphore, #tpu.memory_space<semaphore_mem>>)
    %dma_start3A_148 = arith.constant 880 : i32
    %dma_start3A_149 = tpu.memref_slice %arg16[%dma_start3A_148] : memref<1600xf32, #tpu.memory_space<vmem>> -> memref<80xf32, #tpu.memory_space<vmem>>
    %dma_start3A_150 = arith.constant 880 : i32
    %dma_start3A_151 = tpu.memref_slice %arg12[%dma_start3A_150] : memref<1600xi32, #tpu.memory_space<vmem>> -> memref<80xi32, #tpu.memory_space<vmem>>
    %dma_start3A_152 = arith.constant 0 : i32
    %dma_start3A_153 = tpu.memref_slice %arg4[%dma_start3A_152] : memref<1000xf32, #tpu.memory_space<hbm>> -> memref<1000xf32, #tpu.memory_space<hbm>>
    tpu.enqueue_indirect_dma source(%dma_start3A_153 : memref<1000xf32, #tpu.memory_space<hbm>>) target(%dma_start3A_149 : memref<80xf32, #tpu.memory_space<vmem>>) offsets(%dma_start3A_151 : memref<80xi32, #tpu.memory_space<vmem>>) semaphore(%arg28 : memref<!tpu.dma_semaphore, #tpu.memory_space<semaphore_mem>>)
    %dma_start3A_154 = arith.constant 960 : i32
    %dma_start3A_155 = tpu.memref_slice %arg15[%dma_start3A_154] : memref<1600xf32, #tpu.memory_space<vmem>> -> memref<80xf32, #tpu.memory_space<vmem>>
    %dma_start3A_156 = arith.constant 960 : i32
    %dma_start3A_157 = tpu.memref_slice %arg14[%dma_start3A_156] : memref<1600xi32, #tpu.memory_space<vmem>> -> memref<80xi32, #tpu.memory_space<vmem>>
    %dma_start3A_158 = arith.constant 0 : i32
    %dma_start3A_159 = tpu.memref_slice %arg3[%dma_start3A_158] : memref<1000000xf32, #tpu.memory_space<hbm>> -> memref<1000000xf32, #tpu.memory_space<hbm>>
    tpu.enqueue_indirect_dma source(%dma_start3A_159 : memref<1000000xf32, #tpu.memory_space<hbm>>) target(%dma_start3A_155 : memref<80xf32, #tpu.memory_space<vmem>>) offsets(%dma_start3A_157 : memref<80xi32, #tpu.memory_space<vmem>>) semaphore(%arg27 : memref<!tpu.dma_semaphore, #tpu.memory_space<semaphore_mem>>)
    %dma_start3A_160 = arith.constant 960 : i32
    %dma_start3A_161 = tpu.memref_slice %arg16[%dma_start3A_160] : memref<1600xf32, #tpu.memory_space<vmem>> -> memref<80xf32, #tpu.memory_space<vmem>>
    %dma_start3A_162 = arith.constant 960 : i32
    %dma_start3A_163 = tpu.memref_slice %arg12[%dma_start3A_162] : memref<1600xi32, #tpu.memory_space<vmem>> -> memref<80xi32, #tpu.memory_space<vmem>>
    %dma_start3A_164 = arith.constant 0 : i32
    %dma_start3A_165 = tpu.memref_slice %arg4[%dma_start3A_164] : memref<1000xf32, #tpu.memory_space<hbm>> -> memref<1000xf32, #tpu.memory_space<hbm>>
    tpu.enqueue_indirect_dma source(%dma_start3A_165 : memref<1000xf32, #tpu.memory_space<hbm>>) target(%dma_start3A_161 : memref<80xf32, #tpu.memory_space<vmem>>) offsets(%dma_start3A_163 : memref<80xi32, #tpu.memory_space<vmem>>) semaphore(%arg28 : memref<!tpu.dma_semaphore, #tpu.memory_space<semaphore_mem>>)
    %dma_start3A_166 = arith.constant 1040 : i32
    %dma_start3A_167 = tpu.memref_slice %arg15[%dma_start3A_166] : memref<1600xf32, #tpu.memory_space<vmem>> -> memref<80xf32, #tpu.memory_space<vmem>>
    %dma_start3A_168 = arith.constant 1040 : i32
    %dma_start3A_169 = tpu.memref_slice %arg14[%dma_start3A_168] : memref<1600xi32, #tpu.memory_space<vmem>> -> memref<80xi32, #tpu.memory_space<vmem>>
    %dma_start3A_170 = arith.constant 0 : i32
    %dma_start3A_171 = tpu.memref_slice %arg3[%dma_start3A_170] : memref<1000000xf32, #tpu.memory_space<hbm>> -> memref<1000000xf32, #tpu.memory_space<hbm>>
    tpu.enqueue_indirect_dma source(%dma_start3A_171 : memref<1000000xf32, #tpu.memory_space<hbm>>) target(%dma_start3A_167 : memref<80xf32, #tpu.memory_space<vmem>>) offsets(%dma_start3A_169 : memref<80xi32, #tpu.memory_space<vmem>>) semaphore(%arg27 : memref<!tpu.dma_semaphore, #tpu.memory_space<semaphore_mem>>)
    %dma_start3A_172 = arith.constant 1040 : i32
    %dma_start3A_173 = tpu.memref_slice %arg16[%dma_start3A_172] : memref<1600xf32, #tpu.memory_space<vmem>> -> memref<80xf32, #tpu.memory_space<vmem>>
    %dma_start3A_174 = arith.constant 1040 : i32
    %dma_start3A_175 = tpu.memref_slice %arg12[%dma_start3A_174] : memref<1600xi32, #tpu.memory_space<vmem>> -> memref<80xi32, #tpu.memory_space<vmem>>
    %dma_start3A_176 = arith.constant 0 : i32
    %dma_start3A_177 = tpu.memref_slice %arg4[%dma_start3A_176] : memref<1000xf32, #tpu.memory_space<hbm>> -> memref<1000xf32, #tpu.memory_space<hbm>>
    tpu.enqueue_indirect_dma source(%dma_start3A_177 : memref<1000xf32, #tpu.memory_space<hbm>>) target(%dma_start3A_173 : memref<80xf32, #tpu.memory_space<vmem>>) offsets(%dma_start3A_175 : memref<80xi32, #tpu.memory_space<vmem>>) semaphore(%arg28 : memref<!tpu.dma_semaphore, #tpu.memory_space<semaphore_mem>>)
    %dma_start3A_178 = arith.constant 1120 : i32
    %dma_start3A_179 = tpu.memref_slice %arg15[%dma_start3A_178] : memref<1600xf32, #tpu.memory_space<vmem>> -> memref<80xf32, #tpu.memory_space<vmem>>
    %dma_start3A_180 = arith.constant 1120 : i32
    %dma_start3A_181 = tpu.memref_slice %arg14[%dma_start3A_180] : memref<1600xi32, #tpu.memory_space<vmem>> -> memref<80xi32, #tpu.memory_space<vmem>>
    %dma_start3A_182 = arith.constant 0 : i32
    %dma_start3A_183 = tpu.memref_slice %arg3[%dma_start3A_182] : memref<1000000xf32, #tpu.memory_space<hbm>> -> memref<1000000xf32, #tpu.memory_space<hbm>>
    tpu.enqueue_indirect_dma source(%dma_start3A_183 : memref<1000000xf32, #tpu.memory_space<hbm>>) target(%dma_start3A_179 : memref<80xf32, #tpu.memory_space<vmem>>) offsets(%dma_start3A_181 : memref<80xi32, #tpu.memory_space<vmem>>) semaphore(%arg27 : memref<!tpu.dma_semaphore, #tpu.memory_space<semaphore_mem>>)
    %dma_start3A_184 = arith.constant 1120 : i32
    %dma_start3A_185 = tpu.memref_slice %arg16[%dma_start3A_184] : memref<1600xf32, #tpu.memory_space<vmem>> -> memref<80xf32, #tpu.memory_space<vmem>>
    %dma_start3A_186 = arith.constant 1120 : i32
    %dma_start3A_187 = tpu.memref_slice %arg12[%dma_start3A_186] : memref<1600xi32, #tpu.memory_space<vmem>> -> memref<80xi32, #tpu.memory_space<vmem>>
    %dma_start3A_188 = arith.constant 0 : i32
    %dma_start3A_189 = tpu.memref_slice %arg4[%dma_start3A_188] : memref<1000xf32, #tpu.memory_space<hbm>> -> memref<1000xf32, #tpu.memory_space<hbm>>
    tpu.enqueue_indirect_dma source(%dma_start3A_189 : memref<1000xf32, #tpu.memory_space<hbm>>) target(%dma_start3A_185 : memref<80xf32, #tpu.memory_space<vmem>>) offsets(%dma_start3A_187 : memref<80xi32, #tpu.memory_space<vmem>>) semaphore(%arg28 : memref<!tpu.dma_semaphore, #tpu.memory_space<semaphore_mem>>)
    %dma_start3A_190 = arith.constant 1200 : i32
    %dma_start3A_191 = tpu.memref_slice %arg15[%dma_start3A_190] : memref<1600xf32, #tpu.memory_space<vmem>> -> memref<80xf32, #tpu.memory_space<vmem>>
    %dma_start3A_192 = arith.constant 1200 : i32
    %dma_start3A_193 = tpu.memref_slice %arg14[%dma_start3A_192] : memref<1600xi32, #tpu.memory_space<vmem>> -> memref<80xi32, #tpu.memory_space<vmem>>
    %dma_start3A_194 = arith.constant 0 : i32
    %dma_start3A_195 = tpu.memref_slice %arg3[%dma_start3A_194] : memref<1000000xf32, #tpu.memory_space<hbm>> -> memref<1000000xf32, #tpu.memory_space<hbm>>
    tpu.enqueue_indirect_dma source(%dma_start3A_195 : memref<1000000xf32, #tpu.memory_space<hbm>>) target(%dma_start3A_191 : memref<80xf32, #tpu.memory_space<vmem>>) offsets(%dma_start3A_193 : memref<80xi32, #tpu.memory_space<vmem>>) semaphore(%arg27 : memref<!tpu.dma_semaphore, #tpu.memory_space<semaphore_mem>>)
    %dma_start3A_196 = arith.constant 1200 : i32
    %dma_start3A_197 = tpu.memref_slice %arg16[%dma_start3A_196] : memref<1600xf32, #tpu.memory_space<vmem>> -> memref<80xf32, #tpu.memory_space<vmem>>
    %dma_start3A_198 = arith.constant 1200 : i32
    %dma_start3A_199 = tpu.memref_slice %arg12[%dma_start3A_198] : memref<1600xi32, #tpu.memory_space<vmem>> -> memref<80xi32, #tpu.memory_space<vmem>>
    %dma_start3A_200 = arith.constant 0 : i32
    %dma_start3A_201 = tpu.memref_slice %arg4[%dma_start3A_200] : memref<1000xf32, #tpu.memory_space<hbm>> -> memref<1000xf32, #tpu.memory_space<hbm>>
    tpu.enqueue_indirect_dma source(%dma_start3A_201 : memref<1000xf32, #tpu.memory_space<hbm>>) target(%dma_start3A_197 : memref<80xf32, #tpu.memory_space<vmem>>) offsets(%dma_start3A_199 : memref<80xi32, #tpu.memory_space<vmem>>) semaphore(%arg28 : memref<!tpu.dma_semaphore, #tpu.memory_space<semaphore_mem>>)
    %dma_start3A_202 = arith.constant 1280 : i32
    %dma_start3A_203 = tpu.memref_slice %arg15[%dma_start3A_202] : memref<1600xf32, #tpu.memory_space<vmem>> -> memref<80xf32, #tpu.memory_space<vmem>>
    %dma_start3A_204 = arith.constant 1280 : i32
    %dma_start3A_205 = tpu.memref_slice %arg14[%dma_start3A_204] : memref<1600xi32, #tpu.memory_space<vmem>> -> memref<80xi32, #tpu.memory_space<vmem>>
    %dma_start3A_206 = arith.constant 0 : i32
    %dma_start3A_207 = tpu.memref_slice %arg3[%dma_start3A_206] : memref<1000000xf32, #tpu.memory_space<hbm>> -> memref<1000000xf32, #tpu.memory_space<hbm>>
    tpu.enqueue_indirect_dma source(%dma_start3A_207 : memref<1000000xf32, #tpu.memory_space<hbm>>) target(%dma_start3A_203 : memref<80xf32, #tpu.memory_space<vmem>>) offsets(%dma_start3A_205 : memref<80xi32, #tpu.memory_space<vmem>>) semaphore(%arg27 : memref<!tpu.dma_semaphore, #tpu.memory_space<semaphore_mem>>)
    %dma_start3A_208 = arith.constant 1280 : i32
    %dma_start3A_209 = tpu.memref_slice %arg16[%dma_start3A_208] : memref<1600xf32, #tpu.memory_space<vmem>> -> memref<80xf32, #tpu.memory_space<vmem>>
    %dma_start3A_210 = arith.constant 1280 : i32
    %dma_start3A_211 = tpu.memref_slice %arg12[%dma_start3A_210] : memref<1600xi32, #tpu.memory_space<vmem>> -> memref<80xi32, #tpu.memory_space<vmem>>
    %dma_start3A_212 = arith.constant 0 : i32
    %dma_start3A_213 = tpu.memref_slice %arg4[%dma_start3A_212] : memref<1000xf32, #tpu.memory_space<hbm>> -> memref<1000xf32, #tpu.memory_space<hbm>>
    tpu.enqueue_indirect_dma source(%dma_start3A_213 : memref<1000xf32, #tpu.memory_space<hbm>>) target(%dma_start3A_209 : memref<80xf32, #tpu.memory_space<vmem>>) offsets(%dma_start3A_211 : memref<80xi32, #tpu.memory_space<vmem>>) semaphore(%arg28 : memref<!tpu.dma_semaphore, #tpu.memory_space<semaphore_mem>>)
    %dma_start3A_214 = arith.constant 1360 : i32
    %dma_start3A_215 = tpu.memref_slice %arg15[%dma_start3A_214] : memref<1600xf32, #tpu.memory_space<vmem>> -> memref<80xf32, #tpu.memory_space<vmem>>
    %dma_start3A_216 = arith.constant 1360 : i32
    %dma_start3A_217 = tpu.memref_slice %arg14[%dma_start3A_216] : memref<1600xi32, #tpu.memory_space<vmem>> -> memref<80xi32, #tpu.memory_space<vmem>>
    %dma_start3A_218 = arith.constant 0 : i32
    %dma_start3A_219 = tpu.memref_slice %arg3[%dma_start3A_218] : memref<1000000xf32, #tpu.memory_space<hbm>> -> memref<1000000xf32, #tpu.memory_space<hbm>>
    tpu.enqueue_indirect_dma source(%dma_start3A_219 : memref<1000000xf32, #tpu.memory_space<hbm>>) target(%dma_start3A_215 : memref<80xf32, #tpu.memory_space<vmem>>) offsets(%dma_start3A_217 : memref<80xi32, #tpu.memory_space<vmem>>) semaphore(%arg27 : memref<!tpu.dma_semaphore, #tpu.memory_space<semaphore_mem>>)
    %dma_start3A_220 = arith.constant 1360 : i32
    %dma_start3A_221 = tpu.memref_slice %arg16[%dma_start3A_220] : memref<1600xf32, #tpu.memory_space<vmem>> -> memref<80xf32, #tpu.memory_space<vmem>>
    %dma_start3A_222 = arith.constant 1360 : i32
    %dma_start3A_223 = tpu.memref_slice %arg12[%dma_start3A_222] : memref<1600xi32, #tpu.memory_space<vmem>> -> memref<80xi32, #tpu.memory_space<vmem>>
    %dma_start3A_224 = arith.constant 0 : i32
    %dma_start3A_225 = tpu.memref_slice %arg4[%dma_start3A_224] : memref<1000xf32, #tpu.memory_space<hbm>> -> memref<1000xf32, #tpu.memory_space<hbm>>
    tpu.enqueue_indirect_dma source(%dma_start3A_225 : memref<1000xf32, #tpu.memory_space<hbm>>) target(%dma_start3A_221 : memref<80xf32, #tpu.memory_space<vmem>>) offsets(%dma_start3A_223 : memref<80xi32, #tpu.memory_space<vmem>>) semaphore(%arg28 : memref<!tpu.dma_semaphore, #tpu.memory_space<semaphore_mem>>)
    %dma_start3A_226 = arith.constant 1440 : i32
    %dma_start3A_227 = tpu.memref_slice %arg15[%dma_start3A_226] : memref<1600xf32, #tpu.memory_space<vmem>> -> memref<80xf32, #tpu.memory_space<vmem>>
    %dma_start3A_228 = arith.constant 1440 : i32
    %dma_start3A_229 = tpu.memref_slice %arg14[%dma_start3A_228] : memref<1600xi32, #tpu.memory_space<vmem>> -> memref<80xi32, #tpu.memory_space<vmem>>
    %dma_start3A_230 = arith.constant 0 : i32
    %dma_start3A_231 = tpu.memref_slice %arg3[%dma_start3A_230] : memref<1000000xf32, #tpu.memory_space<hbm>> -> memref<1000000xf32, #tpu.memory_space<hbm>>
    tpu.enqueue_indirect_dma source(%dma_start3A_231 : memref<1000000xf32, #tpu.memory_space<hbm>>) target(%dma_start3A_227 : memref<80xf32, #tpu.memory_space<vmem>>) offsets(%dma_start3A_229 : memref<80xi32, #tpu.memory_space<vmem>>) semaphore(%arg27 : memref<!tpu.dma_semaphore, #tpu.memory_space<semaphore_mem>>)
    %dma_start3A_232 = arith.constant 1440 : i32
    %dma_start3A_233 = tpu.memref_slice %arg16[%dma_start3A_232] : memref<1600xf32, #tpu.memory_space<vmem>> -> memref<80xf32, #tpu.memory_space<vmem>>
    %dma_start3A_234 = arith.constant 1440 : i32
    %dma_start3A_235 = tpu.memref_slice %arg12[%dma_start3A_234] : memref<1600xi32, #tpu.memory_space<vmem>> -> memref<80xi32, #tpu.memory_space<vmem>>
    %dma_start3A_236 = arith.constant 0 : i32
    %dma_start3A_237 = tpu.memref_slice %arg4[%dma_start3A_236] : memref<1000xf32, #tpu.memory_space<hbm>> -> memref<1000xf32, #tpu.memory_space<hbm>>
    tpu.enqueue_indirect_dma source(%dma_start3A_237 : memref<1000xf32, #tpu.memory_space<hbm>>) target(%dma_start3A_233 : memref<80xf32, #tpu.memory_space<vmem>>) offsets(%dma_start3A_235 : memref<80xi32, #tpu.memory_space<vmem>>) semaphore(%arg28 : memref<!tpu.dma_semaphore, #tpu.memory_space<semaphore_mem>>)
    %dma_start3A_238 = arith.constant 1520 : i32
    %dma_start3A_239 = tpu.memref_slice %arg15[%dma_start3A_238] : memref<1600xf32, #tpu.memory_space<vmem>> -> memref<80xf32, #tpu.memory_space<vmem>>
    %dma_start3A_240 = arith.constant 1520 : i32
    %dma_start3A_241 = tpu.memref_slice %arg14[%dma_start3A_240] : memref<1600xi32, #tpu.memory_space<vmem>> -> memref<80xi32, #tpu.memory_space<vmem>>
    %dma_start3A_242 = arith.constant 0 : i32
    %dma_start3A_243 = tpu.memref_slice %arg3[%dma_start3A_242] : memref<1000000xf32, #tpu.memory_space<hbm>> -> memref<1000000xf32, #tpu.memory_space<hbm>>
    tpu.enqueue_indirect_dma source(%dma_start3A_243 : memref<1000000xf32, #tpu.memory_space<hbm>>) target(%dma_start3A_239 : memref<80xf32, #tpu.memory_space<vmem>>) offsets(%dma_start3A_241 : memref<80xi32, #tpu.memory_space<vmem>>) semaphore(%arg27 : memref<!tpu.dma_semaphore, #tpu.memory_space<semaphore_mem>>)
    %dma_start3A_244 = arith.constant 1520 : i32
    %dma_start3A_245 = tpu.memref_slice %arg16[%dma_start3A_244] : memref<1600xf32, #tpu.memory_space<vmem>> -> memref<80xf32, #tpu.memory_space<vmem>>
    %dma_start3A_246 = arith.constant 1520 : i32
    %dma_start3A_247 = tpu.memref_slice %arg12[%dma_start3A_246] : memref<1600xi32, #tpu.memory_space<vmem>> -> memref<80xi32, #tpu.memory_space<vmem>>
    %dma_start3A_248 = arith.constant 0 : i32
    %dma_start3A_249 = tpu.memref_slice %arg4[%dma_start3A_248] : memref<1000xf32, #tpu.memory_space<hbm>> -> memref<1000xf32, #tpu.memory_space<hbm>>
    tpu.enqueue_indirect_dma source(%dma_start3A_249 : memref<1000xf32, #tpu.memory_space<hbm>>) target(%dma_start3A_245 : memref<80xf32, #tpu.memory_space<vmem>>) offsets(%dma_start3A_247 : memref<80xi32, #tpu.memory_space<vmem>>) semaphore(%arg28 : memref<!tpu.dma_semaphore, #tpu.memory_space<semaphore_mem>>)
    %dma_wait3A = arith.constant 0 : i32
    %dma_wait3A_250 = tpu.memref_slice %arg15[%dma_wait3A] : memref<1600xf32, #tpu.memory_space<vmem>> -> memref<80xf32, #tpu.memory_space<vmem>>
    %dma_wait3A_251 = arith.constant 0 : i32
    %dma_wait3A_252 = tpu.memref_slice %arg14[%dma_wait3A_251] : memref<1600xi32, #tpu.memory_space<vmem>> -> memref<80xi32, #tpu.memory_space<vmem>>
    %dma_wait3A_253 = arith.constant 0 : i32
    %dma_wait3A_254 = tpu.memref_slice %arg3[%dma_wait3A_253] : memref<1000000xf32, #tpu.memory_space<hbm>> -> memref<1000000xf32, #tpu.memory_space<hbm>>
    tpu.wait_indirect_dma semaphore(%arg27 : memref<!tpu.dma_semaphore, #tpu.memory_space<semaphore_mem>>) src(%dma_wait3A_254 : memref<1000000xf32, #tpu.memory_space<hbm>>) dst(%dma_wait3A_250 : memref<80xf32, #tpu.memory_space<vmem>>)
    %dma_wait3A_255 = arith.constant 0 : i32
    %dma_wait3A_256 = tpu.memref_slice %arg16[%dma_wait3A_255] : memref<1600xf32, #tpu.memory_space<vmem>> -> memref<80xf32, #tpu.memory_space<vmem>>
    %dma_wait3A_257 = arith.constant 0 : i32
    %dma_wait3A_258 = tpu.memref_slice %arg12[%dma_wait3A_257] : memref<1600xi32, #tpu.memory_space<vmem>> -> memref<80xi32, #tpu.memory_space<vmem>>
    %dma_wait3A_259 = arith.constant 0 : i32
    %dma_wait3A_260 = tpu.memref_slice %arg4[%dma_wait3A_259] : memref<1000xf32, #tpu.memory_space<hbm>> -> memref<1000xf32, #tpu.memory_space<hbm>>
    tpu.wait_indirect_dma semaphore(%arg28 : memref<!tpu.dma_semaphore, #tpu.memory_space<semaphore_mem>>) src(%dma_wait3A_260 : memref<1000xf32, #tpu.memory_space<hbm>>) dst(%dma_wait3A_256 : memref<80xf32, #tpu.memory_space<vmem>>)
    %dma_wait3A_261 = arith.constant 80 : i32
    %dma_wait3A_262 = tpu.memref_slice %arg15[%dma_wait3A_261] : memref<1600xf32, #tpu.memory_space<vmem>> -> memref<80xf32, #tpu.memory_space<vmem>>
    %dma_wait3A_263 = arith.constant 80 : i32
    %dma_wait3A_264 = tpu.memref_slice %arg14[%dma_wait3A_263] : memref<1600xi32, #tpu.memory_space<vmem>> -> memref<80xi32, #tpu.memory_space<vmem>>
    %dma_wait3A_265 = arith.constant 0 : i32
    %dma_wait3A_266 = tpu.memref_slice %arg3[%dma_wait3A_265] : memref<1000000xf32, #tpu.memory_space<hbm>> -> memref<1000000xf32, #tpu.memory_space<hbm>>
    tpu.wait_indirect_dma semaphore(%arg27 : memref<!tpu.dma_semaphore, #tpu.memory_space<semaphore_mem>>) src(%dma_wait3A_266 : memref<1000000xf32, #tpu.memory_space<hbm>>) dst(%dma_wait3A_262 : memref<80xf32, #tpu.memory_space<vmem>>)
    %dma_wait3A_267 = arith.constant 80 : i32
    %dma_wait3A_268 = tpu.memref_slice %arg16[%dma_wait3A_267] : memref<1600xf32, #tpu.memory_space<vmem>> -> memref<80xf32, #tpu.memory_space<vmem>>
    %dma_wait3A_269 = arith.constant 80 : i32
    %dma_wait3A_270 = tpu.memref_slice %arg12[%dma_wait3A_269] : memref<1600xi32, #tpu.memory_space<vmem>> -> memref<80xi32, #tpu.memory_space<vmem>>
    %dma_wait3A_271 = arith.constant 0 : i32
    %dma_wait3A_272 = tpu.memref_slice %arg4[%dma_wait3A_271] : memref<1000xf32, #tpu.memory_space<hbm>> -> memref<1000xf32, #tpu.memory_space<hbm>>
    tpu.wait_indirect_dma semaphore(%arg28 : memref<!tpu.dma_semaphore, #tpu.memory_space<semaphore_mem>>) src(%dma_wait3A_272 : memref<1000xf32, #tpu.memory_space<hbm>>) dst(%dma_wait3A_268 : memref<80xf32, #tpu.memory_space<vmem>>)
    %dma_wait3A_273 = arith.constant 160 : i32
    %dma_wait3A_274 = tpu.memref_slice %arg15[%dma_wait3A_273] : memref<1600xf32, #tpu.memory_space<vmem>> -> memref<80xf32, #tpu.memory_space<vmem>>
    %dma_wait3A_275 = arith.constant 160 : i32
    %dma_wait3A_276 = tpu.memref_slice %arg14[%dma_wait3A_275] : memref<1600xi32, #tpu.memory_space<vmem>> -> memref<80xi32, #tpu.memory_space<vmem>>
    %dma_wait3A_277 = arith.constant 0 : i32
    %dma_wait3A_278 = tpu.memref_slice %arg3[%dma_wait3A_277] : memref<1000000xf32, #tpu.memory_space<hbm>> -> memref<1000000xf32, #tpu.memory_space<hbm>>
    tpu.wait_indirect_dma semaphore(%arg27 : memref<!tpu.dma_semaphore, #tpu.memory_space<semaphore_mem>>) src(%dma_wait3A_278 : memref<1000000xf32, #tpu.memory_space<hbm>>) dst(%dma_wait3A_274 : memref<80xf32, #tpu.memory_space<vmem>>)
    %dma_wait3A_279 = arith.constant 160 : i32
    %dma_wait3A_280 = tpu.memref_slice %arg16[%dma_wait3A_279] : memref<1600xf32, #tpu.memory_space<vmem>> -> memref<80xf32, #tpu.memory_space<vmem>>
    %dma_wait3A_281 = arith.constant 160 : i32
    %dma_wait3A_282 = tpu.memref_slice %arg12[%dma_wait3A_281] : memref<1600xi32, #tpu.memory_space<vmem>> -> memref<80xi32, #tpu.memory_space<vmem>>
    %dma_wait3A_283 = arith.constant 0 : i32
    %dma_wait3A_284 = tpu.memref_slice %arg4[%dma_wait3A_283] : memref<1000xf32, #tpu.memory_space<hbm>> -> memref<1000xf32, #tpu.memory_space<hbm>>
    tpu.wait_indirect_dma semaphore(%arg28 : memref<!tpu.dma_semaphore, #tpu.memory_space<semaphore_mem>>) src(%dma_wait3A_284 : memref<1000xf32, #tpu.memory_space<hbm>>) dst(%dma_wait3A_280 : memref<80xf32, #tpu.memory_space<vmem>>)
    %dma_wait3A_285 = arith.constant 240 : i32
    %dma_wait3A_286 = tpu.memref_slice %arg15[%dma_wait3A_285] : memref<1600xf32, #tpu.memory_space<vmem>> -> memref<80xf32, #tpu.memory_space<vmem>>
    %dma_wait3A_287 = arith.constant 240 : i32
    %dma_wait3A_288 = tpu.memref_slice %arg14[%dma_wait3A_287] : memref<1600xi32, #tpu.memory_space<vmem>> -> memref<80xi32, #tpu.memory_space<vmem>>
    %dma_wait3A_289 = arith.constant 0 : i32
    %dma_wait3A_290 = tpu.memref_slice %arg3[%dma_wait3A_289] : memref<1000000xf32, #tpu.memory_space<hbm>> -> memref<1000000xf32, #tpu.memory_space<hbm>>
    tpu.wait_indirect_dma semaphore(%arg27 : memref<!tpu.dma_semaphore, #tpu.memory_space<semaphore_mem>>) src(%dma_wait3A_290 : memref<1000000xf32, #tpu.memory_space<hbm>>) dst(%dma_wait3A_286 : memref<80xf32, #tpu.memory_space<vmem>>)
    %dma_wait3A_291 = arith.constant 240 : i32
    %dma_wait3A_292 = tpu.memref_slice %arg16[%dma_wait3A_291] : memref<1600xf32, #tpu.memory_space<vmem>> -> memref<80xf32, #tpu.memory_space<vmem>>
    %dma_wait3A_293 = arith.constant 240 : i32
    %dma_wait3A_294 = tpu.memref_slice %arg12[%dma_wait3A_293] : memref<1600xi32, #tpu.memory_space<vmem>> -> memref<80xi32, #tpu.memory_space<vmem>>
    %dma_wait3A_295 = arith.constant 0 : i32
    %dma_wait3A_296 = tpu.memref_slice %arg4[%dma_wait3A_295] : memref<1000xf32, #tpu.memory_space<hbm>> -> memref<1000xf32, #tpu.memory_space<hbm>>
    tpu.wait_indirect_dma semaphore(%arg28 : memref<!tpu.dma_semaphore, #tpu.memory_space<semaphore_mem>>) src(%dma_wait3A_296 : memref<1000xf32, #tpu.memory_space<hbm>>) dst(%dma_wait3A_292 : memref<80xf32, #tpu.memory_space<vmem>>)
    %dma_wait3A_297 = arith.constant 320 : i32
    %dma_wait3A_298 = tpu.memref_slice %arg15[%dma_wait3A_297] : memref<1600xf32, #tpu.memory_space<vmem>> -> memref<80xf32, #tpu.memory_space<vmem>>
    %dma_wait3A_299 = arith.constant 320 : i32
    %dma_wait3A_300 = tpu.memref_slice %arg14[%dma_wait3A_299] : memref<1600xi32, #tpu.memory_space<vmem>> -> memref<80xi32, #tpu.memory_space<vmem>>
    %dma_wait3A_301 = arith.constant 0 : i32
    %dma_wait3A_302 = tpu.memref_slice %arg3[%dma_wait3A_301] : memref<1000000xf32, #tpu.memory_space<hbm>> -> memref<1000000xf32, #tpu.memory_space<hbm>>
    tpu.wait_indirect_dma semaphore(%arg27 : memref<!tpu.dma_semaphore, #tpu.memory_space<semaphore_mem>>) src(%dma_wait3A_302 : memref<1000000xf32, #tpu.memory_space<hbm>>) dst(%dma_wait3A_298 : memref<80xf32, #tpu.memory_space<vmem>>)
    %dma_wait3A_303 = arith.constant 320 : i32
    %dma_wait3A_304 = tpu.memref_slice %arg16[%dma_wait3A_303] : memref<1600xf32, #tpu.memory_space<vmem>> -> memref<80xf32, #tpu.memory_space<vmem>>
    %dma_wait3A_305 = arith.constant 320 : i32
    %dma_wait3A_306 = tpu.memref_slice %arg12[%dma_wait3A_305] : memref<1600xi32, #tpu.memory_space<vmem>> -> memref<80xi32, #tpu.memory_space<vmem>>
    %dma_wait3A_307 = arith.constant 0 : i32
    %dma_wait3A_308 = tpu.memref_slice %arg4[%dma_wait3A_307] : memref<1000xf32, #tpu.memory_space<hbm>> -> memref<1000xf32, #tpu.memory_space<hbm>>
    tpu.wait_indirect_dma semaphore(%arg28 : memref<!tpu.dma_semaphore, #tpu.memory_space<semaphore_mem>>) src(%dma_wait3A_308 : memref<1000xf32, #tpu.memory_space<hbm>>) dst(%dma_wait3A_304 : memref<80xf32, #tpu.memory_space<vmem>>)
    %dma_wait3A_309 = arith.constant 400 : i32
    %dma_wait3A_310 = tpu.memref_slice %arg15[%dma_wait3A_309] : memref<1600xf32, #tpu.memory_space<vmem>> -> memref<80xf32, #tpu.memory_space<vmem>>
    %dma_wait3A_311 = arith.constant 400 : i32
    %dma_wait3A_312 = tpu.memref_slice %arg14[%dma_wait3A_311] : memref<1600xi32, #tpu.memory_space<vmem>> -> memref<80xi32, #tpu.memory_space<vmem>>
    %dma_wait3A_313 = arith.constant 0 : i32
    %dma_wait3A_314 = tpu.memref_slice %arg3[%dma_wait3A_313] : memref<1000000xf32, #tpu.memory_space<hbm>> -> memref<1000000xf32, #tpu.memory_space<hbm>>
    tpu.wait_indirect_dma semaphore(%arg27 : memref<!tpu.dma_semaphore, #tpu.memory_space<semaphore_mem>>) src(%dma_wait3A_314 : memref<1000000xf32, #tpu.memory_space<hbm>>) dst(%dma_wait3A_310 : memref<80xf32, #tpu.memory_space<vmem>>)
    %dma_wait3A_315 = arith.constant 400 : i32
    %dma_wait3A_316 = tpu.memref_slice %arg16[%dma_wait3A_315] : memref<1600xf32, #tpu.memory_space<vmem>> -> memref<80xf32, #tpu.memory_space<vmem>>
    %dma_wait3A_317 = arith.constant 400 : i32
    %dma_wait3A_318 = tpu.memref_slice %arg12[%dma_wait3A_317] : memref<1600xi32, #tpu.memory_space<vmem>> -> memref<80xi32, #tpu.memory_space<vmem>>
    %dma_wait3A_319 = arith.constant 0 : i32
    %dma_wait3A_320 = tpu.memref_slice %arg4[%dma_wait3A_319] : memref<1000xf32, #tpu.memory_space<hbm>> -> memref<1000xf32, #tpu.memory_space<hbm>>
    tpu.wait_indirect_dma semaphore(%arg28 : memref<!tpu.dma_semaphore, #tpu.memory_space<semaphore_mem>>) src(%dma_wait3A_320 : memref<1000xf32, #tpu.memory_space<hbm>>) dst(%dma_wait3A_316 : memref<80xf32, #tpu.memory_space<vmem>>)
    %dma_wait3A_321 = arith.constant 480 : i32
    %dma_wait3A_322 = tpu.memref_slice %arg15[%dma_wait3A_321] : memref<1600xf32, #tpu.memory_space<vmem>> -> memref<80xf32, #tpu.memory_space<vmem>>
    %dma_wait3A_323 = arith.constant 480 : i32
    %dma_wait3A_324 = tpu.memref_slice %arg14[%dma_wait3A_323] : memref<1600xi32, #tpu.memory_space<vmem>> -> memref<80xi32, #tpu.memory_space<vmem>>
    %dma_wait3A_325 = arith.constant 0 : i32
    %dma_wait3A_326 = tpu.memref_slice %arg3[%dma_wait3A_325] : memref<1000000xf32, #tpu.memory_space<hbm>> -> memref<1000000xf32, #tpu.memory_space<hbm>>
    tpu.wait_indirect_dma semaphore(%arg27 : memref<!tpu.dma_semaphore, #tpu.memory_space<semaphore_mem>>) src(%dma_wait3A_326 : memref<1000000xf32, #tpu.memory_space<hbm>>) dst(%dma_wait3A_322 : memref<80xf32, #tpu.memory_space<vmem>>)
    %dma_wait3A_327 = arith.constant 480 : i32
    %dma_wait3A_328 = tpu.memref_slice %arg16[%dma_wait3A_327] : memref<1600xf32, #tpu.memory_space<vmem>> -> memref<80xf32, #tpu.memory_space<vmem>>
    %dma_wait3A_329 = arith.constant 480 : i32
    %dma_wait3A_330 = tpu.memref_slice %arg12[%dma_wait3A_329] : memref<1600xi32, #tpu.memory_space<vmem>> -> memref<80xi32, #tpu.memory_space<vmem>>
    %dma_wait3A_331 = arith.constant 0 : i32
    %dma_wait3A_332 = tpu.memref_slice %arg4[%dma_wait3A_331] : memref<1000xf32, #tpu.memory_space<hbm>> -> memref<1000xf32, #tpu.memory_space<hbm>>
    tpu.wait_indirect_dma semaphore(%arg28 : memref<!tpu.dma_semaphore, #tpu.memory_space<semaphore_mem>>) src(%dma_wait3A_332 : memref<1000xf32, #tpu.memory_space<hbm>>) dst(%dma_wait3A_328 : memref<80xf32, #tpu.memory_space<vmem>>)
    %dma_wait3A_333 = arith.constant 560 : i32
    %dma_wait3A_334 = tpu.memref_slice %arg15[%dma_wait3A_333] : memref<1600xf32, #tpu.memory_space<vmem>> -> memref<80xf32, #tpu.memory_space<vmem>>
    %dma_wait3A_335 = arith.constant 560 : i32
    %dma_wait3A_336 = tpu.memref_slice %arg14[%dma_wait3A_335] : memref<1600xi32, #tpu.memory_space<vmem>> -> memref<80xi32, #tpu.memory_space<vmem>>
    %dma_wait3A_337 = arith.constant 0 : i32
    %dma_wait3A_338 = tpu.memref_slice %arg3[%dma_wait3A_337] : memref<1000000xf32, #tpu.memory_space<hbm>> -> memref<1000000xf32, #tpu.memory_space<hbm>>
    tpu.wait_indirect_dma semaphore(%arg27 : memref<!tpu.dma_semaphore, #tpu.memory_space<semaphore_mem>>) src(%dma_wait3A_338 : memref<1000000xf32, #tpu.memory_space<hbm>>) dst(%dma_wait3A_334 : memref<80xf32, #tpu.memory_space<vmem>>)
    %dma_wait3A_339 = arith.constant 560 : i32
    %dma_wait3A_340 = tpu.memref_slice %arg16[%dma_wait3A_339] : memref<1600xf32, #tpu.memory_space<vmem>> -> memref<80xf32, #tpu.memory_space<vmem>>
    %dma_wait3A_341 = arith.constant 560 : i32
    %dma_wait3A_342 = tpu.memref_slice %arg12[%dma_wait3A_341] : memref<1600xi32, #tpu.memory_space<vmem>> -> memref<80xi32, #tpu.memory_space<vmem>>
    %dma_wait3A_343 = arith.constant 0 : i32
    %dma_wait3A_344 = tpu.memref_slice %arg4[%dma_wait3A_343] : memref<1000xf32, #tpu.memory_space<hbm>> -> memref<1000xf32, #tpu.memory_space<hbm>>
    tpu.wait_indirect_dma semaphore(%arg28 : memref<!tpu.dma_semaphore, #tpu.memory_space<semaphore_mem>>) src(%dma_wait3A_344 : memref<1000xf32, #tpu.memory_space<hbm>>) dst(%dma_wait3A_340 : memref<80xf32, #tpu.memory_space<vmem>>)
    %dma_wait3A_345 = arith.constant 640 : i32
    %dma_wait3A_346 = tpu.memref_slice %arg15[%dma_wait3A_345] : memref<1600xf32, #tpu.memory_space<vmem>> -> memref<80xf32, #tpu.memory_space<vmem>>
    %dma_wait3A_347 = arith.constant 640 : i32
    %dma_wait3A_348 = tpu.memref_slice %arg14[%dma_wait3A_347] : memref<1600xi32, #tpu.memory_space<vmem>> -> memref<80xi32, #tpu.memory_space<vmem>>
    %dma_wait3A_349 = arith.constant 0 : i32
    %dma_wait3A_350 = tpu.memref_slice %arg3[%dma_wait3A_349] : memref<1000000xf32, #tpu.memory_space<hbm>> -> memref<1000000xf32, #tpu.memory_space<hbm>>
    tpu.wait_indirect_dma semaphore(%arg27 : memref<!tpu.dma_semaphore, #tpu.memory_space<semaphore_mem>>) src(%dma_wait3A_350 : memref<1000000xf32, #tpu.memory_space<hbm>>) dst(%dma_wait3A_346 : memref<80xf32, #tpu.memory_space<vmem>>)
    %dma_wait3A_351 = arith.constant 640 : i32
    %dma_wait3A_352 = tpu.memref_slice %arg16[%dma_wait3A_351] : memref<1600xf32, #tpu.memory_space<vmem>> -> memref<80xf32, #tpu.memory_space<vmem>>
    %dma_wait3A_353 = arith.constant 640 : i32
    %dma_wait3A_354 = tpu.memref_slice %arg12[%dma_wait3A_353] : memref<1600xi32, #tpu.memory_space<vmem>> -> memref<80xi32, #tpu.memory_space<vmem>>
    %dma_wait3A_355 = arith.constant 0 : i32
    %dma_wait3A_356 = tpu.memref_slice %arg4[%dma_wait3A_355] : memref<1000xf32, #tpu.memory_space<hbm>> -> memref<1000xf32, #tpu.memory_space<hbm>>
    tpu.wait_indirect_dma semaphore(%arg28 : memref<!tpu.dma_semaphore, #tpu.memory_space<semaphore_mem>>) src(%dma_wait3A_356 : memref<1000xf32, #tpu.memory_space<hbm>>) dst(%dma_wait3A_352 : memref<80xf32, #tpu.memory_space<vmem>>)
    %dma_wait3A_357 = arith.constant 720 : i32
    %dma_wait3A_358 = tpu.memref_slice %arg15[%dma_wait3A_357] : memref<1600xf32, #tpu.memory_space<vmem>> -> memref<80xf32, #tpu.memory_space<vmem>>
    %dma_wait3A_359 = arith.constant 720 : i32
    %dma_wait3A_360 = tpu.memref_slice %arg14[%dma_wait3A_359] : memref<1600xi32, #tpu.memory_space<vmem>> -> memref<80xi32, #tpu.memory_space<vmem>>
    %dma_wait3A_361 = arith.constant 0 : i32
    %dma_wait3A_362 = tpu.memref_slice %arg3[%dma_wait3A_361] : memref<1000000xf32, #tpu.memory_space<hbm>> -> memref<1000000xf32, #tpu.memory_space<hbm>>
    tpu.wait_indirect_dma semaphore(%arg27 : memref<!tpu.dma_semaphore, #tpu.memory_space<semaphore_mem>>) src(%dma_wait3A_362 : memref<1000000xf32, #tpu.memory_space<hbm>>) dst(%dma_wait3A_358 : memref<80xf32, #tpu.memory_space<vmem>>)
    %dma_wait3A_363 = arith.constant 720 : i32
    %dma_wait3A_364 = tpu.memref_slice %arg16[%dma_wait3A_363] : memref<1600xf32, #tpu.memory_space<vmem>> -> memref<80xf32, #tpu.memory_space<vmem>>
    %dma_wait3A_365 = arith.constant 720 : i32
    %dma_wait3A_366 = tpu.memref_slice %arg12[%dma_wait3A_365] : memref<1600xi32, #tpu.memory_space<vmem>> -> memref<80xi32, #tpu.memory_space<vmem>>
    %dma_wait3A_367 = arith.constant 0 : i32
    %dma_wait3A_368 = tpu.memref_slice %arg4[%dma_wait3A_367] : memref<1000xf32, #tpu.memory_space<hbm>> -> memref<1000xf32, #tpu.memory_space<hbm>>
    tpu.wait_indirect_dma semaphore(%arg28 : memref<!tpu.dma_semaphore, #tpu.memory_space<semaphore_mem>>) src(%dma_wait3A_368 : memref<1000xf32, #tpu.memory_space<hbm>>) dst(%dma_wait3A_364 : memref<80xf32, #tpu.memory_space<vmem>>)
    %dma_wait3A_369 = arith.constant 800 : i32
    %dma_wait3A_370 = tpu.memref_slice %arg15[%dma_wait3A_369] : memref<1600xf32, #tpu.memory_space<vmem>> -> memref<80xf32, #tpu.memory_space<vmem>>
    %dma_wait3A_371 = arith.constant 800 : i32
    %dma_wait3A_372 = tpu.memref_slice %arg14[%dma_wait3A_371] : memref<1600xi32, #tpu.memory_space<vmem>> -> memref<80xi32, #tpu.memory_space<vmem>>
    %dma_wait3A_373 = arith.constant 0 : i32
    %dma_wait3A_374 = tpu.memref_slice %arg3[%dma_wait3A_373] : memref<1000000xf32, #tpu.memory_space<hbm>> -> memref<1000000xf32, #tpu.memory_space<hbm>>
    tpu.wait_indirect_dma semaphore(%arg27 : memref<!tpu.dma_semaphore, #tpu.memory_space<semaphore_mem>>) src(%dma_wait3A_374 : memref<1000000xf32, #tpu.memory_space<hbm>>) dst(%dma_wait3A_370 : memref<80xf32, #tpu.memory_space<vmem>>)
    %dma_wait3A_375 = arith.constant 800 : i32
    %dma_wait3A_376 = tpu.memref_slice %arg16[%dma_wait3A_375] : memref<1600xf32, #tpu.memory_space<vmem>> -> memref<80xf32, #tpu.memory_space<vmem>>
    %dma_wait3A_377 = arith.constant 800 : i32
    %dma_wait3A_378 = tpu.memref_slice %arg12[%dma_wait3A_377] : memref<1600xi32, #tpu.memory_space<vmem>> -> memref<80xi32, #tpu.memory_space<vmem>>
    %dma_wait3A_379 = arith.constant 0 : i32
    %dma_wait3A_380 = tpu.memref_slice %arg4[%dma_wait3A_379] : memref<1000xf32, #tpu.memory_space<hbm>> -> memref<1000xf32, #tpu.memory_space<hbm>>
    tpu.wait_indirect_dma semaphore(%arg28 : memref<!tpu.dma_semaphore, #tpu.memory_space<semaphore_mem>>) src(%dma_wait3A_380 : memref<1000xf32, #tpu.memory_space<hbm>>) dst(%dma_wait3A_376 : memref<80xf32, #tpu.memory_space<vmem>>)
    %dma_wait3A_381 = arith.constant 880 : i32
    %dma_wait3A_382 = tpu.memref_slice %arg15[%dma_wait3A_381] : memref<1600xf32, #tpu.memory_space<vmem>> -> memref<80xf32, #tpu.memory_space<vmem>>
    %dma_wait3A_383 = arith.constant 880 : i32
    %dma_wait3A_384 = tpu.memref_slice %arg14[%dma_wait3A_383] : memref<1600xi32, #tpu.memory_space<vmem>> -> memref<80xi32, #tpu.memory_space<vmem>>
    %dma_wait3A_385 = arith.constant 0 : i32
    %dma_wait3A_386 = tpu.memref_slice %arg3[%dma_wait3A_385] : memref<1000000xf32, #tpu.memory_space<hbm>> -> memref<1000000xf32, #tpu.memory_space<hbm>>
    tpu.wait_indirect_dma semaphore(%arg27 : memref<!tpu.dma_semaphore, #tpu.memory_space<semaphore_mem>>) src(%dma_wait3A_386 : memref<1000000xf32, #tpu.memory_space<hbm>>) dst(%dma_wait3A_382 : memref<80xf32, #tpu.memory_space<vmem>>)
    %dma_wait3A_387 = arith.constant 880 : i32
    %dma_wait3A_388 = tpu.memref_slice %arg16[%dma_wait3A_387] : memref<1600xf32, #tpu.memory_space<vmem>> -> memref<80xf32, #tpu.memory_space<vmem>>
    %dma_wait3A_389 = arith.constant 880 : i32
    %dma_wait3A_390 = tpu.memref_slice %arg12[%dma_wait3A_389] : memref<1600xi32, #tpu.memory_space<vmem>> -> memref<80xi32, #tpu.memory_space<vmem>>
    %dma_wait3A_391 = arith.constant 0 : i32
    %dma_wait3A_392 = tpu.memref_slice %arg4[%dma_wait3A_391] : memref<1000xf32, #tpu.memory_space<hbm>> -> memref<1000xf32, #tpu.memory_space<hbm>>
    tpu.wait_indirect_dma semaphore(%arg28 : memref<!tpu.dma_semaphore, #tpu.memory_space<semaphore_mem>>) src(%dma_wait3A_392 : memref<1000xf32, #tpu.memory_space<hbm>>) dst(%dma_wait3A_388 : memref<80xf32, #tpu.memory_space<vmem>>)
    %dma_wait3A_393 = arith.constant 960 : i32
    %dma_wait3A_394 = tpu.memref_slice %arg15[%dma_wait3A_393] : memref<1600xf32, #tpu.memory_space<vmem>> -> memref<80xf32, #tpu.memory_space<vmem>>
    %dma_wait3A_395 = arith.constant 960 : i32
    %dma_wait3A_396 = tpu.memref_slice %arg14[%dma_wait3A_395] : memref<1600xi32, #tpu.memory_space<vmem>> -> memref<80xi32, #tpu.memory_space<vmem>>
    %dma_wait3A_397 = arith.constant 0 : i32
    %dma_wait3A_398 = tpu.memref_slice %arg3[%dma_wait3A_397] : memref<1000000xf32, #tpu.memory_space<hbm>> -> memref<1000000xf32, #tpu.memory_space<hbm>>
    tpu.wait_indirect_dma semaphore(%arg27 : memref<!tpu.dma_semaphore, #tpu.memory_space<semaphore_mem>>) src(%dma_wait3A_398 : memref<1000000xf32, #tpu.memory_space<hbm>>) dst(%dma_wait3A_394 : memref<80xf32, #tpu.memory_space<vmem>>)
    %dma_wait3A_399 = arith.constant 960 : i32
    %dma_wait3A_400 = tpu.memref_slice %arg16[%dma_wait3A_399] : memref<1600xf32, #tpu.memory_space<vmem>> -> memref<80xf32, #tpu.memory_space<vmem>>
    %dma_wait3A_401 = arith.constant 960 : i32
    %dma_wait3A_402 = tpu.memref_slice %arg12[%dma_wait3A_401] : memref<1600xi32, #tpu.memory_space<vmem>> -> memref<80xi32, #tpu.memory_space<vmem>>
    %dma_wait3A_403 = arith.constant 0 : i32
    %dma_wait3A_404 = tpu.memref_slice %arg4[%dma_wait3A_403] : memref<1000xf32, #tpu.memory_space<hbm>> -> memref<1000xf32, #tpu.memory_space<hbm>>
    tpu.wait_indirect_dma semaphore(%arg28 : memref<!tpu.dma_semaphore, #tpu.memory_space<semaphore_mem>>) src(%dma_wait3A_404 : memref<1000xf32, #tpu.memory_space<hbm>>) dst(%dma_wait3A_400 : memref<80xf32, #tpu.memory_space<vmem>>)
    %dma_wait3A_405 = arith.constant 1040 : i32
    %dma_wait3A_406 = tpu.memref_slice %arg15[%dma_wait3A_405] : memref<1600xf32, #tpu.memory_space<vmem>> -> memref<80xf32, #tpu.memory_space<vmem>>
    %dma_wait3A_407 = arith.constant 1040 : i32
    %dma_wait3A_408 = tpu.memref_slice %arg14[%dma_wait3A_407] : memref<1600xi32, #tpu.memory_space<vmem>> -> memref<80xi32, #tpu.memory_space<vmem>>
    %dma_wait3A_409 = arith.constant 0 : i32
    %dma_wait3A_410 = tpu.memref_slice %arg3[%dma_wait3A_409] : memref<1000000xf32, #tpu.memory_space<hbm>> -> memref<1000000xf32, #tpu.memory_space<hbm>>
    tpu.wait_indirect_dma semaphore(%arg27 : memref<!tpu.dma_semaphore, #tpu.memory_space<semaphore_mem>>) src(%dma_wait3A_410 : memref<1000000xf32, #tpu.memory_space<hbm>>) dst(%dma_wait3A_406 : memref<80xf32, #tpu.memory_space<vmem>>)
    %dma_wait3A_411 = arith.constant 1040 : i32
    %dma_wait3A_412 = tpu.memref_slice %arg16[%dma_wait3A_411] : memref<1600xf32, #tpu.memory_space<vmem>> -> memref<80xf32, #tpu.memory_space<vmem>>
    %dma_wait3A_413 = arith.constant 1040 : i32
    %dma_wait3A_414 = tpu.memref_slice %arg12[%dma_wait3A_413] : memref<1600xi32, #tpu.memory_space<vmem>> -> memref<80xi32, #tpu.memory_space<vmem>>
    %dma_wait3A_415 = arith.constant 0 : i32
    %dma_wait3A_416 = tpu.memref_slice %arg4[%dma_wait3A_415] : memref<1000xf32, #tpu.memory_space<hbm>> -> memref<1000xf32, #tpu.memory_space<hbm>>
    tpu.wait_indirect_dma semaphore(%arg28 : memref<!tpu.dma_semaphore, #tpu.memory_space<semaphore_mem>>) src(%dma_wait3A_416 : memref<1000xf32, #tpu.memory_space<hbm>>) dst(%dma_wait3A_412 : memref<80xf32, #tpu.memory_space<vmem>>)
    %dma_wait3A_417 = arith.constant 1120 : i32
    %dma_wait3A_418 = tpu.memref_slice %arg15[%dma_wait3A_417] : memref<1600xf32, #tpu.memory_space<vmem>> -> memref<80xf32, #tpu.memory_space<vmem>>
    %dma_wait3A_419 = arith.constant 1120 : i32
    %dma_wait3A_420 = tpu.memref_slice %arg14[%dma_wait3A_419] : memref<1600xi32, #tpu.memory_space<vmem>> -> memref<80xi32, #tpu.memory_space<vmem>>
    %dma_wait3A_421 = arith.constant 0 : i32
    %dma_wait3A_422 = tpu.memref_slice %arg3[%dma_wait3A_421] : memref<1000000xf32, #tpu.memory_space<hbm>> -> memref<1000000xf32, #tpu.memory_space<hbm>>
    tpu.wait_indirect_dma semaphore(%arg27 : memref<!tpu.dma_semaphore, #tpu.memory_space<semaphore_mem>>) src(%dma_wait3A_422 : memref<1000000xf32, #tpu.memory_space<hbm>>) dst(%dma_wait3A_418 : memref<80xf32, #tpu.memory_space<vmem>>)
    %dma_wait3A_423 = arith.constant 1120 : i32
    %dma_wait3A_424 = tpu.memref_slice %arg16[%dma_wait3A_423] : memref<1600xf32, #tpu.memory_space<vmem>> -> memref<80xf32, #tpu.memory_space<vmem>>
    %dma_wait3A_425 = arith.constant 1120 : i32
    %dma_wait3A_426 = tpu.memref_slice %arg12[%dma_wait3A_425] : memref<1600xi32, #tpu.memory_space<vmem>> -> memref<80xi32, #tpu.memory_space<vmem>>
    %dma_wait3A_427 = arith.constant 0 : i32
    %dma_wait3A_428 = tpu.memref_slice %arg4[%dma_wait3A_427] : memref<1000xf32, #tpu.memory_space<hbm>> -> memref<1000xf32, #tpu.memory_space<hbm>>
    tpu.wait_indirect_dma semaphore(%arg28 : memref<!tpu.dma_semaphore, #tpu.memory_space<semaphore_mem>>) src(%dma_wait3A_428 : memref<1000xf32, #tpu.memory_space<hbm>>) dst(%dma_wait3A_424 : memref<80xf32, #tpu.memory_space<vmem>>)
    %dma_wait3A_429 = arith.constant 1200 : i32
    %dma_wait3A_430 = tpu.memref_slice %arg15[%dma_wait3A_429] : memref<1600xf32, #tpu.memory_space<vmem>> -> memref<80xf32, #tpu.memory_space<vmem>>
    %dma_wait3A_431 = arith.constant 1200 : i32
    %dma_wait3A_432 = tpu.memref_slice %arg14[%dma_wait3A_431] : memref<1600xi32, #tpu.memory_space<vmem>> -> memref<80xi32, #tpu.memory_space<vmem>>
    %dma_wait3A_433 = arith.constant 0 : i32
    %dma_wait3A_434 = tpu.memref_slice %arg3[%dma_wait3A_433] : memref<1000000xf32, #tpu.memory_space<hbm>> -> memref<1000000xf32, #tpu.memory_space<hbm>>
    tpu.wait_indirect_dma semaphore(%arg27 : memref<!tpu.dma_semaphore, #tpu.memory_space<semaphore_mem>>) src(%dma_wait3A_434 : memref<1000000xf32, #tpu.memory_space<hbm>>) dst(%dma_wait3A_430 : memref<80xf32, #tpu.memory_space<vmem>>)
    %dma_wait3A_435 = arith.constant 1200 : i32
    %dma_wait3A_436 = tpu.memref_slice %arg16[%dma_wait3A_435] : memref<1600xf32, #tpu.memory_space<vmem>> -> memref<80xf32, #tpu.memory_space<vmem>>
    %dma_wait3A_437 = arith.constant 1200 : i32
    %dma_wait3A_438 = tpu.memref_slice %arg12[%dma_wait3A_437] : memref<1600xi32, #tpu.memory_space<vmem>> -> memref<80xi32, #tpu.memory_space<vmem>>
    %dma_wait3A_439 = arith.constant 0 : i32
    %dma_wait3A_440 = tpu.memref_slice %arg4[%dma_wait3A_439] : memref<1000xf32, #tpu.memory_space<hbm>> -> memref<1000xf32, #tpu.memory_space<hbm>>
    tpu.wait_indirect_dma semaphore(%arg28 : memref<!tpu.dma_semaphore, #tpu.memory_space<semaphore_mem>>) src(%dma_wait3A_440 : memref<1000xf32, #tpu.memory_space<hbm>>) dst(%dma_wait3A_436 : memref<80xf32, #tpu.memory_space<vmem>>)
    %dma_wait3A_441 = arith.constant 1280 : i32
    %dma_wait3A_442 = tpu.memref_slice %arg15[%dma_wait3A_441] : memref<1600xf32, #tpu.memory_space<vmem>> -> memref<80xf32, #tpu.memory_space<vmem>>
    %dma_wait3A_443 = arith.constant 1280 : i32
    %dma_wait3A_444 = tpu.memref_slice %arg14[%dma_wait3A_443] : memref<1600xi32, #tpu.memory_space<vmem>> -> memref<80xi32, #tpu.memory_space<vmem>>
    %dma_wait3A_445 = arith.constant 0 : i32
    %dma_wait3A_446 = tpu.memref_slice %arg3[%dma_wait3A_445] : memref<1000000xf32, #tpu.memory_space<hbm>> -> memref<1000000xf32, #tpu.memory_space<hbm>>
    tpu.wait_indirect_dma semaphore(%arg27 : memref<!tpu.dma_semaphore, #tpu.memory_space<semaphore_mem>>) src(%dma_wait3A_446 : memref<1000000xf32, #tpu.memory_space<hbm>>) dst(%dma_wait3A_442 : memref<80xf32, #tpu.memory_space<vmem>>)
    %dma_wait3A_447 = arith.constant 1280 : i32
    %dma_wait3A_448 = tpu.memref_slice %arg16[%dma_wait3A_447] : memref<1600xf32, #tpu.memory_space<vmem>> -> memref<80xf32, #tpu.memory_space<vmem>>
    %dma_wait3A_449 = arith.constant 1280 : i32
    %dma_wait3A_450 = tpu.memref_slice %arg12[%dma_wait3A_449] : memref<1600xi32, #tpu.memory_space<vmem>> -> memref<80xi32, #tpu.memory_space<vmem>>
    %dma_wait3A_451 = arith.constant 0 : i32
    %dma_wait3A_452 = tpu.memref_slice %arg4[%dma_wait3A_451] : memref<1000xf32, #tpu.memory_space<hbm>> -> memref<1000xf32, #tpu.memory_space<hbm>>
    tpu.wait_indirect_dma semaphore(%arg28 : memref<!tpu.dma_semaphore, #tpu.memory_space<semaphore_mem>>) src(%dma_wait3A_452 : memref<1000xf32, #tpu.memory_space<hbm>>) dst(%dma_wait3A_448 : memref<80xf32, #tpu.memory_space<vmem>>)
    %dma_wait3A_453 = arith.constant 1360 : i32
    %dma_wait3A_454 = tpu.memref_slice %arg15[%dma_wait3A_453] : memref<1600xf32, #tpu.memory_space<vmem>> -> memref<80xf32, #tpu.memory_space<vmem>>
    %dma_wait3A_455 = arith.constant 1360 : i32
    %dma_wait3A_456 = tpu.memref_slice %arg14[%dma_wait3A_455] : memref<1600xi32, #tpu.memory_space<vmem>> -> memref<80xi32, #tpu.memory_space<vmem>>
    %dma_wait3A_457 = arith.constant 0 : i32
    %dma_wait3A_458 = tpu.memref_slice %arg3[%dma_wait3A_457] : memref<1000000xf32, #tpu.memory_space<hbm>> -> memref<1000000xf32, #tpu.memory_space<hbm>>
    tpu.wait_indirect_dma semaphore(%arg27 : memref<!tpu.dma_semaphore, #tpu.memory_space<semaphore_mem>>) src(%dma_wait3A_458 : memref<1000000xf32, #tpu.memory_space<hbm>>) dst(%dma_wait3A_454 : memref<80xf32, #tpu.memory_space<vmem>>)
    %dma_wait3A_459 = arith.constant 1360 : i32
    %dma_wait3A_460 = tpu.memref_slice %arg16[%dma_wait3A_459] : memref<1600xf32, #tpu.memory_space<vmem>> -> memref<80xf32, #tpu.memory_space<vmem>>
    %dma_wait3A_461 = arith.constant 1360 : i32
    %dma_wait3A_462 = tpu.memref_slice %arg12[%dma_wait3A_461] : memref<1600xi32, #tpu.memory_space<vmem>> -> memref<80xi32, #tpu.memory_space<vmem>>
    %dma_wait3A_463 = arith.constant 0 : i32
    %dma_wait3A_464 = tpu.memref_slice %arg4[%dma_wait3A_463] : memref<1000xf32, #tpu.memory_space<hbm>> -> memref<1000xf32, #tpu.memory_space<hbm>>
    tpu.wait_indirect_dma semaphore(%arg28 : memref<!tpu.dma_semaphore, #tpu.memory_space<semaphore_mem>>) src(%dma_wait3A_464 : memref<1000xf32, #tpu.memory_space<hbm>>) dst(%dma_wait3A_460 : memref<80xf32, #tpu.memory_space<vmem>>)
    %dma_wait3A_465 = arith.constant 1440 : i32
    %dma_wait3A_466 = tpu.memref_slice %arg15[%dma_wait3A_465] : memref<1600xf32, #tpu.memory_space<vmem>> -> memref<80xf32, #tpu.memory_space<vmem>>
    %dma_wait3A_467 = arith.constant 1440 : i32
    %dma_wait3A_468 = tpu.memref_slice %arg14[%dma_wait3A_467] : memref<1600xi32, #tpu.memory_space<vmem>> -> memref<80xi32, #tpu.memory_space<vmem>>
    %dma_wait3A_469 = arith.constant 0 : i32
    %dma_wait3A_470 = tpu.memref_slice %arg3[%dma_wait3A_469] : memref<1000000xf32, #tpu.memory_space<hbm>> -> memref<1000000xf32, #tpu.memory_space<hbm>>
    tpu.wait_indirect_dma semaphore(%arg27 : memref<!tpu.dma_semaphore, #tpu.memory_space<semaphore_mem>>) src(%dma_wait3A_470 : memref<1000000xf32, #tpu.memory_space<hbm>>) dst(%dma_wait3A_466 : memref<80xf32, #tpu.memory_space<vmem>>)
    %dma_wait3A_471 = arith.constant 1440 : i32
    %dma_wait3A_472 = tpu.memref_slice %arg16[%dma_wait3A_471] : memref<1600xf32, #tpu.memory_space<vmem>> -> memref<80xf32, #tpu.memory_space<vmem>>
    %dma_wait3A_473 = arith.constant 1440 : i32
    %dma_wait3A_474 = tpu.memref_slice %arg12[%dma_wait3A_473] : memref<1600xi32, #tpu.memory_space<vmem>> -> memref<80xi32, #tpu.memory_space<vmem>>
    %dma_wait3A_475 = arith.constant 0 : i32
    %dma_wait3A_476 = tpu.memref_slice %arg4[%dma_wait3A_475] : memref<1000xf32, #tpu.memory_space<hbm>> -> memref<1000xf32, #tpu.memory_space<hbm>>
    tpu.wait_indirect_dma semaphore(%arg28 : memref<!tpu.dma_semaphore, #tpu.memory_space<semaphore_mem>>) src(%dma_wait3A_476 : memref<1000xf32, #tpu.memory_space<hbm>>) dst(%dma_wait3A_472 : memref<80xf32, #tpu.memory_space<vmem>>)
    %dma_wait3A_477 = arith.constant 1520 : i32
    %dma_wait3A_478 = tpu.memref_slice %arg15[%dma_wait3A_477] : memref<1600xf32, #tpu.memory_space<vmem>> -> memref<80xf32, #tpu.memory_space<vmem>>
    %dma_wait3A_479 = arith.constant 1520 : i32
    %dma_wait3A_480 = tpu.memref_slice %arg14[%dma_wait3A_479] : memref<1600xi32, #tpu.memory_space<vmem>> -> memref<80xi32, #tpu.memory_space<vmem>>
    %dma_wait3A_481 = arith.constant 0 : i32
    %dma_wait3A_482 = tpu.memref_slice %arg3[%dma_wait3A_481] : memref<1000000xf32, #tpu.memory_space<hbm>> -> memref<1000000xf32, #tpu.memory_space<hbm>>
    tpu.wait_indirect_dma semaphore(%arg27 : memref<!tpu.dma_semaphore, #tpu.memory_space<semaphore_mem>>) src(%dma_wait3A_482 : memref<1000000xf32, #tpu.memory_space<hbm>>) dst(%dma_wait3A_478 : memref<80xf32, #tpu.memory_space<vmem>>)
    %dma_wait3A_483 = arith.constant 1520 : i32
    %dma_wait3A_484 = tpu.memref_slice %arg16[%dma_wait3A_483] : memref<1600xf32, #tpu.memory_space<vmem>> -> memref<80xf32, #tpu.memory_space<vmem>>
    %dma_wait3A_485 = arith.constant 1520 : i32
    %dma_wait3A_486 = tpu.memref_slice %arg12[%dma_wait3A_485] : memref<1600xi32, #tpu.memory_space<vmem>> -> memref<80xi32, #tpu.memory_space<vmem>>
    %dma_wait3A_487 = arith.constant 0 : i32
    %dma_wait3A_488 = tpu.memref_slice %arg4[%dma_wait3A_487] : memref<1000xf32, #tpu.memory_space<hbm>> -> memref<1000xf32, #tpu.memory_space<hbm>>
    tpu.wait_indirect_dma semaphore(%arg28 : memref<!tpu.dma_semaphore, #tpu.memory_space<semaphore_mem>>) src(%dma_wait3A_488 : memref<1000xf32, #tpu.memory_space<hbm>>) dst(%dma_wait3A_484 : memref<80xf32, #tpu.memory_space<vmem>>)
    %broadcast_in_dim3A = arith.constant 0.000000e+00 : f32
    %broadcast_in_dim3A_489 = vector.broadcast %broadcast_in_dim3A : f32 to vector<16xf32>
    %scan3A_490 = arith.constant 0 : i32
    %scan3A_491 = arith.constant 100 : i32
    %scan3A_492 = arith.addi %scan3A_490, %scan3A_491 : i32
    %scan3A_493 = arith.constant 1 : i32
    %scan3A_494 = scf.for %scan3A_995 = %scan3A_490 to %scan3A_492 step %scan3A_493 iter_args(%scan3A_996 = %broadcast_in_dim3A_489) -> (vector<16xf32>)  : i32 {
      %mul3A_997 = arith.constant 1 : i32
      %mul3A_998 = arith.muli %scan3A_995, %mul3A_997 : i32
      %add3A_999 = arith.constant 0 : i32
      %add3A_1000 = arith.addi %add3A_999, %mul3A_998 : i32
      %mul3A_1001 = arith.constant 16 : i32
      %mul3A_1002 = arith.muli %add3A_1000, %mul3A_1001 : i32
      %multiple_of3A_1003 = tpu.assume_multiple %mul3A_1002, 16 : i32
      %get3A_1004 = arith.index_cast %multiple_of3A_1003 : i32 to index
      %get3A_1005 = tpu.vector_load %arg16[%get3A_1004] {strides = array<i32>} : memref<1600xf32, #tpu.memory_space<vmem>>, vector<16xf32>,
      %get3A_1006 = vector.shape_cast %get3A_1005 : vector<16xf32> to vector<16xf32>
      %get3A_1007 = arith.index_cast %multiple_of3A_1003 : i32 to index
      %get3A_1008 = tpu.vector_load %arg15[%get3A_1007] {strides = array<i32>} : memref<1600xf32, #tpu.memory_space<vmem>>, vector<16xf32>,
      %get3A_1009 = vector.shape_cast %get3A_1008 : vector<16xf32> to vector<16xf32>
      %sub3A_1010 = arith.subf %get3A_1006, %get3A_1009 : vector<16xf32>
      %add3A_1011 = arith.addf %scan3A_996, %sub3A_1010 : vector<16xf32>
      scf.yield %add3A_1011 : vector<16xf32>
    }
    %scan3A_495 = arith.constant 100 : i32
    %swap3A = arith.constant 0 : index
    %swap3A_496 = tpu.vector_load %arg17[%swap3A] {strides = array<i32>} : memref<16xf32, #tpu.memory_space<vmem>>, vector<16xf32>,
    %swap3A_497 = vector.shape_cast %swap3A_496 : vector<16xf32> to vector<16xf32>
    %swap3A_498 = vector.shape_cast %scan3A_494 : vector<16xf32> to vector<16xf32>
    tpu.vector_store %arg17[%swap3A], %swap3A_498 {strides = array<i32>} : memref<16xf32, #tpu.memory_space<vmem>>, vector<16xf32>,
    "tpu.region"() ({
      %run_scoped3A = tpu.sem_alloc : memref<!tpu.dma_semaphore, #tpu.memory_space<semaphore_mem>>
      %dma_start3A_995 = arith.constant 0 : i32
      %dma_start3A_996 = tpu.memref_slice %arg10[%add3A, %dma_start3A_995] : memref<32x16xf32, #tpu.memory_space<hbm>> -> memref<1x16xf32, #tpu.memory_space<hbm>>
      %dma_start3A_997 = tpu.memref_squeeze %dma_start3A_996 : memref<1x16xf32, #tpu.memory_space<hbm>> -> memref<16xf32, #tpu.memory_space<hbm>>
      %dma_start3A_998 = arith.constant 0 : i32
      %dma_start3A_999 = tpu.memref_slice %arg10[%add3A, %dma_start3A_998] : memref<32x16xf32, #tpu.memory_space<hbm>> -> memref<1x16xf32, #tpu.memory_space<hbm>>
      %dma_start3A_1000 = tpu.memref_squeeze %dma_start3A_999 : memref<1x16xf32, #tpu.memory_space<hbm>> -> memref<16xf32, #tpu.memory_space<hbm>>
      tpu.enqueue_dma source(%arg17 : memref<16xf32, #tpu.memory_space<vmem>>) target(%dma_start3A_1000 : memref<16xf32, #tpu.memory_space<hbm>>) target_semaphore(%run_scoped3A : memref<!tpu.dma_semaphore, #tpu.memory_space<semaphore_mem>>)
      %dma_wait3A_1001 = arith.constant 0 : i32
      %dma_wait3A_1002 = tpu.memref_slice %arg10[%add3A, %dma_wait3A_1001] : memref<32x16xf32, #tpu.memory_space<hbm>> -> memref<1x16xf32, #tpu.memory_space<hbm>>
      %dma_wait3A_1003 = tpu.memref_squeeze %dma_wait3A_1002 : memref<1x16xf32, #tpu.memory_space<hbm>> -> memref<16xf32, #tpu.memory_space<hbm>>
      %dma_wait3A_1004 = arith.constant 0 : i32
      %dma_wait3A_1005 = tpu.memref_slice %arg10[%add3A, %dma_wait3A_1004] : memref<32x16xf32, #tpu.memory_space<hbm>> -> memref<1x16xf32, #tpu.memory_space<hbm>>
      %dma_wait3A_1006 = tpu.memref_squeeze %dma_wait3A_1005 : memref<1x16xf32, #tpu.memory_space<hbm>> -> memref<16xf32, #tpu.memory_space<hbm>>
      tpu.wait_dma2 semaphore(%run_scoped3A : memref<!tpu.dma_semaphore, #tpu.memory_space<semaphore_mem>>) src(%arg17 : memref<16xf32, #tpu.memory_space<vmem>>) dst(%dma_wait3A_1006 : memref<16xf32, #tpu.memory_space<hbm>>)
      tpu.yield
    }) : () -> ()
    %multiple_of3A = arith.constant 0 : i32
    %multiple_of3A_499 = tpu.assume_multiple %multiple_of3A, 8 : i32
    %dma_start3A_500 = tpu.memref_slice %arg11[%multiple_of3A_499] : memref<1792xi32, #tpu.memory_space<vmem>> -> memref<8xi32, #tpu.memory_space<vmem>>
    %dma_start3A_501 = arith.constant 0 : i32
    %dma_start3A_502 = arith.constant 0 : i32
    %dma_start3A_503 = tpu.memref_slice %arg2[%dma_start3A_501, %dma_start3A_502] : memref<1000x1024xf32, #tpu.memory_space<hbm>> -> memref<1000x1024xf32, #tpu.memory_space<hbm>>
    tpu.enqueue_indirect_dma source(%dma_start3A_503 : memref<1000x1024xf32, #tpu.memory_space<hbm>>) target(%arg19 : memref<8x1024xf32, #tpu.memory_space<vmem>>) offsets(%dma_start3A_500 : memref<8xi32, #tpu.memory_space<vmem>>) semaphore(%arg29 : memref<!tpu.dma_semaphore, #tpu.memory_space<semaphore_mem>>)
    %multiple_of3A_504 = arith.constant 8 : i32
    %multiple_of3A_505 = tpu.assume_multiple %multiple_of3A_504, 8 : i32
    %dma_start3A_506 = tpu.memref_slice %arg11[%multiple_of3A_505] : memref<1792xi32, #tpu.memory_space<vmem>> -> memref<8xi32, #tpu.memory_space<vmem>>
    %dma_start3A_507 = arith.constant 0 : i32
    %dma_start3A_508 = arith.constant 0 : i32
    %dma_start3A_509 = tpu.memref_slice %arg2[%dma_start3A_507, %dma_start3A_508] : memref<1000x1024xf32, #tpu.memory_space<hbm>> -> memref<1000x1024xf32, #tpu.memory_space<hbm>>
    tpu.enqueue_indirect_dma source(%dma_start3A_509 : memref<1000x1024xf32, #tpu.memory_space<hbm>>) target(%arg20 : memref<8x1024xf32, #tpu.memory_space<vmem>>) offsets(%dma_start3A_506 : memref<8xi32, #tpu.memory_space<vmem>>) semaphore(%arg30 : memref<!tpu.dma_semaphore, #tpu.memory_space<semaphore_mem>>)
    %multiple_of3A_510 = arith.constant 16 : i32
    %multiple_of3A_511 = tpu.assume_multiple %multiple_of3A_510, 8 : i32
    %dma_start3A_512 = tpu.memref_slice %arg11[%multiple_of3A_511] : memref<1792xi32, #tpu.memory_space<vmem>> -> memref<8xi32, #tpu.memory_space<vmem>>
    %dma_start3A_513 = arith.constant 0 : i32
    %dma_start3A_514 = arith.constant 0 : i32
    %dma_start3A_515 = tpu.memref_slice %arg2[%dma_start3A_513, %dma_start3A_514] : memref<1000x1024xf32, #tpu.memory_space<hbm>> -> memref<1000x1024xf32, #tpu.memory_space<hbm>>
    tpu.enqueue_indirect_dma source(%dma_start3A_515 : memref<1000x1024xf32, #tpu.memory_space<hbm>>) target(%arg21 : memref<8x1024xf32, #tpu.memory_space<vmem>>) offsets(%dma_start3A_512 : memref<8xi32, #tpu.memory_space<vmem>>) semaphore(%arg31 : memref<!tpu.dma_semaphore, #tpu.memory_space<semaphore_mem>>)
    %multiple_of3A_516 = arith.constant 24 : i32
    %multiple_of3A_517 = tpu.assume_multiple %multiple_of3A_516, 8 : i32
    %dma_start3A_518 = tpu.memref_slice %arg11[%multiple_of3A_517] : memref<1792xi32, #tpu.memory_space<vmem>> -> memref<8xi32, #tpu.memory_space<vmem>>
    %dma_start3A_519 = arith.constant 0 : i32
    %dma_start3A_520 = arith.constant 0 : i32
    %dma_start3A_521 = tpu.memref_slice %arg2[%dma_start3A_519, %dma_start3A_520] : memref<1000x1024xf32, #tpu.memory_space<hbm>> -> memref<1000x1024xf32, #tpu.memory_space<hbm>>
    tpu.enqueue_indirect_dma source(%dma_start3A_521 : memref<1000x1024xf32, #tpu.memory_space<hbm>>) target(%arg22 : memref<8x1024xf32, #tpu.memory_space<vmem>>) offsets(%dma_start3A_518 : memref<8xi32, #tpu.memory_space<vmem>>) semaphore(%arg32 : memref<!tpu.dma_semaphore, #tpu.memory_space<semaphore_mem>>)
    %multiple_of3A_522 = arith.constant 32 : i32
    %multiple_of3A_523 = tpu.assume_multiple %multiple_of3A_522, 8 : i32
    %dma_start3A_524 = tpu.memref_slice %arg11[%multiple_of3A_523] : memref<1792xi32, #tpu.memory_space<vmem>> -> memref<8xi32, #tpu.memory_space<vmem>>
    %dma_start3A_525 = arith.constant 0 : i32
    %dma_start3A_526 = arith.constant 0 : i32
    %dma_start3A_527 = tpu.memref_slice %arg2[%dma_start3A_525, %dma_start3A_526] : memref<1000x1024xf32, #tpu.memory_space<hbm>> -> memref<1000x1024xf32, #tpu.memory_space<hbm>>
    tpu.enqueue_indirect_dma source(%dma_start3A_527 : memref<1000x1024xf32, #tpu.memory_space<hbm>>) target(%arg23 : memref<8x1024xf32, #tpu.memory_space<vmem>>) offsets(%dma_start3A_524 : memref<8xi32, #tpu.memory_space<vmem>>) semaphore(%arg33 : memref<!tpu.dma_semaphore, #tpu.memory_space<semaphore_mem>>)
    %multiple_of3A_528 = arith.constant 40 : i32
    %multiple_of3A_529 = tpu.assume_multiple %multiple_of3A_528, 8 : i32
    %dma_start3A_530 = tpu.memref_slice %arg11[%multiple_of3A_529] : memref<1792xi32, #tpu.memory_space<vmem>> -> memref<8xi32, #tpu.memory_space<vmem>>
    %dma_start3A_531 = arith.constant 0 : i32
    %dma_start3A_532 = arith.constant 0 : i32
    %dma_start3A_533 = tpu.memref_slice %arg2[%dma_start3A_531, %dma_start3A_532] : memref<1000x1024xf32, #tpu.memory_space<hbm>> -> memref<1000x1024xf32, #tpu.memory_space<hbm>>
    tpu.enqueue_indirect_dma source(%dma_start3A_533 : memref<1000x1024xf32, #tpu.memory_space<hbm>>) target(%arg24 : memref<8x1024xf32, #tpu.memory_space<vmem>>) offsets(%dma_start3A_530 : memref<8xi32, #tpu.memory_space<vmem>>) semaphore(%arg34 : memref<!tpu.dma_semaphore, #tpu.memory_space<semaphore_mem>>)
    %multiple_of3A_534 = arith.constant 48 : i32
    %multiple_of3A_535 = tpu.assume_multiple %multiple_of3A_534, 8 : i32
    %dma_start3A_536 = tpu.memref_slice %arg11[%multiple_of3A_535] : memref<1792xi32, #tpu.memory_space<vmem>> -> memref<8xi32, #tpu.memory_space<vmem>>
    %dma_start3A_537 = arith.constant 0 : i32
    %dma_start3A_538 = arith.constant 0 : i32
    %dma_start3A_539 = tpu.memref_slice %arg2[%dma_start3A_537, %dma_start3A_538] : memref<1000x1024xf32, #tpu.memory_space<hbm>> -> memref<1000x1024xf32, #tpu.memory_space<hbm>>
    tpu.enqueue_indirect_dma source(%dma_start3A_539 : memref<1000x1024xf32, #tpu.memory_space<hbm>>) target(%arg25 : memref<8x1024xf32, #tpu.memory_space<vmem>>) offsets(%dma_start3A_536 : memref<8xi32, #tpu.memory_space<vmem>>) semaphore(%arg35 : memref<!tpu.dma_semaphore, #tpu.memory_space<semaphore_mem>>)
    %multiple_of3A_540 = arith.constant 56 : i32
    %multiple_of3A_541 = tpu.assume_multiple %multiple_of3A_540, 8 : i32
    %dma_start3A_542 = tpu.memref_slice %arg11[%multiple_of3A_541] : memref<1792xi32, #tpu.memory_space<vmem>> -> memref<8xi32, #tpu.memory_space<vmem>>
    %dma_start3A_543 = arith.constant 0 : i32
    %dma_start3A_544 = arith.constant 0 : i32
    %dma_start3A_545 = tpu.memref_slice %arg2[%dma_start3A_543, %dma_start3A_544] : memref<1000x1024xf32, #tpu.memory_space<hbm>> -> memref<1000x1024xf32, #tpu.memory_space<hbm>>
    tpu.enqueue_indirect_dma source(%dma_start3A_545 : memref<1000x1024xf32, #tpu.memory_space<hbm>>) target(%arg26 : memref<8x1024xf32, #tpu.memory_space<vmem>>) offsets(%dma_start3A_542 : memref<8xi32, #tpu.memory_space<vmem>>) semaphore(%arg36 : memref<!tpu.dma_semaphore, #tpu.memory_space<semaphore_mem>>)
    %scan3A_546 = arith.constant 0 : i32
    %scan3A_547 = arith.constant 27 : i32
    %scan3A_548 = arith.addi %scan3A_546, %scan3A_547 : i32
    %scan3A_549 = arith.constant 1 : i32
    scf.for %scan3A_995 = %scan3A_546 to %scan3A_548 step %scan3A_549  : i32 {
      %mul3A_996 = arith.constant 8 : i32
      %mul3A_997 = arith.muli %scan3A_995, %mul3A_996 : i32
      %add3A_998 = arith.constant 0 : i32
      %add3A_999 = arith.addi %add3A_998, %mul3A_997 : i32
      %add3A_1000 = arith.constant 0 : i32
      %add3A_1001 = arith.addi %add3A_999, %add3A_1000 : i32
      %mul3A_1002 = arith.constant 8 : i32
      %mul3A_1003 = arith.muli %add3A_1001, %mul3A_1002 : i32
      %multiple_of3A_1004 = tpu.assume_multiple %mul3A_1003, 8 : i32
      %dma_wait3A_1005 = tpu.memref_slice %arg11[%multiple_of3A_1004] : memref<1792xi32, #tpu.memory_space<vmem>> -> memref<8xi32, #tpu.memory_space<vmem>>
      %dma_wait3A_1006 = arith.constant 0 : i32
      %dma_wait3A_1007 = arith.constant 0 : i32
      %dma_wait3A_1008 = tpu.memref_slice %arg2[%dma_wait3A_1006, %dma_wait3A_1007] : memref<1000x1024xf32, #tpu.memory_space<hbm>> -> memref<1000x1024xf32, #tpu.memory_space<hbm>>
      tpu.wait_indirect_dma semaphore(%arg29 : memref<!tpu.dma_semaphore, #tpu.memory_space<semaphore_mem>>) src(%dma_wait3A_1008 : memref<1000x1024xf32, #tpu.memory_space<hbm>>) dst(%arg19 : memref<8x1024xf32, #tpu.memory_space<vmem>>)
      %mul3A_1009 = arith.constant 16 : i32
      %mul3A_1010 = arith.muli %add3A_1001, %mul3A_1009 : i32
      %multiple_of3A_1011 = tpu.assume_multiple %mul3A_1010, 16 : i32
      %get3A_1012 = arith.index_cast %multiple_of3A_1011 : i32 to index
      %get3A_1013 = tpu.vector_load %arg18[%get3A_1012] {strides = array<i32>} : memref<3584xi32, #tpu.memory_space<vmem>>, vector<16xi32>,
      %get3A_1014 = vector.shape_cast %get3A_1013 : vector<16xi32> to vector<16xi32>
      %slice3A_1015 = vector.extract_strided_slice %get3A_1014 {offsets = [0], sizes = [1], strides = [1]} : vector<16xi32> to vector<1xi32>
      %squeeze3A_1016 = vector.extract %slice3A_1015[0] : i32 from vector<1xi32>
      %mul3A_1017 = arith.constant 8 : i32
      %mul3A_1018 = arith.muli %add3A_1001, %mul3A_1017 : i32
      %mul3A_1019 = arith.constant 56 : i32
      %mul3A_1020 = arith.muli %squeeze3A_1016, %mul3A_1019 : i32
      %sub3A_1021 = arith.subi %mul3A_1018, %mul3A_1020 : i32
      %multiple_of3A_1022 = tpu.assume_multiple %sub3A_1021, 8 : i32
      %add3A_1023 = arith.addi %mul3A_4, %squeeze3A_1016 : i32
      %dma_start3A_1024 = arith.constant 0 : i32
      %dma_start3A_1025 = arith.constant 0 : i32
      %dma_start3A_1026 = tpu.memref_slice %arg9[%add3A_1023, %dma_start3A_1024, %dma_start3A_1025] : memref<1024x50x1024xf32, #tpu.memory_space<hbm>> -> memref<1x50x1024xf32, #tpu.memory_space<hbm>>
      %dma_start3A_1027 = tpu.memref_squeeze %dma_start3A_1026 : memref<1x50x1024xf32, #tpu.memory_space<hbm>> -> memref<50x1024xf32, #tpu.memory_space<hbm>>
      %dma_start3A_1028 = arith.constant 0 : i32
      %dma_start3A_1029 = tpu.memref_slice %dma_start3A_1027[%multiple_of3A_1022, %dma_start3A_1028] : memref<50x1024xf32, #tpu.memory_space<hbm>> -> memref<8x1024xf32, #tpu.memory_space<hbm>>
      %dma_start3A_1030 = arith.constant 0 : i32
      %dma_start3A_1031 = arith.constant 0 : i32
      %dma_start3A_1032 = tpu.memref_slice %arg9[%add3A_1023, %dma_start3A_1030, %dma_start3A_1031] : memref<1024x50x1024xf32, #tpu.memory_space<hbm>> -> memref<1x50x1024xf32, #tpu.memory_space<hbm>>
      %dma_start3A_1033 = tpu.memref_squeeze %dma_start3A_1032 : memref<1x50x1024xf32, #tpu.memory_space<hbm>> -> memref<50x1024xf32, #tpu.memory_space<hbm>>
      %dma_start3A_1034 = arith.constant 0 : i32
      %dma_start3A_1035 = tpu.memref_slice %dma_start3A_1033[%multiple_of3A_1022, %dma_start3A_1034] : memref<50x1024xf32, #tpu.memory_space<hbm>> -> memref<8x1024xf32, #tpu.memory_space<hbm>>
      tpu.enqueue_dma source(%arg19 : memref<8x1024xf32, #tpu.memory_space<vmem>>) target(%dma_start3A_1035 : memref<8x1024xf32, #tpu.memory_space<hbm>>) target_semaphore(%arg37 : memref<!tpu.dma_semaphore, #tpu.memory_space<semaphore_mem>>)
      %add3A_1036 = arith.constant 1 : i32
      %add3A_1037 = arith.addi %add3A_999, %add3A_1036 : i32
      %mul3A_1038 = arith.constant 8 : i32
      %mul3A_1039 = arith.muli %add3A_1037, %mul3A_1038 : i32
      %multiple_of3A_1040 = tpu.assume_multiple %mul3A_1039, 8 : i32
      %dma_wait3A_1041 = tpu.memref_slice %arg11[%multiple_of3A_1040] : memref<1792xi32, #tpu.memory_space<vmem>> -> memref<8xi32, #tpu.memory_space<vmem>>
      %dma_wait3A_1042 = arith.constant 0 : i32
      %dma_wait3A_1043 = arith.constant 0 : i32
      %dma_wait3A_1044 = tpu.memref_slice %arg2[%dma_wait3A_1042, %dma_wait3A_1043] : memref<1000x1024xf32, #tpu.memory_space<hbm>> -> memref<1000x1024xf32, #tpu.memory_space<hbm>>
      tpu.wait_indirect_dma semaphore(%arg30 : memref<!tpu.dma_semaphore, #tpu.memory_space<semaphore_mem>>) src(%dma_wait3A_1044 : memref<1000x1024xf32, #tpu.memory_space<hbm>>) dst(%arg20 : memref<8x1024xf32, #tpu.memory_space<vmem>>)
      %mul3A_1045 = arith.constant 16 : i32
      %mul3A_1046 = arith.muli %add3A_1037, %mul3A_1045 : i32
      %multiple_of3A_1047 = tpu.assume_multiple %mul3A_1046, 16 : i32
      %get3A_1048 = arith.index_cast %multiple_of3A_1047 : i32 to index
      %get3A_1049 = tpu.vector_load %arg18[%get3A_1048] {strides = array<i32>} : memref<3584xi32, #tpu.memory_space<vmem>>, vector<16xi32>,
      %get3A_1050 = vector.shape_cast %get3A_1049 : vector<16xi32> to vector<16xi32>
      %slice3A_1051 = vector.extract_strided_slice %get3A_1050 {offsets = [0], sizes = [1], strides = [1]} : vector<16xi32> to vector<1xi32>
      %squeeze3A_1052 = vector.extract %slice3A_1051[0] : i32 from vector<1xi32>
      %mul3A_1053 = arith.constant 8 : i32
      %mul3A_1054 = arith.muli %add3A_1037, %mul3A_1053 : i32
      %mul3A_1055 = arith.constant 56 : i32
      %mul3A_1056 = arith.muli %squeeze3A_1052, %mul3A_1055 : i32
      %sub3A_1057 = arith.subi %mul3A_1054, %mul3A_1056 : i32
      %multiple_of3A_1058 = tpu.assume_multiple %sub3A_1057, 8 : i32
      %add3A_1059 = arith.addi %mul3A_4, %squeeze3A_1052 : i32
      %dma_start3A_1060 = arith.constant 0 : i32
      %dma_start3A_1061 = arith.constant 0 : i32
      %dma_start3A_1062 = tpu.memref_slice %arg9[%add3A_1059, %dma_start3A_1060, %dma_start3A_1061] : memref<1024x50x1024xf32, #tpu.memory_space<hbm>> -> memref<1x50x1024xf32, #tpu.memory_space<hbm>>
      %dma_start3A_1063 = tpu.memref_squeeze %dma_start3A_1062 : memref<1x50x1024xf32, #tpu.memory_space<hbm>> -> memref<50x1024xf32, #tpu.memory_space<hbm>>
      %dma_start3A_1064 = arith.constant 0 : i32
      %dma_start3A_1065 = tpu.memref_slice %dma_start3A_1063[%multiple_of3A_1058, %dma_start3A_1064] : memref<50x1024xf32, #tpu.memory_space<hbm>> -> memref<8x1024xf32, #tpu.memory_space<hbm>>
      %dma_start3A_1066 = arith.constant 0 : i32
      %dma_start3A_1067 = arith.constant 0 : i32
      %dma_start3A_1068 = tpu.memref_slice %arg9[%add3A_1059, %dma_start3A_1066, %dma_start3A_1067] : memref<1024x50x1024xf32, #tpu.memory_space<hbm>> -> memref<1x50x1024xf32, #tpu.memory_space<hbm>>
      %dma_start3A_1069 = tpu.memref_squeeze %dma_start3A_1068 : memref<1x50x1024xf32, #tpu.memory_space<hbm>> -> memref<50x1024xf32, #tpu.memory_space<hbm>>
      %dma_start3A_1070 = arith.constant 0 : i32
      %dma_start3A_1071 = tpu.memref_slice %dma_start3A_1069[%multiple_of3A_1058, %dma_start3A_1070] : memref<50x1024xf32, #tpu.memory_space<hbm>> -> memref<8x1024xf32, #tpu.memory_space<hbm>>
      tpu.enqueue_dma source(%arg20 : memref<8x1024xf32, #tpu.memory_space<vmem>>) target(%dma_start3A_1071 : memref<8x1024xf32, #tpu.memory_space<hbm>>) target_semaphore(%arg38 : memref<!tpu.dma_semaphore, #tpu.memory_space<semaphore_mem>>)
      %add3A_1072 = arith.constant 2 : i32
      %add3A_1073 = arith.addi %add3A_999, %add3A_1072 : i32
      %mul3A_1074 = arith.constant 8 : i32
      %mul3A_1075 = arith.muli %add3A_1073, %mul3A_1074 : i32
      %multiple_of3A_1076 = tpu.assume_multiple %mul3A_1075, 8 : i32
      %dma_wait3A_1077 = tpu.memref_slice %arg11[%multiple_of3A_1076] : memref<1792xi32, #tpu.memory_space<vmem>> -> memref<8xi32, #tpu.memory_space<vmem>>
      %dma_wait3A_1078 = arith.constant 0 : i32
      %dma_wait3A_1079 = arith.constant 0 : i32
      %dma_wait3A_1080 = tpu.memref_slice %arg2[%dma_wait3A_1078, %dma_wait3A_1079] : memref<1000x1024xf32, #tpu.memory_space<hbm>> -> memref<1000x1024xf32, #tpu.memory_space<hbm>>
      tpu.wait_indirect_dma semaphore(%arg31 : memref<!tpu.dma_semaphore, #tpu.memory_space<semaphore_mem>>) src(%dma_wait3A_1080 : memref<1000x1024xf32, #tpu.memory_space<hbm>>) dst(%arg21 : memref<8x1024xf32, #tpu.memory_space<vmem>>)
      %mul3A_1081 = arith.constant 16 : i32
      %mul3A_1082 = arith.muli %add3A_1073, %mul3A_1081 : i32
      %multiple_of3A_1083 = tpu.assume_multiple %mul3A_1082, 16 : i32
      %get3A_1084 = arith.index_cast %multiple_of3A_1083 : i32 to index
      %get3A_1085 = tpu.vector_load %arg18[%get3A_1084] {strides = array<i32>} : memref<3584xi32, #tpu.memory_space<vmem>>, vector<16xi32>,
      %get3A_1086 = vector.shape_cast %get3A_1085 : vector<16xi32> to vector<16xi32>
      %slice3A_1087 = vector.extract_strided_slice %get3A_1086 {offsets = [0], sizes = [1], strides = [1]} : vector<16xi32> to vector<1xi32>
      %squeeze3A_1088 = vector.extract %slice3A_1087[0] : i32 from vector<1xi32>
      %mul3A_1089 = arith.constant 8 : i32
      %mul3A_1090 = arith.muli %add3A_1073, %mul3A_1089 : i32
      %mul3A_1091 = arith.constant 56 : i32
      %mul3A_1092 = arith.muli %squeeze3A_1088, %mul3A_1091 : i32
      %sub3A_1093 = arith.subi %mul3A_1090, %mul3A_1092 : i32
      %multiple_of3A_1094 = tpu.assume_multiple %sub3A_1093, 8 : i32
      %add3A_1095 = arith.addi %mul3A_4, %squeeze3A_1088 : i32
      %dma_start3A_1096 = arith.constant 0 : i32
      %dma_start3A_1097 = arith.constant 0 : i32
      %dma_start3A_1098 = tpu.memref_slice %arg9[%add3A_1095, %dma_start3A_1096, %dma_start3A_1097] : memref<1024x50x1024xf32, #tpu.memory_space<hbm>> -> memref<1x50x1024xf32, #tpu.memory_space<hbm>>
      %dma_start3A_1099 = tpu.memref_squeeze %dma_start3A_1098 : memref<1x50x1024xf32, #tpu.memory_space<hbm>> -> memref<50x1024xf32, #tpu.memory_space<hbm>>
      %dma_start3A_1100 = arith.constant 0 : i32
      %dma_start3A_1101 = tpu.memref_slice %dma_start3A_1099[%multiple_of3A_1094, %dma_start3A_1100] : memref<50x1024xf32, #tpu.memory_space<hbm>> -> memref<8x1024xf32, #tpu.memory_space<hbm>>
      %dma_start3A_1102 = arith.constant 0 : i32
      %dma_start3A_1103 = arith.constant 0 : i32
      %dma_start3A_1104 = tpu.memref_slice %arg9[%add3A_1095, %dma_start3A_1102, %dma_start3A_1103] : memref<1024x50x1024xf32, #tpu.memory_space<hbm>> -> memref<1x50x1024xf32, #tpu.memory_space<hbm>>
      %dma_start3A_1105 = tpu.memref_squeeze %dma_start3A_1104 : memref<1x50x1024xf32, #tpu.memory_space<hbm>> -> memref<50x1024xf32, #tpu.memory_space<hbm>>
      %dma_start3A_1106 = arith.constant 0 : i32
      %dma_start3A_1107 = tpu.memref_slice %dma_start3A_1105[%multiple_of3A_1094, %dma_start3A_1106] : memref<50x1024xf32, #tpu.memory_space<hbm>> -> memref<8x1024xf32, #tpu.memory_space<hbm>>
      tpu.enqueue_dma source(%arg21 : memref<8x1024xf32, #tpu.memory_space<vmem>>) target(%dma_start3A_1107 : memref<8x1024xf32, #tpu.memory_space<hbm>>) target_semaphore(%arg39 : memref<!tpu.dma_semaphore, #tpu.memory_space<semaphore_mem>>)
      %add3A_1108 = arith.constant 3 : i32
      %add3A_1109 = arith.addi %add3A_999, %add3A_1108 : i32
      %mul3A_1110 = arith.constant 8 : i32
      %mul3A_1111 = arith.muli %add3A_1109, %mul3A_1110 : i32
      %multiple_of3A_1112 = tpu.assume_multiple %mul3A_1111, 8 : i32
      %dma_wait3A_1113 = tpu.memref_slice %arg11[%multiple_of3A_1112] : memref<1792xi32, #tpu.memory_space<vmem>> -> memref<8xi32, #tpu.memory_space<vmem>>
      %dma_wait3A_1114 = arith.constant 0 : i32
      %dma_wait3A_1115 = arith.constant 0 : i32
      %dma_wait3A_1116 = tpu.memref_slice %arg2[%dma_wait3A_1114, %dma_wait3A_1115] : memref<1000x1024xf32, #tpu.memory_space<hbm>> -> memref<1000x1024xf32, #tpu.memory_space<hbm>>
      tpu.wait_indirect_dma semaphore(%arg32 : memref<!tpu.dma_semaphore, #tpu.memory_space<semaphore_mem>>) src(%dma_wait3A_1116 : memref<1000x1024xf32, #tpu.memory_space<hbm>>) dst(%arg22 : memref<8x1024xf32, #tpu.memory_space<vmem>>)
      %mul3A_1117 = arith.constant 16 : i32
      %mul3A_1118 = arith.muli %add3A_1109, %mul3A_1117 : i32
      %multiple_of3A_1119 = tpu.assume_multiple %mul3A_1118, 16 : i32
      %get3A_1120 = arith.index_cast %multiple_of3A_1119 : i32 to index
      %get3A_1121 = tpu.vector_load %arg18[%get3A_1120] {strides = array<i32>} : memref<3584xi32, #tpu.memory_space<vmem>>, vector<16xi32>,
      %get3A_1122 = vector.shape_cast %get3A_1121 : vector<16xi32> to vector<16xi32>
      %slice3A_1123 = vector.extract_strided_slice %get3A_1122 {offsets = [0], sizes = [1], strides = [1]} : vector<16xi32> to vector<1xi32>
      %squeeze3A_1124 = vector.extract %slice3A_1123[0] : i32 from vector<1xi32>
      %mul3A_1125 = arith.constant 8 : i32
      %mul3A_1126 = arith.muli %add3A_1109, %mul3A_1125 : i32
      %mul3A_1127 = arith.constant 56 : i32
      %mul3A_1128 = arith.muli %squeeze3A_1124, %mul3A_1127 : i32
      %sub3A_1129 = arith.subi %mul3A_1126, %mul3A_1128 : i32
      %multiple_of3A_1130 = tpu.assume_multiple %sub3A_1129, 8 : i32
      %add3A_1131 = arith.addi %mul3A_4, %squeeze3A_1124 : i32
      %dma_start3A_1132 = arith.constant 0 : i32
      %dma_start3A_1133 = arith.constant 0 : i32
      %dma_start3A_1134 = tpu.memref_slice %arg9[%add3A_1131, %dma_start3A_1132, %dma_start3A_1133] : memref<1024x50x1024xf32, #tpu.memory_space<hbm>> -> memref<1x50x1024xf32, #tpu.memory_space<hbm>>
      %dma_start3A_1135 = tpu.memref_squeeze %dma_start3A_1134 : memref<1x50x1024xf32, #tpu.memory_space<hbm>> -> memref<50x1024xf32, #tpu.memory_space<hbm>>
      %dma_start3A_1136 = arith.constant 0 : i32
      %dma_start3A_1137 = tpu.memref_slice %dma_start3A_1135[%multiple_of3A_1130, %dma_start3A_1136] : memref<50x1024xf32, #tpu.memory_space<hbm>> -> memref<8x1024xf32, #tpu.memory_space<hbm>>
      %dma_start3A_1138 = arith.constant 0 : i32
      %dma_start3A_1139 = arith.constant 0 : i32
      %dma_start3A_1140 = tpu.memref_slice %arg9[%add3A_1131, %dma_start3A_1138, %dma_start3A_1139] : memref<1024x50x1024xf32, #tpu.memory_space<hbm>> -> memref<1x50x1024xf32, #tpu.memory_space<hbm>>
      %dma_start3A_1141 = tpu.memref_squeeze %dma_start3A_1140 : memref<1x50x1024xf32, #tpu.memory_space<hbm>> -> memref<50x1024xf32, #tpu.memory_space<hbm>>
      %dma_start3A_1142 = arith.constant 0 : i32
      %dma_start3A_1143 = tpu.memref_slice %dma_start3A_1141[%multiple_of3A_1130, %dma_start3A_1142] : memref<50x1024xf32, #tpu.memory_space<hbm>> -> memref<8x1024xf32, #tpu.memory_space<hbm>>
      tpu.enqueue_dma source(%arg22 : memref<8x1024xf32, #tpu.memory_space<vmem>>) target(%dma_start3A_1143 : memref<8x1024xf32, #tpu.memory_space<hbm>>) target_semaphore(%arg40 : memref<!tpu.dma_semaphore, #tpu.memory_space<semaphore_mem>>)
      %add3A_1144 = arith.constant 4 : i32
      %add3A_1145 = arith.addi %add3A_999, %add3A_1144 : i32
      %mul3A_1146 = arith.constant 8 : i32
      %mul3A_1147 = arith.muli %add3A_1145, %mul3A_1146 : i32
      %multiple_of3A_1148 = tpu.assume_multiple %mul3A_1147, 8 : i32
      %dma_wait3A_1149 = tpu.memref_slice %arg11[%multiple_of3A_1148] : memref<1792xi32, #tpu.memory_space<vmem>> -> memref<8xi32, #tpu.memory_space<vmem>>
      %dma_wait3A_1150 = arith.constant 0 : i32
      %dma_wait3A_1151 = arith.constant 0 : i32
      %dma_wait3A_1152 = tpu.memref_slice %arg2[%dma_wait3A_1150, %dma_wait3A_1151] : memref<1000x1024xf32, #tpu.memory_space<hbm>> -> memref<1000x1024xf32, #tpu.memory_space<hbm>>
      tpu.wait_indirect_dma semaphore(%arg33 : memref<!tpu.dma_semaphore, #tpu.memory_space<semaphore_mem>>) src(%dma_wait3A_1152 : memref<1000x1024xf32, #tpu.memory_space<hbm>>) dst(%arg23 : memref<8x1024xf32, #tpu.memory_space<vmem>>)
      %mul3A_1153 = arith.constant 16 : i32
      %mul3A_1154 = arith.muli %add3A_1145, %mul3A_1153 : i32
      %multiple_of3A_1155 = tpu.assume_multiple %mul3A_1154, 16 : i32
      %get3A_1156 = arith.index_cast %multiple_of3A_1155 : i32 to index
      %get3A_1157 = tpu.vector_load %arg18[%get3A_1156] {strides = array<i32>} : memref<3584xi32, #tpu.memory_space<vmem>>, vector<16xi32>,
      %get3A_1158 = vector.shape_cast %get3A_1157 : vector<16xi32> to vector<16xi32>
      %slice3A_1159 = vector.extract_strided_slice %get3A_1158 {offsets = [0], sizes = [1], strides = [1]} : vector<16xi32> to vector<1xi32>
      %squeeze3A_1160 = vector.extract %slice3A_1159[0] : i32 from vector<1xi32>
      %mul3A_1161 = arith.constant 8 : i32
      %mul3A_1162 = arith.muli %add3A_1145, %mul3A_1161 : i32
      %mul3A_1163 = arith.constant 56 : i32
      %mul3A_1164 = arith.muli %squeeze3A_1160, %mul3A_1163 : i32
      %sub3A_1165 = arith.subi %mul3A_1162, %mul3A_1164 : i32
      %multiple_of3A_1166 = tpu.assume_multiple %sub3A_1165, 8 : i32
      %add3A_1167 = arith.addi %mul3A_4, %squeeze3A_1160 : i32
      %dma_start3A_1168 = arith.constant 0 : i32
      %dma_start3A_1169 = arith.constant 0 : i32
      %dma_start3A_1170 = tpu.memref_slice %arg9[%add3A_1167, %dma_start3A_1168, %dma_start3A_1169] : memref<1024x50x1024xf32, #tpu.memory_space<hbm>> -> memref<1x50x1024xf32, #tpu.memory_space<hbm>>
      %dma_start3A_1171 = tpu.memref_squeeze %dma_start3A_1170 : memref<1x50x1024xf32, #tpu.memory_space<hbm>> -> memref<50x1024xf32, #tpu.memory_space<hbm>>
      %dma_start3A_1172 = arith.constant 0 : i32
      %dma_start3A_1173 = tpu.memref_slice %dma_start3A_1171[%multiple_of3A_1166, %dma_start3A_1172] : memref<50x1024xf32, #tpu.memory_space<hbm>> -> memref<8x1024xf32, #tpu.memory_space<hbm>>
      %dma_start3A_1174 = arith.constant 0 : i32
      %dma_start3A_1175 = arith.constant 0 : i32
      %dma_start3A_1176 = tpu.memref_slice %arg9[%add3A_1167, %dma_start3A_1174, %dma_start3A_1175] : memref<1024x50x1024xf32, #tpu.memory_space<hbm>> -> memref<1x50x1024xf32, #tpu.memory_space<hbm>>
      %dma_start3A_1177 = tpu.memref_squeeze %dma_start3A_1176 : memref<1x50x1024xf32, #tpu.memory_space<hbm>> -> memref<50x1024xf32, #tpu.memory_space<hbm>>
      %dma_start3A_1178 = arith.constant 0 : i32
      %dma_start3A_1179 = tpu.memref_slice %dma_start3A_1177[%multiple_of3A_1166, %dma_start3A_1178] : memref<50x1024xf32, #tpu.memory_space<hbm>> -> memref<8x1024xf32, #tpu.memory_space<hbm>>
      tpu.enqueue_dma source(%arg23 : memref<8x1024xf32, #tpu.memory_space<vmem>>) target(%dma_start3A_1179 : memref<8x1024xf32, #tpu.memory_space<hbm>>) target_semaphore(%arg41 : memref<!tpu.dma_semaphore, #tpu.memory_space<semaphore_mem>>)
      %add3A_1180 = arith.constant 5 : i32
      %add3A_1181 = arith.addi %add3A_999, %add3A_1180 : i32
      %mul3A_1182 = arith.constant 8 : i32
      %mul3A_1183 = arith.muli %add3A_1181, %mul3A_1182 : i32
      %multiple_of3A_1184 = tpu.assume_multiple %mul3A_1183, 8 : i32
      %dma_wait3A_1185 = tpu.memref_slice %arg11[%multiple_of3A_1184] : memref<1792xi32, #tpu.memory_space<vmem>> -> memref<8xi32, #tpu.memory_space<vmem>>
      %dma_wait3A_1186 = arith.constant 0 : i32
      %dma_wait3A_1187 = arith.constant 0 : i32
      %dma_wait3A_1188 = tpu.memref_slice %arg2[%dma_wait3A_1186, %dma_wait3A_1187] : memref<1000x1024xf32, #tpu.memory_space<hbm>> -> memref<1000x1024xf32, #tpu.memory_space<hbm>>
      tpu.wait_indirect_dma semaphore(%arg34 : memref<!tpu.dma_semaphore, #tpu.memory_space<semaphore_mem>>) src(%dma_wait3A_1188 : memref<1000x1024xf32, #tpu.memory_space<hbm>>) dst(%arg24 : memref<8x1024xf32, #tpu.memory_space<vmem>>)
      %mul3A_1189 = arith.constant 16 : i32
      %mul3A_1190 = arith.muli %add3A_1181, %mul3A_1189 : i32
      %multiple_of3A_1191 = tpu.assume_multiple %mul3A_1190, 16 : i32
      %get3A_1192 = arith.index_cast %multiple_of3A_1191 : i32 to index
      %get3A_1193 = tpu.vector_load %arg18[%get3A_1192] {strides = array<i32>} : memref<3584xi32, #tpu.memory_space<vmem>>, vector<16xi32>,
      %get3A_1194 = vector.shape_cast %get3A_1193 : vector<16xi32> to vector<16xi32>
      %slice3A_1195 = vector.extract_strided_slice %get3A_1194 {offsets = [0], sizes = [1], strides = [1]} : vector<16xi32> to vector<1xi32>
      %squeeze3A_1196 = vector.extract %slice3A_1195[0] : i32 from vector<1xi32>
      %mul3A_1197 = arith.constant 8 : i32
      %mul3A_1198 = arith.muli %add3A_1181, %mul3A_1197 : i32
      %mul3A_1199 = arith.constant 56 : i32
      %mul3A_1200 = arith.muli %squeeze3A_1196, %mul3A_1199 : i32
      %sub3A_1201 = arith.subi %mul3A_1198, %mul3A_1200 : i32
      %multiple_of3A_1202 = tpu.assume_multiple %sub3A_1201, 8 : i32
      %add3A_1203 = arith.addi %mul3A_4, %squeeze3A_1196 : i32
      %dma_start3A_1204 = arith.constant 0 : i32
      %dma_start3A_1205 = arith.constant 0 : i32
      %dma_start3A_1206 = tpu.memref_slice %arg9[%add3A_1203, %dma_start3A_1204, %dma_start3A_1205] : memref<1024x50x1024xf32, #tpu.memory_space<hbm>> -> memref<1x50x1024xf32, #tpu.memory_space<hbm>>
      %dma_start3A_1207 = tpu.memref_squeeze %dma_start3A_1206 : memref<1x50x1024xf32, #tpu.memory_space<hbm>> -> memref<50x1024xf32, #tpu.memory_space<hbm>>
      %dma_start3A_1208 = arith.constant 0 : i32
      %dma_start3A_1209 = tpu.memref_slice %dma_start3A_1207[%multiple_of3A_1202, %dma_start3A_1208] : memref<50x1024xf32, #tpu.memory_space<hbm>> -> memref<8x1024xf32, #tpu.memory_space<hbm>>
      %dma_start3A_1210 = arith.constant 0 : i32
      %dma_start3A_1211 = arith.constant 0 : i32
      %dma_start3A_1212 = tpu.memref_slice %arg9[%add3A_1203, %dma_start3A_1210, %dma_start3A_1211] : memref<1024x50x1024xf32, #tpu.memory_space<hbm>> -> memref<1x50x1024xf32, #tpu.memory_space<hbm>>
      %dma_start3A_1213 = tpu.memref_squeeze %dma_start3A_1212 : memref<1x50x1024xf32, #tpu.memory_space<hbm>> -> memref<50x1024xf32, #tpu.memory_space<hbm>>
      %dma_start3A_1214 = arith.constant 0 : i32
      %dma_start3A_1215 = tpu.memref_slice %dma_start3A_1213[%multiple_of3A_1202, %dma_start3A_1214] : memref<50x1024xf32, #tpu.memory_space<hbm>> -> memref<8x1024xf32, #tpu.memory_space<hbm>>
      tpu.enqueue_dma source(%arg24 : memref<8x1024xf32, #tpu.memory_space<vmem>>) target(%dma_start3A_1215 : memref<8x1024xf32, #tpu.memory_space<hbm>>) target_semaphore(%arg42 : memref<!tpu.dma_semaphore, #tpu.memory_space<semaphore_mem>>)
      %add3A_1216 = arith.constant 6 : i32
      %add3A_1217 = arith.addi %add3A_999, %add3A_1216 : i32
      %mul3A_1218 = arith.constant 8 : i32
      %mul3A_1219 = arith.muli %add3A_1217, %mul3A_1218 : i32
      %multiple_of3A_1220 = tpu.assume_multiple %mul3A_1219, 8 : i32
      %dma_wait3A_1221 = tpu.memref_slice %arg11[%multiple_of3A_1220] : memref<1792xi32, #tpu.memory_space<vmem>> -> memref<8xi32, #tpu.memory_space<vmem>>
      %dma_wait3A_1222 = arith.constant 0 : i32
      %dma_wait3A_1223 = arith.constant 0 : i32
      %dma_wait3A_1224 = tpu.memref_slice %arg2[%dma_wait3A_1222, %dma_wait3A_1223] : memref<1000x1024xf32, #tpu.memory_space<hbm>> -> memref<1000x1024xf32, #tpu.memory_space<hbm>>
      tpu.wait_indirect_dma semaphore(%arg35 : memref<!tpu.dma_semaphore, #tpu.memory_space<semaphore_mem>>) src(%dma_wait3A_1224 : memref<1000x1024xf32, #tpu.memory_space<hbm>>) dst(%arg25 : memref<8x1024xf32, #tpu.memory_space<vmem>>)
      %mul3A_1225 = arith.constant 16 : i32
      %mul3A_1226 = arith.muli %add3A_1217, %mul3A_1225 : i32
      %multiple_of3A_1227 = tpu.assume_multiple %mul3A_1226, 16 : i32
      %get3A_1228 = arith.index_cast %multiple_of3A_1227 : i32 to index
      %get3A_1229 = tpu.vector_load %arg18[%get3A_1228] {strides = array<i32>} : memref<3584xi32, #tpu.memory_space<vmem>>, vector<16xi32>,
      %get3A_1230 = vector.shape_cast %get3A_1229 : vector<16xi32> to vector<16xi32>
      %slice3A_1231 = vector.extract_strided_slice %get3A_1230 {offsets = [0], sizes = [1], strides = [1]} : vector<16xi32> to vector<1xi32>
      %squeeze3A_1232 = vector.extract %slice3A_1231[0] : i32 from vector<1xi32>
      %mul3A_1233 = arith.constant 8 : i32
      %mul3A_1234 = arith.muli %add3A_1217, %mul3A_1233 : i32
      %mul3A_1235 = arith.constant 56 : i32
      %mul3A_1236 = arith.muli %squeeze3A_1232, %mul3A_1235 : i32
      %sub3A_1237 = arith.subi %mul3A_1234, %mul3A_1236 : i32
      %multiple_of3A_1238 = tpu.assume_multiple %sub3A_1237, 8 : i32
      %add3A_1239 = arith.addi %mul3A_4, %squeeze3A_1232 : i32
      %dma_start3A_1240 = arith.constant 0 : i32
      %dma_start3A_1241 = arith.constant 0 : i32
      %dma_start3A_1242 = tpu.memref_slice %arg9[%add3A_1239, %dma_start3A_1240, %dma_start3A_1241] : memref<1024x50x1024xf32, #tpu.memory_space<hbm>> -> memref<1x50x1024xf32, #tpu.memory_space<hbm>>
      %dma_start3A_1243 = tpu.memref_squeeze %dma_start3A_1242 : memref<1x50x1024xf32, #tpu.memory_space<hbm>> -> memref<50x1024xf32, #tpu.memory_space<hbm>>
      %dma_start3A_1244 = arith.constant 0 : i32
      %dma_start3A_1245 = tpu.memref_slice %dma_start3A_1243[%multiple_of3A_1238, %dma_start3A_1244] : memref<50x1024xf32, #tpu.memory_space<hbm>> -> memref<8x1024xf32, #tpu.memory_space<hbm>>
      %dma_start3A_1246 = arith.constant 0 : i32
      %dma_start3A_1247 = arith.constant 0 : i32
      %dma_start3A_1248 = tpu.memref_slice %arg9[%add3A_1239, %dma_start3A_1246, %dma_start3A_1247] : memref<1024x50x1024xf32, #tpu.memory_space<hbm>> -> memref<1x50x1024xf32, #tpu.memory_space<hbm>>
      %dma_start3A_1249 = tpu.memref_squeeze %dma_start3A_1248 : memref<1x50x1024xf32, #tpu.memory_space<hbm>> -> memref<50x1024xf32, #tpu.memory_space<hbm>>
      %dma_start3A_1250 = arith.constant 0 : i32
      %dma_start3A_1251 = tpu.memref_slice %dma_start3A_1249[%multiple_of3A_1238, %dma_start3A_1250] : memref<50x1024xf32, #tpu.memory_space<hbm>> -> memref<8x1024xf32, #tpu.memory_space<hbm>>
      tpu.enqueue_dma source(%arg25 : memref<8x1024xf32, #tpu.memory_space<vmem>>) target(%dma_start3A_1251 : memref<8x1024xf32, #tpu.memory_space<hbm>>) target_semaphore(%arg43 : memref<!tpu.dma_semaphore, #tpu.memory_space<semaphore_mem>>)
      %add3A_1252 = arith.constant 7 : i32
      %add3A_1253 = arith.addi %add3A_999, %add3A_1252 : i32
      %mul3A_1254 = arith.constant 8 : i32
      %mul3A_1255 = arith.muli %add3A_1253, %mul3A_1254 : i32
      %multiple_of3A_1256 = tpu.assume_multiple %mul3A_1255, 8 : i32
      %dma_wait3A_1257 = tpu.memref_slice %arg11[%multiple_of3A_1256] : memref<1792xi32, #tpu.memory_space<vmem>> -> memref<8xi32, #tpu.memory_space<vmem>>
      %dma_wait3A_1258 = arith.constant 0 : i32
      %dma_wait3A_1259 = arith.constant 0 : i32
      %dma_wait3A_1260 = tpu.memref_slice %arg2[%dma_wait3A_1258, %dma_wait3A_1259] : memref<1000x1024xf32, #tpu.memory_space<hbm>> -> memref<1000x1024xf32, #tpu.memory_space<hbm>>
      tpu.wait_indirect_dma semaphore(%arg36 : memref<!tpu.dma_semaphore, #tpu.memory_space<semaphore_mem>>) src(%dma_wait3A_1260 : memref<1000x1024xf32, #tpu.memory_space<hbm>>) dst(%arg26 : memref<8x1024xf32, #tpu.memory_space<vmem>>)
      %mul3A_1261 = arith.constant 16 : i32
      %mul3A_1262 = arith.muli %add3A_1253, %mul3A_1261 : i32
      %multiple_of3A_1263 = tpu.assume_multiple %mul3A_1262, 16 : i32
      %get3A_1264 = arith.index_cast %multiple_of3A_1263 : i32 to index
      %get3A_1265 = tpu.vector_load %arg18[%get3A_1264] {strides = array<i32>} : memref<3584xi32, #tpu.memory_space<vmem>>, vector<16xi32>,
      %get3A_1266 = vector.shape_cast %get3A_1265 : vector<16xi32> to vector<16xi32>
      %slice3A_1267 = vector.extract_strided_slice %get3A_1266 {offsets = [0], sizes = [1], strides = [1]} : vector<16xi32> to vector<1xi32>
      %squeeze3A_1268 = vector.extract %slice3A_1267[0] : i32 from vector<1xi32>
      %mul3A_1269 = arith.constant 8 : i32
      %mul3A_1270 = arith.muli %add3A_1253, %mul3A_1269 : i32
      %mul3A_1271 = arith.constant 56 : i32
      %mul3A_1272 = arith.muli %squeeze3A_1268, %mul3A_1271 : i32
      %sub3A_1273 = arith.subi %mul3A_1270, %mul3A_1272 : i32
      %multiple_of3A_1274 = tpu.assume_multiple %sub3A_1273, 8 : i32
      %add3A_1275 = arith.addi %mul3A_4, %squeeze3A_1268 : i32
      %dma_start3A_1276 = arith.constant 0 : i32
      %dma_start3A_1277 = arith.constant 0 : i32
      %dma_start3A_1278 = tpu.memref_slice %arg9[%add3A_1275, %dma_start3A_1276, %dma_start3A_1277] : memref<1024x50x1024xf32, #tpu.memory_space<hbm>> -> memref<1x50x1024xf32, #tpu.memory_space<hbm>>
      %dma_start3A_1279 = tpu.memref_squeeze %dma_start3A_1278 : memref<1x50x1024xf32, #tpu.memory_space<hbm>> -> memref<50x1024xf32, #tpu.memory_space<hbm>>
      %dma_start3A_1280 = arith.constant 0 : i32
      %dma_start3A_1281 = tpu.memref_slice %dma_start3A_1279[%multiple_of3A_1274, %dma_start3A_1280] : memref<50x1024xf32, #tpu.memory_space<hbm>> -> memref<8x1024xf32, #tpu.memory_space<hbm>>
      %dma_start3A_1282 = arith.constant 0 : i32
      %dma_start3A_1283 = arith.constant 0 : i32
      %dma_start3A_1284 = tpu.memref_slice %arg9[%add3A_1275, %dma_start3A_1282, %dma_start3A_1283] : memref<1024x50x1024xf32, #tpu.memory_space<hbm>> -> memref<1x50x1024xf32, #tpu.memory_space<hbm>>
      %dma_start3A_1285 = tpu.memref_squeeze %dma_start3A_1284 : memref<1x50x1024xf32, #tpu.memory_space<hbm>> -> memref<50x1024xf32, #tpu.memory_space<hbm>>
      %dma_start3A_1286 = arith.constant 0 : i32
      %dma_start3A_1287 = tpu.memref_slice %dma_start3A_1285[%multiple_of3A_1274, %dma_start3A_1286] : memref<50x1024xf32, #tpu.memory_space<hbm>> -> memref<8x1024xf32, #tpu.memory_space<hbm>>
      tpu.enqueue_dma source(%arg26 : memref<8x1024xf32, #tpu.memory_space<vmem>>) target(%dma_start3A_1287 : memref<8x1024xf32, #tpu.memory_space<hbm>>) target_semaphore(%arg44 : memref<!tpu.dma_semaphore, #tpu.memory_space<semaphore_mem>>)
      %add3A_1288 = arith.constant 0 : i32
      %add3A_1289 = arith.addi %add3A_999, %add3A_1288 : i32
      %mul3A_1290 = arith.constant 16 : i32
      %mul3A_1291 = arith.muli %add3A_1289, %mul3A_1290 : i32
      %multiple_of3A_1292 = tpu.assume_multiple %mul3A_1291, 16 : i32
      %get3A_1293 = arith.index_cast %multiple_of3A_1292 : i32 to index
      %get3A_1294 = tpu.vector_load %arg18[%get3A_1293] {strides = array<i32>} : memref<3584xi32, #tpu.memory_space<vmem>>, vector<16xi32>,
      %get3A_1295 = vector.shape_cast %get3A_1294 : vector<16xi32> to vector<16xi32>
      %slice3A_1296 = vector.extract_strided_slice %get3A_1295 {offsets = [0], sizes = [1], strides = [1]} : vector<16xi32> to vector<1xi32>
      %squeeze3A_1297 = vector.extract %slice3A_1296[0] : i32 from vector<1xi32>
      %mul3A_1298 = arith.constant 8 : i32
      %mul3A_1299 = arith.muli %add3A_1289, %mul3A_1298 : i32
      %mul3A_1300 = arith.constant 56 : i32
      %mul3A_1301 = arith.muli %squeeze3A_1297, %mul3A_1300 : i32
      %sub3A_1302 = arith.subi %mul3A_1299, %mul3A_1301 : i32
      %multiple_of3A_1303 = tpu.assume_multiple %sub3A_1302, 8 : i32
      %add3A_1304 = arith.addi %mul3A_4, %squeeze3A_1297 : i32
      %dma_wait3A_1305 = arith.constant 0 : i32
      %dma_wait3A_1306 = arith.constant 0 : i32
      %dma_wait3A_1307 = tpu.memref_slice %arg9[%add3A_1304, %dma_wait3A_1305, %dma_wait3A_1306] : memref<1024x50x1024xf32, #tpu.memory_space<hbm>> -> memref<1x50x1024xf32, #tpu.memory_space<hbm>>
      %dma_wait3A_1308 = tpu.memref_squeeze %dma_wait3A_1307 : memref<1x50x1024xf32, #tpu.memory_space<hbm>> -> memref<50x1024xf32, #tpu.memory_space<hbm>>
      %dma_wait3A_1309 = arith.constant 0 : i32
      %dma_wait3A_1310 = tpu.memref_slice %dma_wait3A_1308[%multiple_of3A_1303, %dma_wait3A_1309] : memref<50x1024xf32, #tpu.memory_space<hbm>> -> memref<8x1024xf32, #tpu.memory_space<hbm>>
      %dma_wait3A_1311 = arith.constant 0 : i32
      %dma_wait3A_1312 = arith.constant 0 : i32
      %dma_wait3A_1313 = tpu.memref_slice %arg9[%add3A_1304, %dma_wait3A_1311, %dma_wait3A_1312] : memref<1024x50x1024xf32, #tpu.memory_space<hbm>> -> memref<1x50x1024xf32, #tpu.memory_space<hbm>>
      %dma_wait3A_1314 = tpu.memref_squeeze %dma_wait3A_1313 : memref<1x50x1024xf32, #tpu.memory_space<hbm>> -> memref<50x1024xf32, #tpu.memory_space<hbm>>
      %dma_wait3A_1315 = arith.constant 0 : i32
      %dma_wait3A_1316 = tpu.memref_slice %dma_wait3A_1314[%multiple_of3A_1303, %dma_wait3A_1315] : memref<50x1024xf32, #tpu.memory_space<hbm>> -> memref<8x1024xf32, #tpu.memory_space<hbm>>
      tpu.wait_dma2 semaphore(%arg37 : memref<!tpu.dma_semaphore, #tpu.memory_space<semaphore_mem>>) src(%arg19 : memref<8x1024xf32, #tpu.memory_space<vmem>>) dst(%dma_wait3A_1316 : memref<8x1024xf32, #tpu.memory_space<hbm>>)
      %add3A_1317 = arith.constant 8 : i32
      %add3A_1318 = arith.addi %add3A_1289, %add3A_1317 : i32
      %mul3A_1319 = arith.constant 8 : i32
      %mul3A_1320 = arith.muli %add3A_1318, %mul3A_1319 : i32
      %multiple_of3A_1321 = tpu.assume_multiple %mul3A_1320, 8 : i32
      %dma_start3A_1322 = tpu.memref_slice %arg11[%multiple_of3A_1321] : memref<1792xi32, #tpu.memory_space<vmem>> -> memref<8xi32, #tpu.memory_space<vmem>>
      %dma_start3A_1323 = arith.constant 0 : i32
      %dma_start3A_1324 = arith.constant 0 : i32
      %dma_start3A_1325 = tpu.memref_slice %arg2[%dma_start3A_1323, %dma_start3A_1324] : memref<1000x1024xf32, #tpu.memory_space<hbm>> -> memref<1000x1024xf32, #tpu.memory_space<hbm>>
      tpu.enqueue_indirect_dma source(%dma_start3A_1325 : memref<1000x1024xf32, #tpu.memory_space<hbm>>) target(%arg19 : memref<8x1024xf32, #tpu.memory_space<vmem>>) offsets(%dma_start3A_1322 : memref<8xi32, #tpu.memory_space<vmem>>) semaphore(%arg29 : memref<!tpu.dma_semaphore, #tpu.memory_space<semaphore_mem>>)
      %add3A_1326 = arith.constant 1 : i32
      %add3A_1327 = arith.addi %add3A_999, %add3A_1326 : i32
      %mul3A_1328 = arith.constant 16 : i32
      %mul3A_1329 = arith.muli %add3A_1327, %mul3A_1328 : i32
      %multiple_of3A_1330 = tpu.assume_multiple %mul3A_1329, 16 : i32
      %get3A_1331 = arith.index_cast %multiple_of3A_1330 : i32 to index
      %get3A_1332 = tpu.vector_load %arg18[%get3A_1331] {strides = array<i32>} : memref<3584xi32, #tpu.memory_space<vmem>>, vector<16xi32>,
      %get3A_1333 = vector.shape_cast %get3A_1332 : vector<16xi32> to vector<16xi32>
      %slice3A_1334 = vector.extract_strided_slice %get3A_1333 {offsets = [0], sizes = [1], strides = [1]} : vector<16xi32> to vector<1xi32>
      %squeeze3A_1335 = vector.extract %slice3A_1334[0] : i32 from vector<1xi32>
      %mul3A_1336 = arith.constant 8 : i32
      %mul3A_1337 = arith.muli %add3A_1327, %mul3A_1336 : i32
      %mul3A_1338 = arith.constant 56 : i32
      %mul3A_1339 = arith.muli %squeeze3A_1335, %mul3A_1338 : i32
      %sub3A_1340 = arith.subi %mul3A_1337, %mul3A_1339 : i32
      %multiple_of3A_1341 = tpu.assume_multiple %sub3A_1340, 8 : i32
      %add3A_1342 = arith.addi %mul3A_4, %squeeze3A_1335 : i32
      %dma_wait3A_1343 = arith.constant 0 : i32
      %dma_wait3A_1344 = arith.constant 0 : i32
      %dma_wait3A_1345 = tpu.memref_slice %arg9[%add3A_1342, %dma_wait3A_1343, %dma_wait3A_1344] : memref<1024x50x1024xf32, #tpu.memory_space<hbm>> -> memref<1x50x1024xf32, #tpu.memory_space<hbm>>
      %dma_wait3A_1346 = tpu.memref_squeeze %dma_wait3A_1345 : memref<1x50x1024xf32, #tpu.memory_space<hbm>> -> memref<50x1024xf32, #tpu.memory_space<hbm>>
      %dma_wait3A_1347 = arith.constant 0 : i32
      %dma_wait3A_1348 = tpu.memref_slice %dma_wait3A_1346[%multiple_of3A_1341, %dma_wait3A_1347] : memref<50x1024xf32, #tpu.memory_space<hbm>> -> memref<8x1024xf32, #tpu.memory_space<hbm>>
      %dma_wait3A_1349 = arith.constant 0 : i32
      %dma_wait3A_1350 = arith.constant 0 : i32
      %dma_wait3A_1351 = tpu.memref_slice %arg9[%add3A_1342, %dma_wait3A_1349, %dma_wait3A_1350] : memref<1024x50x1024xf32, #tpu.memory_space<hbm>> -> memref<1x50x1024xf32, #tpu.memory_space<hbm>>
      %dma_wait3A_1352 = tpu.memref_squeeze %dma_wait3A_1351 : memref<1x50x1024xf32, #tpu.memory_space<hbm>> -> memref<50x1024xf32, #tpu.memory_space<hbm>>
      %dma_wait3A_1353 = arith.constant 0 : i32
      %dma_wait3A_1354 = tpu.memref_slice %dma_wait3A_1352[%multiple_of3A_1341, %dma_wait3A_1353] : memref<50x1024xf32, #tpu.memory_space<hbm>> -> memref<8x1024xf32, #tpu.memory_space<hbm>>
      tpu.wait_dma2 semaphore(%arg38 : memref<!tpu.dma_semaphore, #tpu.memory_space<semaphore_mem>>) src(%arg20 : memref<8x1024xf32, #tpu.memory_space<vmem>>) dst(%dma_wait3A_1354 : memref<8x1024xf32, #tpu.memory_space<hbm>>)
      %add3A_1355 = arith.constant 8 : i32
      %add3A_1356 = arith.addi %add3A_1327, %add3A_1355 : i32
      %mul3A_1357 = arith.constant 8 : i32
      %mul3A_1358 = arith.muli %add3A_1356, %mul3A_1357 : i32
      %multiple_of3A_1359 = tpu.assume_multiple %mul3A_1358, 8 : i32
      %dma_start3A_1360 = tpu.memref_slice %arg11[%multiple_of3A_1359] : memref<1792xi32, #tpu.memory_space<vmem>> -> memref<8xi32, #tpu.memory_space<vmem>>
      %dma_start3A_1361 = arith.constant 0 : i32
      %dma_start3A_1362 = arith.constant 0 : i32
      %dma_start3A_1363 = tpu.memref_slice %arg2[%dma_start3A_1361, %dma_start3A_1362] : memref<1000x1024xf32, #tpu.memory_space<hbm>> -> memref<1000x1024xf32, #tpu.memory_space<hbm>>
      tpu.enqueue_indirect_dma source(%dma_start3A_1363 : memref<1000x1024xf32, #tpu.memory_space<hbm>>) target(%arg20 : memref<8x1024xf32, #tpu.memory_space<vmem>>) offsets(%dma_start3A_1360 : memref<8xi32, #tpu.memory_space<vmem>>) semaphore(%arg30 : memref<!tpu.dma_semaphore, #tpu.memory_space<semaphore_mem>>)
      %add3A_1364 = arith.constant 2 : i32
      %add3A_1365 = arith.addi %add3A_999, %add3A_1364 : i32
      %mul3A_1366 = arith.constant 16 : i32
      %mul3A_1367 = arith.muli %add3A_1365, %mul3A_1366 : i32
      %multiple_of3A_1368 = tpu.assume_multiple %mul3A_1367, 16 : i32
      %get3A_1369 = arith.index_cast %multiple_of3A_1368 : i32 to index
      %get3A_1370 = tpu.vector_load %arg18[%get3A_1369] {strides = array<i32>} : memref<3584xi32, #tpu.memory_space<vmem>>, vector<16xi32>,
      %get3A_1371 = vector.shape_cast %get3A_1370 : vector<16xi32> to vector<16xi32>
      %slice3A_1372 = vector.extract_strided_slice %get3A_1371 {offsets = [0], sizes = [1], strides = [1]} : vector<16xi32> to vector<1xi32>
      %squeeze3A_1373 = vector.extract %slice3A_1372[0] : i32 from vector<1xi32>
      %mul3A_1374 = arith.constant 8 : i32
      %mul3A_1375 = arith.muli %add3A_1365, %mul3A_1374 : i32
      %mul3A_1376 = arith.constant 56 : i32
      %mul3A_1377 = arith.muli %squeeze3A_1373, %mul3A_1376 : i32
      %sub3A_1378 = arith.subi %mul3A_1375, %mul3A_1377 : i32
      %multiple_of3A_1379 = tpu.assume_multiple %sub3A_1378, 8 : i32
      %add3A_1380 = arith.addi %mul3A_4, %squeeze3A_1373 : i32
      %dma_wait3A_1381 = arith.constant 0 : i32
      %dma_wait3A_1382 = arith.constant 0 : i32
      %dma_wait3A_1383 = tpu.memref_slice %arg9[%add3A_1380, %dma_wait3A_1381, %dma_wait3A_1382] : memref<1024x50x1024xf32, #tpu.memory_space<hbm>> -> memref<1x50x1024xf32, #tpu.memory_space<hbm>>
      %dma_wait3A_1384 = tpu.memref_squeeze %dma_wait3A_1383 : memref<1x50x1024xf32, #tpu.memory_space<hbm>> -> memref<50x1024xf32, #tpu.memory_space<hbm>>
      %dma_wait3A_1385 = arith.constant 0 : i32
      %dma_wait3A_1386 = tpu.memref_slice %dma_wait3A_1384[%multiple_of3A_1379, %dma_wait3A_1385] : memref<50x1024xf32, #tpu.memory_space<hbm>> -> memref<8x1024xf32, #tpu.memory_space<hbm>>
      %dma_wait3A_1387 = arith.constant 0 : i32
      %dma_wait3A_1388 = arith.constant 0 : i32
      %dma_wait3A_1389 = tpu.memref_slice %arg9[%add3A_1380, %dma_wait3A_1387, %dma_wait3A_1388] : memref<1024x50x1024xf32, #tpu.memory_space<hbm>> -> memref<1x50x1024xf32, #tpu.memory_space<hbm>>
      %dma_wait3A_1390 = tpu.memref_squeeze %dma_wait3A_1389 : memref<1x50x1024xf32, #tpu.memory_space<hbm>> -> memref<50x1024xf32, #tpu.memory_space<hbm>>
      %dma_wait3A_1391 = arith.constant 0 : i32
      %dma_wait3A_1392 = tpu.memref_slice %dma_wait3A_1390[%multiple_of3A_1379, %dma_wait3A_1391] : memref<50x1024xf32, #tpu.memory_space<hbm>> -> memref<8x1024xf32, #tpu.memory_space<hbm>>
      tpu.wait_dma2 semaphore(%arg39 : memref<!tpu.dma_semaphore, #tpu.memory_space<semaphore_mem>>) src(%arg21 : memref<8x1024xf32, #tpu.memory_space<vmem>>) dst(%dma_wait3A_1392 : memref<8x1024xf32, #tpu.memory_space<hbm>>)
      %add3A_1393 = arith.constant 8 : i32
      %add3A_1394 = arith.addi %add3A_1365, %add3A_1393 : i32
      %mul3A_1395 = arith.constant 8 : i32
      %mul3A_1396 = arith.muli %add3A_1394, %mul3A_1395 : i32
      %multiple_of3A_1397 = tpu.assume_multiple %mul3A_1396, 8 : i32
      %dma_start3A_1398 = tpu.memref_slice %arg11[%multiple_of3A_1397] : memref<1792xi32, #tpu.memory_space<vmem>> -> memref<8xi32, #tpu.memory_space<vmem>>
      %dma_start3A_1399 = arith.constant 0 : i32
      %dma_start3A_1400 = arith.constant 0 : i32
      %dma_start3A_1401 = tpu.memref_slice %arg2[%dma_start3A_1399, %dma_start3A_1400] : memref<1000x1024xf32, #tpu.memory_space<hbm>> -> memref<1000x1024xf32, #tpu.memory_space<hbm>>
      tpu.enqueue_indirect_dma source(%dma_start3A_1401 : memref<1000x1024xf32, #tpu.memory_space<hbm>>) target(%arg21 : memref<8x1024xf32, #tpu.memory_space<vmem>>) offsets(%dma_start3A_1398 : memref<8xi32, #tpu.memory_space<vmem>>) semaphore(%arg31 : memref<!tpu.dma_semaphore, #tpu.memory_space<semaphore_mem>>)
      %add3A_1402 = arith.constant 3 : i32
      %add3A_1403 = arith.addi %add3A_999, %add3A_1402 : i32
      %mul3A_1404 = arith.constant 16 : i32
      %mul3A_1405 = arith.muli %add3A_1403, %mul3A_1404 : i32
      %multiple_of3A_1406 = tpu.assume_multiple %mul3A_1405, 16 : i32
      %get3A_1407 = arith.index_cast %multiple_of3A_1406 : i32 to index
      %get3A_1408 = tpu.vector_load %arg18[%get3A_1407] {strides = array<i32>} : memref<3584xi32, #tpu.memory_space<vmem>>, vector<16xi32>,
      %get3A_1409 = vector.shape_cast %get3A_1408 : vector<16xi32> to vector<16xi32>
      %slice3A_1410 = vector.extract_strided_slice %get3A_1409 {offsets = [0], sizes = [1], strides = [1]} : vector<16xi32> to vector<1xi32>
      %squeeze3A_1411 = vector.extract %slice3A_1410[0] : i32 from vector<1xi32>
      %mul3A_1412 = arith.constant 8 : i32
      %mul3A_1413 = arith.muli %add3A_1403, %mul3A_1412 : i32
      %mul3A_1414 = arith.constant 56 : i32
      %mul3A_1415 = arith.muli %squeeze3A_1411, %mul3A_1414 : i32
      %sub3A_1416 = arith.subi %mul3A_1413, %mul3A_1415 : i32
      %multiple_of3A_1417 = tpu.assume_multiple %sub3A_1416, 8 : i32
      %add3A_1418 = arith.addi %mul3A_4, %squeeze3A_1411 : i32
      %dma_wait3A_1419 = arith.constant 0 : i32
      %dma_wait3A_1420 = arith.constant 0 : i32
      %dma_wait3A_1421 = tpu.memref_slice %arg9[%add3A_1418, %dma_wait3A_1419, %dma_wait3A_1420] : memref<1024x50x1024xf32, #tpu.memory_space<hbm>> -> memref<1x50x1024xf32, #tpu.memory_space<hbm>>
      %dma_wait3A_1422 = tpu.memref_squeeze %dma_wait3A_1421 : memref<1x50x1024xf32, #tpu.memory_space<hbm>> -> memref<50x1024xf32, #tpu.memory_space<hbm>>
      %dma_wait3A_1423 = arith.constant 0 : i32
      %dma_wait3A_1424 = tpu.memref_slice %dma_wait3A_1422[%multiple_of3A_1417, %dma_wait3A_1423] : memref<50x1024xf32, #tpu.memory_space<hbm>> -> memref<8x1024xf32, #tpu.memory_space<hbm>>
      %dma_wait3A_1425 = arith.constant 0 : i32
      %dma_wait3A_1426 = arith.constant 0 : i32
      %dma_wait3A_1427 = tpu.memref_slice %arg9[%add3A_1418, %dma_wait3A_1425, %dma_wait3A_1426] : memref<1024x50x1024xf32, #tpu.memory_space<hbm>> -> memref<1x50x1024xf32, #tpu.memory_space<hbm>>
      %dma_wait3A_1428 = tpu.memref_squeeze %dma_wait3A_1427 : memref<1x50x1024xf32, #tpu.memory_space<hbm>> -> memref<50x1024xf32, #tpu.memory_space<hbm>>
      %dma_wait3A_1429 = arith.constant 0 : i32
      %dma_wait3A_1430 = tpu.memref_slice %dma_wait3A_1428[%multiple_of3A_1417, %dma_wait3A_1429] : memref<50x1024xf32, #tpu.memory_space<hbm>> -> memref<8x1024xf32, #tpu.memory_space<hbm>>
      tpu.wait_dma2 semaphore(%arg40 : memref<!tpu.dma_semaphore, #tpu.memory_space<semaphore_mem>>) src(%arg22 : memref<8x1024xf32, #tpu.memory_space<vmem>>) dst(%dma_wait3A_1430 : memref<8x1024xf32, #tpu.memory_space<hbm>>)
      %add3A_1431 = arith.constant 8 : i32
      %add3A_1432 = arith.addi %add3A_1403, %add3A_1431 : i32
      %mul3A_1433 = arith.constant 8 : i32
      %mul3A_1434 = arith.muli %add3A_1432, %mul3A_1433 : i32
      %multiple_of3A_1435 = tpu.assume_multiple %mul3A_1434, 8 : i32
      %dma_start3A_1436 = tpu.memref_slice %arg11[%multiple_of3A_1435] : memref<1792xi32, #tpu.memory_space<vmem>> -> memref<8xi32, #tpu.memory_space<vmem>>
      %dma_start3A_1437 = arith.constant 0 : i32
      %dma_start3A_1438 = arith.constant 0 : i32
      %dma_start3A_1439 = tpu.memref_slice %arg2[%dma_start3A_1437, %dma_start3A_1438] : memref<1000x1024xf32, #tpu.memory_space<hbm>> -> memref<1000x1024xf32, #tpu.memory_space<hbm>>
      tpu.enqueue_indirect_dma source(%dma_start3A_1439 : memref<1000x1024xf32, #tpu.memory_space<hbm>>) target(%arg22 : memref<8x1024xf32, #tpu.memory_space<vmem>>) offsets(%dma_start3A_1436 : memref<8xi32, #tpu.memory_space<vmem>>) semaphore(%arg32 : memref<!tpu.dma_semaphore, #tpu.memory_space<semaphore_mem>>)
      %add3A_1440 = arith.constant 4 : i32
      %add3A_1441 = arith.addi %add3A_999, %add3A_1440 : i32
      %mul3A_1442 = arith.constant 16 : i32
      %mul3A_1443 = arith.muli %add3A_1441, %mul3A_1442 : i32
      %multiple_of3A_1444 = tpu.assume_multiple %mul3A_1443, 16 : i32
      %get3A_1445 = arith.index_cast %multiple_of3A_1444 : i32 to index
      %get3A_1446 = tpu.vector_load %arg18[%get3A_1445] {strides = array<i32>} : memref<3584xi32, #tpu.memory_space<vmem>>, vector<16xi32>,
      %get3A_1447 = vector.shape_cast %get3A_1446 : vector<16xi32> to vector<16xi32>
      %slice3A_1448 = vector.extract_strided_slice %get3A_1447 {offsets = [0], sizes = [1], strides = [1]} : vector<16xi32> to vector<1xi32>
      %squeeze3A_1449 = vector.extract %slice3A_1448[0] : i32 from vector<1xi32>
      %mul3A_1450 = arith.constant 8 : i32
      %mul3A_1451 = arith.muli %add3A_1441, %mul3A_1450 : i32
      %mul3A_1452 = arith.constant 56 : i32
      %mul3A_1453 = arith.muli %squeeze3A_1449, %mul3A_1452 : i32
      %sub3A_1454 = arith.subi %mul3A_1451, %mul3A_1453 : i32
      %multiple_of3A_1455 = tpu.assume_multiple %sub3A_1454, 8 : i32
      %add3A_1456 = arith.addi %mul3A_4, %squeeze3A_1449 : i32
      %dma_wait3A_1457 = arith.constant 0 : i32
      %dma_wait3A_1458 = arith.constant 0 : i32
      %dma_wait3A_1459 = tpu.memref_slice %arg9[%add3A_1456, %dma_wait3A_1457, %dma_wait3A_1458] : memref<1024x50x1024xf32, #tpu.memory_space<hbm>> -> memref<1x50x1024xf32, #tpu.memory_space<hbm>>
      %dma_wait3A_1460 = tpu.memref_squeeze %dma_wait3A_1459 : memref<1x50x1024xf32, #tpu.memory_space<hbm>> -> memref<50x1024xf32, #tpu.memory_space<hbm>>
      %dma_wait3A_1461 = arith.constant 0 : i32
      %dma_wait3A_1462 = tpu.memref_slice %dma_wait3A_1460[%multiple_of3A_1455, %dma_wait3A_1461] : memref<50x1024xf32, #tpu.memory_space<hbm>> -> memref<8x1024xf32, #tpu.memory_space<hbm>>
      %dma_wait3A_1463 = arith.constant 0 : i32
      %dma_wait3A_1464 = arith.constant 0 : i32
      %dma_wait3A_1465 = tpu.memref_slice %arg9[%add3A_1456, %dma_wait3A_1463, %dma_wait3A_1464] : memref<1024x50x1024xf32, #tpu.memory_space<hbm>> -> memref<1x50x1024xf32, #tpu.memory_space<hbm>>
      %dma_wait3A_1466 = tpu.memref_squeeze %dma_wait3A_1465 : memref<1x50x1024xf32, #tpu.memory_space<hbm>> -> memref<50x1024xf32, #tpu.memory_space<hbm>>
      %dma_wait3A_1467 = arith.constant 0 : i32
      %dma_wait3A_1468 = tpu.memref_slice %dma_wait3A_1466[%multiple_of3A_1455, %dma_wait3A_1467] : memref<50x1024xf32, #tpu.memory_space<hbm>> -> memref<8x1024xf32, #tpu.memory_space<hbm>>
      tpu.wait_dma2 semaphore(%arg41 : memref<!tpu.dma_semaphore, #tpu.memory_space<semaphore_mem>>) src(%arg23 : memref<8x1024xf32, #tpu.memory_space<vmem>>) dst(%dma_wait3A_1468 : memref<8x1024xf32, #tpu.memory_space<hbm>>)
      %add3A_1469 = arith.constant 8 : i32
      %add3A_1470 = arith.addi %add3A_1441, %add3A_1469 : i32
      %mul3A_1471 = arith.constant 8 : i32
      %mul3A_1472 = arith.muli %add3A_1470, %mul3A_1471 : i32
      %multiple_of3A_1473 = tpu.assume_multiple %mul3A_1472, 8 : i32
      %dma_start3A_1474 = tpu.memref_slice %arg11[%multiple_of3A_1473] : memref<1792xi32, #tpu.memory_space<vmem>> -> memref<8xi32, #tpu.memory_space<vmem>>
      %dma_start3A_1475 = arith.constant 0 : i32
      %dma_start3A_1476 = arith.constant 0 : i32
      %dma_start3A_1477 = tpu.memref_slice %arg2[%dma_start3A_1475, %dma_start3A_1476] : memref<1000x1024xf32, #tpu.memory_space<hbm>> -> memref<1000x1024xf32, #tpu.memory_space<hbm>>
      tpu.enqueue_indirect_dma source(%dma_start3A_1477 : memref<1000x1024xf32, #tpu.memory_space<hbm>>) target(%arg23 : memref<8x1024xf32, #tpu.memory_space<vmem>>) offsets(%dma_start3A_1474 : memref<8xi32, #tpu.memory_space<vmem>>) semaphore(%arg33 : memref<!tpu.dma_semaphore, #tpu.memory_space<semaphore_mem>>)
      %add3A_1478 = arith.constant 5 : i32
      %add3A_1479 = arith.addi %add3A_999, %add3A_1478 : i32
      %mul3A_1480 = arith.constant 16 : i32
      %mul3A_1481 = arith.muli %add3A_1479, %mul3A_1480 : i32
      %multiple_of3A_1482 = tpu.assume_multiple %mul3A_1481, 16 : i32
      %get3A_1483 = arith.index_cast %multiple_of3A_1482 : i32 to index
      %get3A_1484 = tpu.vector_load %arg18[%get3A_1483] {strides = array<i32>} : memref<3584xi32, #tpu.memory_space<vmem>>, vector<16xi32>,
      %get3A_1485 = vector.shape_cast %get3A_1484 : vector<16xi32> to vector<16xi32>
      %slice3A_1486 = vector.extract_strided_slice %get3A_1485 {offsets = [0], sizes = [1], strides = [1]} : vector<16xi32> to vector<1xi32>
      %squeeze3A_1487 = vector.extract %slice3A_1486[0] : i32 from vector<1xi32>
      %mul3A_1488 = arith.constant 8 : i32
      %mul3A_1489 = arith.muli %add3A_1479, %mul3A_1488 : i32
      %mul3A_1490 = arith.constant 56 : i32
      %mul3A_1491 = arith.muli %squeeze3A_1487, %mul3A_1490 : i32
      %sub3A_1492 = arith.subi %mul3A_1489, %mul3A_1491 : i32
      %multiple_of3A_1493 = tpu.assume_multiple %sub3A_1492, 8 : i32
      %add3A_1494 = arith.addi %mul3A_4, %squeeze3A_1487 : i32
      %dma_wait3A_1495 = arith.constant 0 : i32
      %dma_wait3A_1496 = arith.constant 0 : i32
      %dma_wait3A_1497 = tpu.memref_slice %arg9[%add3A_1494, %dma_wait3A_1495, %dma_wait3A_1496] : memref<1024x50x1024xf32, #tpu.memory_space<hbm>> -> memref<1x50x1024xf32, #tpu.memory_space<hbm>>
      %dma_wait3A_1498 = tpu.memref_squeeze %dma_wait3A_1497 : memref<1x50x1024xf32, #tpu.memory_space<hbm>> -> memref<50x1024xf32, #tpu.memory_space<hbm>>
      %dma_wait3A_1499 = arith.constant 0 : i32
      %dma_wait3A_1500 = tpu.memref_slice %dma_wait3A_1498[%multiple_of3A_1493, %dma_wait3A_1499] : memref<50x1024xf32, #tpu.memory_space<hbm>> -> memref<8x1024xf32, #tpu.memory_space<hbm>>
      %dma_wait3A_1501 = arith.constant 0 : i32
      %dma_wait3A_1502 = arith.constant 0 : i32
      %dma_wait3A_1503 = tpu.memref_slice %arg9[%add3A_1494, %dma_wait3A_1501, %dma_wait3A_1502] : memref<1024x50x1024xf32, #tpu.memory_space<hbm>> -> memref<1x50x1024xf32, #tpu.memory_space<hbm>>
      %dma_wait3A_1504 = tpu.memref_squeeze %dma_wait3A_1503 : memref<1x50x1024xf32, #tpu.memory_space<hbm>> -> memref<50x1024xf32, #tpu.memory_space<hbm>>
      %dma_wait3A_1505 = arith.constant 0 : i32
      %dma_wait3A_1506 = tpu.memref_slice %dma_wait3A_1504[%multiple_of3A_1493, %dma_wait3A_1505] : memref<50x1024xf32, #tpu.memory_space<hbm>> -> memref<8x1024xf32, #tpu.memory_space<hbm>>
      tpu.wait_dma2 semaphore(%arg42 : memref<!tpu.dma_semaphore, #tpu.memory_space<semaphore_mem>>) src(%arg24 : memref<8x1024xf32, #tpu.memory_space<vmem>>) dst(%dma_wait3A_1506 : memref<8x1024xf32, #tpu.memory_space<hbm>>)
      %add3A_1507 = arith.constant 8 : i32
      %add3A_1508 = arith.addi %add3A_1479, %add3A_1507 : i32
      %mul3A_1509 = arith.constant 8 : i32
      %mul3A_1510 = arith.muli %add3A_1508, %mul3A_1509 : i32
      %multiple_of3A_1511 = tpu.assume_multiple %mul3A_1510, 8 : i32
      %dma_start3A_1512 = tpu.memref_slice %arg11[%multiple_of3A_1511] : memref<1792xi32, #tpu.memory_space<vmem>> -> memref<8xi32, #tpu.memory_space<vmem>>
      %dma_start3A_1513 = arith.constant 0 : i32
      %dma_start3A_1514 = arith.constant 0 : i32
      %dma_start3A_1515 = tpu.memref_slice %arg2[%dma_start3A_1513, %dma_start3A_1514] : memref<1000x1024xf32, #tpu.memory_space<hbm>> -> memref<1000x1024xf32, #tpu.memory_space<hbm>>
      tpu.enqueue_indirect_dma source(%dma_start3A_1515 : memref<1000x1024xf32, #tpu.memory_space<hbm>>) target(%arg24 : memref<8x1024xf32, #tpu.memory_space<vmem>>) offsets(%dma_start3A_1512 : memref<8xi32, #tpu.memory_space<vmem>>) semaphore(%arg34 : memref<!tpu.dma_semaphore, #tpu.memory_space<semaphore_mem>>)
      %add3A_1516 = arith.constant 6 : i32
      %add3A_1517 = arith.addi %add3A_999, %add3A_1516 : i32
      %mul3A_1518 = arith.constant 16 : i32
      %mul3A_1519 = arith.muli %add3A_1517, %mul3A_1518 : i32
      %multiple_of3A_1520 = tpu.assume_multiple %mul3A_1519, 16 : i32
      %get3A_1521 = arith.index_cast %multiple_of3A_1520 : i32 to index
      %get3A_1522 = tpu.vector_load %arg18[%get3A_1521] {strides = array<i32>} : memref<3584xi32, #tpu.memory_space<vmem>>, vector<16xi32>,
      %get3A_1523 = vector.shape_cast %get3A_1522 : vector<16xi32> to vector<16xi32>
      %slice3A_1524 = vector.extract_strided_slice %get3A_1523 {offsets = [0], sizes = [1], strides = [1]} : vector<16xi32> to vector<1xi32>
      %squeeze3A_1525 = vector.extract %slice3A_1524[0] : i32 from vector<1xi32>
      %mul3A_1526 = arith.constant 8 : i32
      %mul3A_1527 = arith.muli %add3A_1517, %mul3A_1526 : i32
      %mul3A_1528 = arith.constant 56 : i32
      %mul3A_1529 = arith.muli %squeeze3A_1525, %mul3A_1528 : i32
      %sub3A_1530 = arith.subi %mul3A_1527, %mul3A_1529 : i32
      %multiple_of3A_1531 = tpu.assume_multiple %sub3A_1530, 8 : i32
      %add3A_1532 = arith.addi %mul3A_4, %squeeze3A_1525 : i32
      %dma_wait3A_1533 = arith.constant 0 : i32
      %dma_wait3A_1534 = arith.constant 0 : i32
      %dma_wait3A_1535 = tpu.memref_slice %arg9[%add3A_1532, %dma_wait3A_1533, %dma_wait3A_1534] : memref<1024x50x1024xf32, #tpu.memory_space<hbm>> -> memref<1x50x1024xf32, #tpu.memory_space<hbm>>
      %dma_wait3A_1536 = tpu.memref_squeeze %dma_wait3A_1535 : memref<1x50x1024xf32, #tpu.memory_space<hbm>> -> memref<50x1024xf32, #tpu.memory_space<hbm>>
      %dma_wait3A_1537 = arith.constant 0 : i32
      %dma_wait3A_1538 = tpu.memref_slice %dma_wait3A_1536[%multiple_of3A_1531, %dma_wait3A_1537] : memref<50x1024xf32, #tpu.memory_space<hbm>> -> memref<8x1024xf32, #tpu.memory_space<hbm>>
      %dma_wait3A_1539 = arith.constant 0 : i32
      %dma_wait3A_1540 = arith.constant 0 : i32
      %dma_wait3A_1541 = tpu.memref_slice %arg9[%add3A_1532, %dma_wait3A_1539, %dma_wait3A_1540] : memref<1024x50x1024xf32, #tpu.memory_space<hbm>> -> memref<1x50x1024xf32, #tpu.memory_space<hbm>>
      %dma_wait3A_1542 = tpu.memref_squeeze %dma_wait3A_1541 : memref<1x50x1024xf32, #tpu.memory_space<hbm>> -> memref<50x1024xf32, #tpu.memory_space<hbm>>
      %dma_wait3A_1543 = arith.constant 0 : i32
      %dma_wait3A_1544 = tpu.memref_slice %dma_wait3A_1542[%multiple_of3A_1531, %dma_wait3A_1543] : memref<50x1024xf32, #tpu.memory_space<hbm>> -> memref<8x1024xf32, #tpu.memory_space<hbm>>
      tpu.wait_dma2 semaphore(%arg43 : memref<!tpu.dma_semaphore, #tpu.memory_space<semaphore_mem>>) src(%arg25 : memref<8x1024xf32, #tpu.memory_space<vmem>>) dst(%dma_wait3A_1544 : memref<8x1024xf32, #tpu.memory_space<hbm>>)
      %add3A_1545 = arith.constant 8 : i32
      %add3A_1546 = arith.addi %add3A_1517, %add3A_1545 : i32
      %mul3A_1547 = arith.constant 8 : i32
      %mul3A_1548 = arith.muli %add3A_1546, %mul3A_1547 : i32
      %multiple_of3A_1549 = tpu.assume_multiple %mul3A_1548, 8 : i32
      %dma_start3A_1550 = tpu.memref_slice %arg11[%multiple_of3A_1549] : memref<1792xi32, #tpu.memory_space<vmem>> -> memref<8xi32, #tpu.memory_space<vmem>>
      %dma_start3A_1551 = arith.constant 0 : i32
      %dma_start3A_1552 = arith.constant 0 : i32
      %dma_start3A_1553 = tpu.memref_slice %arg2[%dma_start3A_1551, %dma_start3A_1552] : memref<1000x1024xf32, #tpu.memory_space<hbm>> -> memref<1000x1024xf32, #tpu.memory_space<hbm>>
      tpu.enqueue_indirect_dma source(%dma_start3A_1553 : memref<1000x1024xf32, #tpu.memory_space<hbm>>) target(%arg25 : memref<8x1024xf32, #tpu.memory_space<vmem>>) offsets(%dma_start3A_1550 : memref<8xi32, #tpu.memory_space<vmem>>) semaphore(%arg35 : memref<!tpu.dma_semaphore, #tpu.memory_space<semaphore_mem>>)
      %add3A_1554 = arith.constant 7 : i32
      %add3A_1555 = arith.addi %add3A_999, %add3A_1554 : i32
      %mul3A_1556 = arith.constant 16 : i32
      %mul3A_1557 = arith.muli %add3A_1555, %mul3A_1556 : i32
      %multiple_of3A_1558 = tpu.assume_multiple %mul3A_1557, 16 : i32
      %get3A_1559 = arith.index_cast %multiple_of3A_1558 : i32 to index
      %get3A_1560 = tpu.vector_load %arg18[%get3A_1559] {strides = array<i32>} : memref<3584xi32, #tpu.memory_space<vmem>>, vector<16xi32>,
      %get3A_1561 = vector.shape_cast %get3A_1560 : vector<16xi32> to vector<16xi32>
      %slice3A_1562 = vector.extract_strided_slice %get3A_1561 {offsets = [0], sizes = [1], strides = [1]} : vector<16xi32> to vector<1xi32>
      %squeeze3A_1563 = vector.extract %slice3A_1562[0] : i32 from vector<1xi32>
      %mul3A_1564 = arith.constant 8 : i32
      %mul3A_1565 = arith.muli %add3A_1555, %mul3A_1564 : i32
      %mul3A_1566 = arith.constant 56 : i32
      %mul3A_1567 = arith.muli %squeeze3A_1563, %mul3A_1566 : i32
      %sub3A_1568 = arith.subi %mul3A_1565, %mul3A_1567 : i32
      %multiple_of3A_1569 = tpu.assume_multiple %sub3A_1568, 8 : i32
      %add3A_1570 = arith.addi %mul3A_4, %squeeze3A_1563 : i32
      %dma_wait3A_1571 = arith.constant 0 : i32
      %dma_wait3A_1572 = arith.constant 0 : i32
      %dma_wait3A_1573 = tpu.memref_slice %arg9[%add3A_1570, %dma_wait3A_1571, %dma_wait3A_1572] : memref<1024x50x1024xf32, #tpu.memory_space<hbm>> -> memref<1x50x1024xf32, #tpu.memory_space<hbm>>
      %dma_wait3A_1574 = tpu.memref_squeeze %dma_wait3A_1573 : memref<1x50x1024xf32, #tpu.memory_space<hbm>> -> memref<50x1024xf32, #tpu.memory_space<hbm>>
      %dma_wait3A_1575 = arith.constant 0 : i32
      %dma_wait3A_1576 = tpu.memref_slice %dma_wait3A_1574[%multiple_of3A_1569, %dma_wait3A_1575] : memref<50x1024xf32, #tpu.memory_space<hbm>> -> memref<8x1024xf32, #tpu.memory_space<hbm>>
      %dma_wait3A_1577 = arith.constant 0 : i32
      %dma_wait3A_1578 = arith.constant 0 : i32
      %dma_wait3A_1579 = tpu.memref_slice %arg9[%add3A_1570, %dma_wait3A_1577, %dma_wait3A_1578] : memref<1024x50x1024xf32, #tpu.memory_space<hbm>> -> memref<1x50x1024xf32, #tpu.memory_space<hbm>>
      %dma_wait3A_1580 = tpu.memref_squeeze %dma_wait3A_1579 : memref<1x50x1024xf32, #tpu.memory_space<hbm>> -> memref<50x1024xf32, #tpu.memory_space<hbm>>
      %dma_wait3A_1581 = arith.constant 0 : i32
      %dma_wait3A_1582 = tpu.memref_slice %dma_wait3A_1580[%multiple_of3A_1569, %dma_wait3A_1581] : memref<50x1024xf32, #tpu.memory_space<hbm>> -> memref<8x1024xf32, #tpu.memory_space<hbm>>
      tpu.wait_dma2 semaphore(%arg44 : memref<!tpu.dma_semaphore, #tpu.memory_space<semaphore_mem>>) src(%arg26 : memref<8x1024xf32, #tpu.memory_space<vmem>>) dst(%dma_wait3A_1582 : memref<8x1024xf32, #tpu.memory_space<hbm>>)
      %add3A_1583 = arith.constant 8 : i32
      %add3A_1584 = arith.addi %add3A_1555, %add3A_1583 : i32
      %mul3A_1585 = arith.constant 8 : i32
      %mul3A_1586 = arith.muli %add3A_1584, %mul3A_1585 : i32
      %multiple_of3A_1587 = tpu.assume_multiple %mul3A_1586, 8 : i32
      %dma_start3A_1588 = tpu.memref_slice %arg11[%multiple_of3A_1587] : memref<1792xi32, #tpu.memory_space<vmem>> -> memref<8xi32, #tpu.memory_space<vmem>>
      %dma_start3A_1589 = arith.constant 0 : i32
      %dma_start3A_1590 = arith.constant 0 : i32
      %dma_start3A_1591 = tpu.memref_slice %arg2[%dma_start3A_1589, %dma_start3A_1590] : memref<1000x1024xf32, #tpu.memory_space<hbm>> -> memref<1000x1024xf32, #tpu.memory_space<hbm>>
      tpu.enqueue_indirect_dma source(%dma_start3A_1591 : memref<1000x1024xf32, #tpu.memory_space<hbm>>) target(%arg26 : memref<8x1024xf32, #tpu.memory_space<vmem>>) offsets(%dma_start3A_1588 : memref<8xi32, #tpu.memory_space<vmem>>) semaphore(%arg36 : memref<!tpu.dma_semaphore, #tpu.memory_space<semaphore_mem>>)
    }
    %scan3A_550 = arith.constant 27 : i32
    %multiple_of3A_551 = arith.constant 1728 : i32
    %multiple_of3A_552 = tpu.assume_multiple %multiple_of3A_551, 8 : i32
    %dma_wait3A_553 = tpu.memref_slice %arg11[%multiple_of3A_552] : memref<1792xi32, #tpu.memory_space<vmem>> -> memref<8xi32, #tpu.memory_space<vmem>>
    %dma_wait3A_554 = arith.constant 0 : i32
    %dma_wait3A_555 = arith.constant 0 : i32
    %dma_wait3A_556 = tpu.memref_slice %arg2[%dma_wait3A_554, %dma_wait3A_555] : memref<1000x1024xf32, #tpu.memory_space<hbm>> -> memref<1000x1024xf32, #tpu.memory_space<hbm>>
    tpu.wait_indirect_dma semaphore(%arg29 : memref<!tpu.dma_semaphore, #tpu.memory_space<semaphore_mem>>) src(%dma_wait3A_556 : memref<1000x1024xf32, #tpu.memory_space<hbm>>) dst(%arg19 : memref<8x1024xf32, #tpu.memory_space<vmem>>)
    %multiple_of3A_557 = arith.constant 3456 : i32
    %multiple_of3A_558 = tpu.assume_multiple %multiple_of3A_557, 16 : i32
    %get3A = arith.index_cast %multiple_of3A_558 : i32 to index
    %get3A_559 = tpu.vector_load %arg18[%get3A] {strides = array<i32>} : memref<3584xi32, #tpu.memory_space<vmem>>, vector<16xi32>,
    %get3A_560 = vector.shape_cast %get3A_559 : vector<16xi32> to vector<16xi32>
    %slice3A = vector.extract_strided_slice %get3A_560 {offsets = [0], sizes = [1], strides = [1]} : vector<16xi32> to vector<1xi32>
    %squeeze3A = vector.extract %slice3A[0] : i32 from vector<1xi32>
    %mul3A_561 = arith.constant 56 : i32
    %mul3A_562 = arith.muli %squeeze3A, %mul3A_561 : i32
    %sub3A = arith.constant 1728 : i32
    %sub3A_563 = arith.subi %sub3A, %mul3A_562 : i32
    %multiple_of3A_564 = tpu.assume_multiple %sub3A_563, 8 : i32
    %add3A_565 = arith.addi %mul3A_4, %squeeze3A : i32
    %dma_start3A_566 = arith.constant 0 : i32
    %dma_start3A_567 = arith.constant 0 : i32
    %dma_start3A_568 = tpu.memref_slice %arg9[%add3A_565, %dma_start3A_566, %dma_start3A_567] : memref<1024x50x1024xf32, #tpu.memory_space<hbm>> -> memref<1x50x1024xf32, #tpu.memory_space<hbm>>
    %dma_start3A_569 = tpu.memref_squeeze %dma_start3A_568 : memref<1x50x1024xf32, #tpu.memory_space<hbm>> -> memref<50x1024xf32, #tpu.memory_space<hbm>>
    %dma_start3A_570 = arith.constant 0 : i32
    %dma_start3A_571 = tpu.memref_slice %dma_start3A_569[%multiple_of3A_564, %dma_start3A_570] : memref<50x1024xf32, #tpu.memory_space<hbm>> -> memref<8x1024xf32, #tpu.memory_space<hbm>>
    %dma_start3A_572 = arith.constant 0 : i32
    %dma_start3A_573 = arith.constant 0 : i32
    %dma_start3A_574 = tpu.memref_slice %arg9[%add3A_565, %dma_start3A_572, %dma_start3A_573] : memref<1024x50x1024xf32, #tpu.memory_space<hbm>> -> memref<1x50x1024xf32, #tpu.memory_space<hbm>>
    %dma_start3A_575 = tpu.memref_squeeze %dma_start3A_574 : memref<1x50x1024xf32, #tpu.memory_space<hbm>> -> memref<50x1024xf32, #tpu.memory_space<hbm>>
    %dma_start3A_576 = arith.constant 0 : i32
    %dma_start3A_577 = tpu.memref_slice %dma_start3A_575[%multiple_of3A_564, %dma_start3A_576] : memref<50x1024xf32, #tpu.memory_space<hbm>> -> memref<8x1024xf32, #tpu.memory_space<hbm>>
    tpu.enqueue_dma source(%arg19 : memref<8x1024xf32, #tpu.memory_space<vmem>>) target(%dma_start3A_577 : memref<8x1024xf32, #tpu.memory_space<hbm>>) target_semaphore(%arg37 : memref<!tpu.dma_semaphore, #tpu.memory_space<semaphore_mem>>)
    %multiple_of3A_578 = arith.constant 1736 : i32
    %multiple_of3A_579 = tpu.assume_multiple %multiple_of3A_578, 8 : i32
    %dma_wait3A_580 = tpu.memref_slice %arg11[%multiple_of3A_579] : memref<1792xi32, #tpu.memory_space<vmem>> -> memref<8xi32, #tpu.memory_space<vmem>>
    %dma_wait3A_581 = arith.constant 0 : i32
    %dma_wait3A_582 = arith.constant 0 : i32
    %dma_wait3A_583 = tpu.memref_slice %arg2[%dma_wait3A_581, %dma_wait3A_582] : memref<1000x1024xf32, #tpu.memory_space<hbm>> -> memref<1000x1024xf32, #tpu.memory_space<hbm>>
    tpu.wait_indirect_dma semaphore(%arg30 : memref<!tpu.dma_semaphore, #tpu.memory_space<semaphore_mem>>) src(%dma_wait3A_583 : memref<1000x1024xf32, #tpu.memory_space<hbm>>) dst(%arg20 : memref<8x1024xf32, #tpu.memory_space<vmem>>)
    %multiple_of3A_584 = arith.constant 3472 : i32
    %multiple_of3A_585 = tpu.assume_multiple %multiple_of3A_584, 16 : i32
    %get3A_586 = arith.index_cast %multiple_of3A_585 : i32 to index
    %get3A_587 = tpu.vector_load %arg18[%get3A_586] {strides = array<i32>} : memref<3584xi32, #tpu.memory_space<vmem>>, vector<16xi32>,
    %get3A_588 = vector.shape_cast %get3A_587 : vector<16xi32> to vector<16xi32>
    %slice3A_589 = vector.extract_strided_slice %get3A_588 {offsets = [0], sizes = [1], strides = [1]} : vector<16xi32> to vector<1xi32>
    %squeeze3A_590 = vector.extract %slice3A_589[0] : i32 from vector<1xi32>
    %mul3A_591 = arith.constant 56 : i32
    %mul3A_592 = arith.muli %squeeze3A_590, %mul3A_591 : i32
    %sub3A_593 = arith.constant 1736 : i32
    %sub3A_594 = arith.subi %sub3A_593, %mul3A_592 : i32
    %multiple_of3A_595 = tpu.assume_multiple %sub3A_594, 8 : i32
    %add3A_596 = arith.addi %mul3A_4, %squeeze3A_590 : i32
    %dma_start3A_597 = arith.constant 0 : i32
    %dma_start3A_598 = arith.constant 0 : i32
    %dma_start3A_599 = tpu.memref_slice %arg9[%add3A_596, %dma_start3A_597, %dma_start3A_598] : memref<1024x50x1024xf32, #tpu.memory_space<hbm>> -> memref<1x50x1024xf32, #tpu.memory_space<hbm>>
    %dma_start3A_600 = tpu.memref_squeeze %dma_start3A_599 : memref<1x50x1024xf32, #tpu.memory_space<hbm>> -> memref<50x1024xf32, #tpu.memory_space<hbm>>
    %dma_start3A_601 = arith.constant 0 : i32
    %dma_start3A_602 = tpu.memref_slice %dma_start3A_600[%multiple_of3A_595, %dma_start3A_601] : memref<50x1024xf32, #tpu.memory_space<hbm>> -> memref<8x1024xf32, #tpu.memory_space<hbm>>
    %dma_start3A_603 = arith.constant 0 : i32
    %dma_start3A_604 = arith.constant 0 : i32
    %dma_start3A_605 = tpu.memref_slice %arg9[%add3A_596, %dma_start3A_603, %dma_start3A_604] : memref<1024x50x1024xf32, #tpu.memory_space<hbm>> -> memref<1x50x1024xf32, #tpu.memory_space<hbm>>
    %dma_start3A_606 = tpu.memref_squeeze %dma_start3A_605 : memref<1x50x1024xf32, #tpu.memory_space<hbm>> -> memref<50x1024xf32, #tpu.memory_space<hbm>>
    %dma_start3A_607 = arith.constant 0 : i32
    %dma_start3A_608 = tpu.memref_slice %dma_start3A_606[%multiple_of3A_595, %dma_start3A_607] : memref<50x1024xf32, #tpu.memory_space<hbm>> -> memref<8x1024xf32, #tpu.memory_space<hbm>>
    tpu.enqueue_dma source(%arg20 : memref<8x1024xf32, #tpu.memory_space<vmem>>) target(%dma_start3A_608 : memref<8x1024xf32, #tpu.memory_space<hbm>>) target_semaphore(%arg38 : memref<!tpu.dma_semaphore, #tpu.memory_space<semaphore_mem>>)
    %multiple_of3A_609 = arith.constant 1744 : i32
    %multiple_of3A_610 = tpu.assume_multiple %multiple_of3A_609, 8 : i32
    %dma_wait3A_611 = tpu.memref_slice %arg11[%multiple_of3A_610] : memref<1792xi32, #tpu.memory_space<vmem>> -> memref<8xi32, #tpu.memory_space<vmem>>
    %dma_wait3A_612 = arith.constant 0 : i32
    %dma_wait3A_613 = arith.constant 0 : i32
    %dma_wait3A_614 = tpu.memref_slice %arg2[%dma_wait3A_612, %dma_wait3A_613] : memref<1000x1024xf32, #tpu.memory_space<hbm>> -> memref<1000x1024xf32, #tpu.memory_space<hbm>>
    tpu.wait_indirect_dma semaphore(%arg31 : memref<!tpu.dma_semaphore, #tpu.memory_space<semaphore_mem>>) src(%dma_wait3A_614 : memref<1000x1024xf32, #tpu.memory_space<hbm>>) dst(%arg21 : memref<8x1024xf32, #tpu.memory_space<vmem>>)
    %multiple_of3A_615 = arith.constant 3488 : i32
    %multiple_of3A_616 = tpu.assume_multiple %multiple_of3A_615, 16 : i32
    %get3A_617 = arith.index_cast %multiple_of3A_616 : i32 to index
    %get3A_618 = tpu.vector_load %arg18[%get3A_617] {strides = array<i32>} : memref<3584xi32, #tpu.memory_space<vmem>>, vector<16xi32>,
    %get3A_619 = vector.shape_cast %get3A_618 : vector<16xi32> to vector<16xi32>
    %slice3A_620 = vector.extract_strided_slice %get3A_619 {offsets = [0], sizes = [1], strides = [1]} : vector<16xi32> to vector<1xi32>
    %squeeze3A_621 = vector.extract %slice3A_620[0] : i32 from vector<1xi32>
    %mul3A_622 = arith.constant 56 : i32
    %mul3A_623 = arith.muli %squeeze3A_621, %mul3A_622 : i32
    %sub3A_624 = arith.constant 1744 : i32
    %sub3A_625 = arith.subi %sub3A_624, %mul3A_623 : i32
    %multiple_of3A_626 = tpu.assume_multiple %sub3A_625, 8 : i32
    %add3A_627 = arith.addi %mul3A_4, %squeeze3A_621 : i32
    %dma_start3A_628 = arith.constant 0 : i32
    %dma_start3A_629 = arith.constant 0 : i32
    %dma_start3A_630 = tpu.memref_slice %arg9[%add3A_627, %dma_start3A_628, %dma_start3A_629] : memref<1024x50x1024xf32, #tpu.memory_space<hbm>> -> memref<1x50x1024xf32, #tpu.memory_space<hbm>>
    %dma_start3A_631 = tpu.memref_squeeze %dma_start3A_630 : memref<1x50x1024xf32, #tpu.memory_space<hbm>> -> memref<50x1024xf32, #tpu.memory_space<hbm>>
    %dma_start3A_632 = arith.constant 0 : i32
    %dma_start3A_633 = tpu.memref_slice %dma_start3A_631[%multiple_of3A_626, %dma_start3A_632] : memref<50x1024xf32, #tpu.memory_space<hbm>> -> memref<8x1024xf32, #tpu.memory_space<hbm>>
    %dma_start3A_634 = arith.constant 0 : i32
    %dma_start3A_635 = arith.constant 0 : i32
    %dma_start3A_636 = tpu.memref_slice %arg9[%add3A_627, %dma_start3A_634, %dma_start3A_635] : memref<1024x50x1024xf32, #tpu.memory_space<hbm>> -> memref<1x50x1024xf32, #tpu.memory_space<hbm>>
    %dma_start3A_637 = tpu.memref_squeeze %dma_start3A_636 : memref<1x50x1024xf32, #tpu.memory_space<hbm>> -> memref<50x1024xf32, #tpu.memory_space<hbm>>
    %dma_start3A_638 = arith.constant 0 : i32
    %dma_start3A_639 = tpu.memref_slice %dma_start3A_637[%multiple_of3A_626, %dma_start3A_638] : memref<50x1024xf32, #tpu.memory_space<hbm>> -> memref<8x1024xf32, #tpu.memory_space<hbm>>
    tpu.enqueue_dma source(%arg21 : memref<8x1024xf32, #tpu.memory_space<vmem>>) target(%dma_start3A_639 : memref<8x1024xf32, #tpu.memory_space<hbm>>) target_semaphore(%arg39 : memref<!tpu.dma_semaphore, #tpu.memory_space<semaphore_mem>>)
    %multiple_of3A_640 = arith.constant 1752 : i32
    %multiple_of3A_641 = tpu.assume_multiple %multiple_of3A_640, 8 : i32
    %dma_wait3A_642 = tpu.memref_slice %arg11[%multiple_of3A_641] : memref<1792xi32, #tpu.memory_space<vmem>> -> memref<8xi32, #tpu.memory_space<vmem>>
    %dma_wait3A_643 = arith.constant 0 : i32
    %dma_wait3A_644 = arith.constant 0 : i32
    %dma_wait3A_645 = tpu.memref_slice %arg2[%dma_wait3A_643, %dma_wait3A_644] : memref<1000x1024xf32, #tpu.memory_space<hbm>> -> memref<1000x1024xf32, #tpu.memory_space<hbm>>
    tpu.wait_indirect_dma semaphore(%arg32 : memref<!tpu.dma_semaphore, #tpu.memory_space<semaphore_mem>>) src(%dma_wait3A_645 : memref<1000x1024xf32, #tpu.memory_space<hbm>>) dst(%arg22 : memref<8x1024xf32, #tpu.memory_space<vmem>>)
    %multiple_of3A_646 = arith.constant 3504 : i32
    %multiple_of3A_647 = tpu.assume_multiple %multiple_of3A_646, 16 : i32
    %get3A_648 = arith.index_cast %multiple_of3A_647 : i32 to index
    %get3A_649 = tpu.vector_load %arg18[%get3A_648] {strides = array<i32>} : memref<3584xi32, #tpu.memory_space<vmem>>, vector<16xi32>,
    %get3A_650 = vector.shape_cast %get3A_649 : vector<16xi32> to vector<16xi32>
    %slice3A_651 = vector.extract_strided_slice %get3A_650 {offsets = [0], sizes = [1], strides = [1]} : vector<16xi32> to vector<1xi32>
    %squeeze3A_652 = vector.extract %slice3A_651[0] : i32 from vector<1xi32>
    %mul3A_653 = arith.constant 56 : i32
    %mul3A_654 = arith.muli %squeeze3A_652, %mul3A_653 : i32
    %sub3A_655 = arith.constant 1752 : i32
    %sub3A_656 = arith.subi %sub3A_655, %mul3A_654 : i32
    %multiple_of3A_657 = tpu.assume_multiple %sub3A_656, 8 : i32
    %add3A_658 = arith.addi %mul3A_4, %squeeze3A_652 : i32
    %dma_start3A_659 = arith.constant 0 : i32
    %dma_start3A_660 = arith.constant 0 : i32
    %dma_start3A_661 = tpu.memref_slice %arg9[%add3A_658, %dma_start3A_659, %dma_start3A_660] : memref<1024x50x1024xf32, #tpu.memory_space<hbm>> -> memref<1x50x1024xf32, #tpu.memory_space<hbm>>
    %dma_start3A_662 = tpu.memref_squeeze %dma_start3A_661 : memref<1x50x1024xf32, #tpu.memory_space<hbm>> -> memref<50x1024xf32, #tpu.memory_space<hbm>>
    %dma_start3A_663 = arith.constant 0 : i32
    %dma_start3A_664 = tpu.memref_slice %dma_start3A_662[%multiple_of3A_657, %dma_start3A_663] : memref<50x1024xf32, #tpu.memory_space<hbm>> -> memref<8x1024xf32, #tpu.memory_space<hbm>>
    %dma_start3A_665 = arith.constant 0 : i32
    %dma_start3A_666 = arith.constant 0 : i32
    %dma_start3A_667 = tpu.memref_slice %arg9[%add3A_658, %dma_start3A_665, %dma_start3A_666] : memref<1024x50x1024xf32, #tpu.memory_space<hbm>> -> memref<1x50x1024xf32, #tpu.memory_space<hbm>>
    %dma_start3A_668 = tpu.memref_squeeze %dma_start3A_667 : memref<1x50x1024xf32, #tpu.memory_space<hbm>> -> memref<50x1024xf32, #tpu.memory_space<hbm>>
    %dma_start3A_669 = arith.constant 0 : i32
    %dma_start3A_670 = tpu.memref_slice %dma_start3A_668[%multiple_of3A_657, %dma_start3A_669] : memref<50x1024xf32, #tpu.memory_space<hbm>> -> memref<8x1024xf32, #tpu.memory_space<hbm>>
    tpu.enqueue_dma source(%arg22 : memref<8x1024xf32, #tpu.memory_space<vmem>>) target(%dma_start3A_670 : memref<8x1024xf32, #tpu.memory_space<hbm>>) target_semaphore(%arg40 : memref<!tpu.dma_semaphore, #tpu.memory_space<semaphore_mem>>)
    %multiple_of3A_671 = arith.constant 1760 : i32
    %multiple_of3A_672 = tpu.assume_multiple %multiple_of3A_671, 8 : i32
    %dma_wait3A_673 = tpu.memref_slice %arg11[%multiple_of3A_672] : memref<1792xi32, #tpu.memory_space<vmem>> -> memref<8xi32, #tpu.memory_space<vmem>>
    %dma_wait3A_674 = arith.constant 0 : i32
    %dma_wait3A_675 = arith.constant 0 : i32
    %dma_wait3A_676 = tpu.memref_slice %arg2[%dma_wait3A_674, %dma_wait3A_675] : memref<1000x1024xf32, #tpu.memory_space<hbm>> -> memref<1000x1024xf32, #tpu.memory_space<hbm>>
    tpu.wait_indirect_dma semaphore(%arg33 : memref<!tpu.dma_semaphore, #tpu.memory_space<semaphore_mem>>) src(%dma_wait3A_676 : memref<1000x1024xf32, #tpu.memory_space<hbm>>) dst(%arg23 : memref<8x1024xf32, #tpu.memory_space<vmem>>)
    %multiple_of3A_677 = arith.constant 3520 : i32
    %multiple_of3A_678 = tpu.assume_multiple %multiple_of3A_677, 16 : i32
    %get3A_679 = arith.index_cast %multiple_of3A_678 : i32 to index
    %get3A_680 = tpu.vector_load %arg18[%get3A_679] {strides = array<i32>} : memref<3584xi32, #tpu.memory_space<vmem>>, vector<16xi32>,
    %get3A_681 = vector.shape_cast %get3A_680 : vector<16xi32> to vector<16xi32>
    %slice3A_682 = vector.extract_strided_slice %get3A_681 {offsets = [0], sizes = [1], strides = [1]} : vector<16xi32> to vector<1xi32>
    %squeeze3A_683 = vector.extract %slice3A_682[0] : i32 from vector<1xi32>
    %mul3A_684 = arith.constant 56 : i32
    %mul3A_685 = arith.muli %squeeze3A_683, %mul3A_684 : i32
    %sub3A_686 = arith.constant 1760 : i32
    %sub3A_687 = arith.subi %sub3A_686, %mul3A_685 : i32
    %multiple_of3A_688 = tpu.assume_multiple %sub3A_687, 8 : i32
    %add3A_689 = arith.addi %mul3A_4, %squeeze3A_683 : i32
    %dma_start3A_690 = arith.constant 0 : i32
    %dma_start3A_691 = arith.constant 0 : i32
    %dma_start3A_692 = tpu.memref_slice %arg9[%add3A_689, %dma_start3A_690, %dma_start3A_691] : memref<1024x50x1024xf32, #tpu.memory_space<hbm>> -> memref<1x50x1024xf32, #tpu.memory_space<hbm>>
    %dma_start3A_693 = tpu.memref_squeeze %dma_start3A_692 : memref<1x50x1024xf32, #tpu.memory_space<hbm>> -> memref<50x1024xf32, #tpu.memory_space<hbm>>
    %dma_start3A_694 = arith.constant 0 : i32
    %dma_start3A_695 = tpu.memref_slice %dma_start3A_693[%multiple_of3A_688, %dma_start3A_694] : memref<50x1024xf32, #tpu.memory_space<hbm>> -> memref<8x1024xf32, #tpu.memory_space<hbm>>
    %dma_start3A_696 = arith.constant 0 : i32
    %dma_start3A_697 = arith.constant 0 : i32
    %dma_start3A_698 = tpu.memref_slice %arg9[%add3A_689, %dma_start3A_696, %dma_start3A_697] : memref<1024x50x1024xf32, #tpu.memory_space<hbm>> -> memref<1x50x1024xf32, #tpu.memory_space<hbm>>
    %dma_start3A_699 = tpu.memref_squeeze %dma_start3A_698 : memref<1x50x1024xf32, #tpu.memory_space<hbm>> -> memref<50x1024xf32, #tpu.memory_space<hbm>>
    %dma_start3A_700 = arith.constant 0 : i32
    %dma_start3A_701 = tpu.memref_slice %dma_start3A_699[%multiple_of3A_688, %dma_start3A_700] : memref<50x1024xf32, #tpu.memory_space<hbm>> -> memref<8x1024xf32, #tpu.memory_space<hbm>>
    tpu.enqueue_dma source(%arg23 : memref<8x1024xf32, #tpu.memory_space<vmem>>) target(%dma_start3A_701 : memref<8x1024xf32, #tpu.memory_space<hbm>>) target_semaphore(%arg41 : memref<!tpu.dma_semaphore, #tpu.memory_space<semaphore_mem>>)
    %multiple_of3A_702 = arith.constant 1768 : i32
    %multiple_of3A_703 = tpu.assume_multiple %multiple_of3A_702, 8 : i32
    %dma_wait3A_704 = tpu.memref_slice %arg11[%multiple_of3A_703] : memref<1792xi32, #tpu.memory_space<vmem>> -> memref<8xi32, #tpu.memory_space<vmem>>
    %dma_wait3A_705 = arith.constant 0 : i32
    %dma_wait3A_706 = arith.constant 0 : i32
    %dma_wait3A_707 = tpu.memref_slice %arg2[%dma_wait3A_705, %dma_wait3A_706] : memref<1000x1024xf32, #tpu.memory_space<hbm>> -> memref<1000x1024xf32, #tpu.memory_space<hbm>>
    tpu.wait_indirect_dma semaphore(%arg34 : memref<!tpu.dma_semaphore, #tpu.memory_space<semaphore_mem>>) src(%dma_wait3A_707 : memref<1000x1024xf32, #tpu.memory_space<hbm>>) dst(%arg24 : memref<8x1024xf32, #tpu.memory_space<vmem>>)
    %multiple_of3A_708 = arith.constant 3536 : i32
    %multiple_of3A_709 = tpu.assume_multiple %multiple_of3A_708, 16 : i32
    %get3A_710 = arith.index_cast %multiple_of3A_709 : i32 to index
    %get3A_711 = tpu.vector_load %arg18[%get3A_710] {strides = array<i32>} : memref<3584xi32, #tpu.memory_space<vmem>>, vector<16xi32>,
    %get3A_712 = vector.shape_cast %get3A_711 : vector<16xi32> to vector<16xi32>
    %slice3A_713 = vector.extract_strided_slice %get3A_712 {offsets = [0], sizes = [1], strides = [1]} : vector<16xi32> to vector<1xi32>
    %squeeze3A_714 = vector.extract %slice3A_713[0] : i32 from vector<1xi32>
    %mul3A_715 = arith.constant 56 : i32
    %mul3A_716 = arith.muli %squeeze3A_714, %mul3A_715 : i32
    %sub3A_717 = arith.constant 1768 : i32
    %sub3A_718 = arith.subi %sub3A_717, %mul3A_716 : i32
    %multiple_of3A_719 = tpu.assume_multiple %sub3A_718, 8 : i32
    %add3A_720 = arith.addi %mul3A_4, %squeeze3A_714 : i32
    %dma_start3A_721 = arith.constant 0 : i32
    %dma_start3A_722 = arith.constant 0 : i32
    %dma_start3A_723 = tpu.memref_slice %arg9[%add3A_720, %dma_start3A_721, %dma_start3A_722] : memref<1024x50x1024xf32, #tpu.memory_space<hbm>> -> memref<1x50x1024xf32, #tpu.memory_space<hbm>>
    %dma_start3A_724 = tpu.memref_squeeze %dma_start3A_723 : memref<1x50x1024xf32, #tpu.memory_space<hbm>> -> memref<50x1024xf32, #tpu.memory_space<hbm>>
    %dma_start3A_725 = arith.constant 0 : i32
    %dma_start3A_726 = tpu.memref_slice %dma_start3A_724[%multiple_of3A_719, %dma_start3A_725] : memref<50x1024xf32, #tpu.memory_space<hbm>> -> memref<8x1024xf32, #tpu.memory_space<hbm>>
    %dma_start3A_727 = arith.constant 0 : i32
    %dma_start3A_728 = arith.constant 0 : i32
    %dma_start3A_729 = tpu.memref_slice %arg9[%add3A_720, %dma_start3A_727, %dma_start3A_728] : memref<1024x50x1024xf32, #tpu.memory_space<hbm>> -> memref<1x50x1024xf32, #tpu.memory_space<hbm>>
    %dma_start3A_730 = tpu.memref_squeeze %dma_start3A_729 : memref<1x50x1024xf32, #tpu.memory_space<hbm>> -> memref<50x1024xf32, #tpu.memory_space<hbm>>
    %dma_start3A_731 = arith.constant 0 : i32
    %dma_start3A_732 = tpu.memref_slice %dma_start3A_730[%multiple_of3A_719, %dma_start3A_731] : memref<50x1024xf32, #tpu.memory_space<hbm>> -> memref<8x1024xf32, #tpu.memory_space<hbm>>
    tpu.enqueue_dma source(%arg24 : memref<8x1024xf32, #tpu.memory_space<vmem>>) target(%dma_start3A_732 : memref<8x1024xf32, #tpu.memory_space<hbm>>) target_semaphore(%arg42 : memref<!tpu.dma_semaphore, #tpu.memory_space<semaphore_mem>>)
    %multiple_of3A_733 = arith.constant 1776 : i32
    %multiple_of3A_734 = tpu.assume_multiple %multiple_of3A_733, 8 : i32
    %dma_wait3A_735 = tpu.memref_slice %arg11[%multiple_of3A_734] : memref<1792xi32, #tpu.memory_space<vmem>> -> memref<8xi32, #tpu.memory_space<vmem>>
    %dma_wait3A_736 = arith.constant 0 : i32
    %dma_wait3A_737 = arith.constant 0 : i32
    %dma_wait3A_738 = tpu.memref_slice %arg2[%dma_wait3A_736, %dma_wait3A_737] : memref<1000x1024xf32, #tpu.memory_space<hbm>> -> memref<1000x1024xf32, #tpu.memory_space<hbm>>
    tpu.wait_indirect_dma semaphore(%arg35 : memref<!tpu.dma_semaphore, #tpu.memory_space<semaphore_mem>>) src(%dma_wait3A_738 : memref<1000x1024xf32, #tpu.memory_space<hbm>>) dst(%arg25 : memref<8x1024xf32, #tpu.memory_space<vmem>>)
    %multiple_of3A_739 = arith.constant 3552 : i32
    %multiple_of3A_740 = tpu.assume_multiple %multiple_of3A_739, 16 : i32
    %get3A_741 = arith.index_cast %multiple_of3A_740 : i32 to index
    %get3A_742 = tpu.vector_load %arg18[%get3A_741] {strides = array<i32>} : memref<3584xi32, #tpu.memory_space<vmem>>, vector<16xi32>,
    %get3A_743 = vector.shape_cast %get3A_742 : vector<16xi32> to vector<16xi32>
    %slice3A_744 = vector.extract_strided_slice %get3A_743 {offsets = [0], sizes = [1], strides = [1]} : vector<16xi32> to vector<1xi32>
    %squeeze3A_745 = vector.extract %slice3A_744[0] : i32 from vector<1xi32>
    %mul3A_746 = arith.constant 56 : i32
    %mul3A_747 = arith.muli %squeeze3A_745, %mul3A_746 : i32
    %sub3A_748 = arith.constant 1776 : i32
    %sub3A_749 = arith.subi %sub3A_748, %mul3A_747 : i32
    %multiple_of3A_750 = tpu.assume_multiple %sub3A_749, 8 : i32
    %add3A_751 = arith.addi %mul3A_4, %squeeze3A_745 : i32
    %dma_start3A_752 = arith.constant 0 : i32
    %dma_start3A_753 = arith.constant 0 : i32
    %dma_start3A_754 = tpu.memref_slice %arg9[%add3A_751, %dma_start3A_752, %dma_start3A_753] : memref<1024x50x1024xf32, #tpu.memory_space<hbm>> -> memref<1x50x1024xf32, #tpu.memory_space<hbm>>
    %dma_start3A_755 = tpu.memref_squeeze %dma_start3A_754 : memref<1x50x1024xf32, #tpu.memory_space<hbm>> -> memref<50x1024xf32, #tpu.memory_space<hbm>>
    %dma_start3A_756 = arith.constant 0 : i32
    %dma_start3A_757 = tpu.memref_slice %dma_start3A_755[%multiple_of3A_750, %dma_start3A_756] : memref<50x1024xf32, #tpu.memory_space<hbm>> -> memref<8x1024xf32, #tpu.memory_space<hbm>>
    %dma_start3A_758 = arith.constant 0 : i32
    %dma_start3A_759 = arith.constant 0 : i32
    %dma_start3A_760 = tpu.memref_slice %arg9[%add3A_751, %dma_start3A_758, %dma_start3A_759] : memref<1024x50x1024xf32, #tpu.memory_space<hbm>> -> memref<1x50x1024xf32, #tpu.memory_space<hbm>>
    %dma_start3A_761 = tpu.memref_squeeze %dma_start3A_760 : memref<1x50x1024xf32, #tpu.memory_space<hbm>> -> memref<50x1024xf32, #tpu.memory_space<hbm>>
    %dma_start3A_762 = arith.constant 0 : i32
    %dma_start3A_763 = tpu.memref_slice %dma_start3A_761[%multiple_of3A_750, %dma_start3A_762] : memref<50x1024xf32, #tpu.memory_space<hbm>> -> memref<8x1024xf32, #tpu.memory_space<hbm>>
    tpu.enqueue_dma source(%arg25 : memref<8x1024xf32, #tpu.memory_space<vmem>>) target(%dma_start3A_763 : memref<8x1024xf32, #tpu.memory_space<hbm>>) target_semaphore(%arg43 : memref<!tpu.dma_semaphore, #tpu.memory_space<semaphore_mem>>)
    %multiple_of3A_764 = arith.constant 1784 : i32
    %multiple_of3A_765 = tpu.assume_multiple %multiple_of3A_764, 8 : i32
    %dma_wait3A_766 = tpu.memref_slice %arg11[%multiple_of3A_765] : memref<1792xi32, #tpu.memory_space<vmem>> -> memref<8xi32, #tpu.memory_space<vmem>>
    %dma_wait3A_767 = arith.constant 0 : i32
    %dma_wait3A_768 = arith.constant 0 : i32
    %dma_wait3A_769 = tpu.memref_slice %arg2[%dma_wait3A_767, %dma_wait3A_768] : memref<1000x1024xf32, #tpu.memory_space<hbm>> -> memref<1000x1024xf32, #tpu.memory_space<hbm>>
    tpu.wait_indirect_dma semaphore(%arg36 : memref<!tpu.dma_semaphore, #tpu.memory_space<semaphore_mem>>) src(%dma_wait3A_769 : memref<1000x1024xf32, #tpu.memory_space<hbm>>) dst(%arg26 : memref<8x1024xf32, #tpu.memory_space<vmem>>)
    %multiple_of3A_770 = arith.constant 3568 : i32
    %multiple_of3A_771 = tpu.assume_multiple %multiple_of3A_770, 16 : i32
    %get3A_772 = arith.index_cast %multiple_of3A_771 : i32 to index
    %get3A_773 = tpu.vector_load %arg18[%get3A_772] {strides = array<i32>} : memref<3584xi32, #tpu.memory_space<vmem>>, vector<16xi32>,
    %get3A_774 = vector.shape_cast %get3A_773 : vector<16xi32> to vector<16xi32>
    %slice3A_775 = vector.extract_strided_slice %get3A_774 {offsets = [0], sizes = [1], strides = [1]} : vector<16xi32> to vector<1xi32>
    %squeeze3A_776 = vector.extract %slice3A_775[0] : i32 from vector<1xi32>
    %mul3A_777 = arith.constant 56 : i32
    %mul3A_778 = arith.muli %squeeze3A_776, %mul3A_777 : i32
    %sub3A_779 = arith.constant 1784 : i32
    %sub3A_780 = arith.subi %sub3A_779, %mul3A_778 : i32
    %multiple_of3A_781 = tpu.assume_multiple %sub3A_780, 8 : i32
    %add3A_782 = arith.addi %mul3A_4, %squeeze3A_776 : i32
    %dma_start3A_783 = arith.constant 0 : i32
    %dma_start3A_784 = arith.constant 0 : i32
    %dma_start3A_785 = tpu.memref_slice %arg9[%add3A_782, %dma_start3A_783, %dma_start3A_784] : memref<1024x50x1024xf32, #tpu.memory_space<hbm>> -> memref<1x50x1024xf32, #tpu.memory_space<hbm>>
    %dma_start3A_786 = tpu.memref_squeeze %dma_start3A_785 : memref<1x50x1024xf32, #tpu.memory_space<hbm>> -> memref<50x1024xf32, #tpu.memory_space<hbm>>
    %dma_start3A_787 = arith.constant 0 : i32
    %dma_start3A_788 = tpu.memref_slice %dma_start3A_786[%multiple_of3A_781, %dma_start3A_787] : memref<50x1024xf32, #tpu.memory_space<hbm>> -> memref<8x1024xf32, #tpu.memory_space<hbm>>
    %dma_start3A_789 = arith.constant 0 : i32
    %dma_start3A_790 = arith.constant 0 : i32
    %dma_start3A_791 = tpu.memref_slice %arg9[%add3A_782, %dma_start3A_789, %dma_start3A_790] : memref<1024x50x1024xf32, #tpu.memory_space<hbm>> -> memref<1x50x1024xf32, #tpu.memory_space<hbm>>
    %dma_start3A_792 = tpu.memref_squeeze %dma_start3A_791 : memref<1x50x1024xf32, #tpu.memory_space<hbm>> -> memref<50x1024xf32, #tpu.memory_space<hbm>>
    %dma_start3A_793 = arith.constant 0 : i32
    %dma_start3A_794 = tpu.memref_slice %dma_start3A_792[%multiple_of3A_781, %dma_start3A_793] : memref<50x1024xf32, #tpu.memory_space<hbm>> -> memref<8x1024xf32, #tpu.memory_space<hbm>>
    tpu.enqueue_dma source(%arg26 : memref<8x1024xf32, #tpu.memory_space<vmem>>) target(%dma_start3A_794 : memref<8x1024xf32, #tpu.memory_space<hbm>>) target_semaphore(%arg44 : memref<!tpu.dma_semaphore, #tpu.memory_space<semaphore_mem>>)
    %multiple_of3A_795 = arith.constant 3456 : i32
    %multiple_of3A_796 = tpu.assume_multiple %multiple_of3A_795, 16 : i32
    %get3A_797 = arith.index_cast %multiple_of3A_796 : i32 to index
    %get3A_798 = tpu.vector_load %arg18[%get3A_797] {strides = array<i32>} : memref<3584xi32, #tpu.memory_space<vmem>>, vector<16xi32>,
    %get3A_799 = vector.shape_cast %get3A_798 : vector<16xi32> to vector<16xi32>
    %slice3A_800 = vector.extract_strided_slice %get3A_799 {offsets = [0], sizes = [1], strides = [1]} : vector<16xi32> to vector<1xi32>
    %squeeze3A_801 = vector.extract %slice3A_800[0] : i32 from vector<1xi32>
    %mul3A_802 = arith.constant 56 : i32
    %mul3A_803 = arith.muli %squeeze3A_801, %mul3A_802 : i32
    %sub3A_804 = arith.constant 1728 : i32
    %sub3A_805 = arith.subi %sub3A_804, %mul3A_803 : i32
    %multiple_of3A_806 = tpu.assume_multiple %sub3A_805, 8 : i32
    %add3A_807 = arith.addi %mul3A_4, %squeeze3A_801 : i32
    %dma_wait3A_808 = arith.constant 0 : i32
    %dma_wait3A_809 = arith.constant 0 : i32
    %dma_wait3A_810 = tpu.memref_slice %arg9[%add3A_807, %dma_wait3A_808, %dma_wait3A_809] : memref<1024x50x1024xf32, #tpu.memory_space<hbm>> -> memref<1x50x1024xf32, #tpu.memory_space<hbm>>
    %dma_wait3A_811 = tpu.memref_squeeze %dma_wait3A_810 : memref<1x50x1024xf32, #tpu.memory_space<hbm>> -> memref<50x1024xf32, #tpu.memory_space<hbm>>
    %dma_wait3A_812 = arith.constant 0 : i32
    %dma_wait3A_813 = tpu.memref_slice %dma_wait3A_811[%multiple_of3A_806, %dma_wait3A_812] : memref<50x1024xf32, #tpu.memory_space<hbm>> -> memref<8x1024xf32, #tpu.memory_space<hbm>>
    %dma_wait3A_814 = arith.constant 0 : i32
    %dma_wait3A_815 = arith.constant 0 : i32
    %dma_wait3A_816 = tpu.memref_slice %arg9[%add3A_807, %dma_wait3A_814, %dma_wait3A_815] : memref<1024x50x1024xf32, #tpu.memory_space<hbm>> -> memref<1x50x1024xf32, #tpu.memory_space<hbm>>
    %dma_wait3A_817 = tpu.memref_squeeze %dma_wait3A_816 : memref<1x50x1024xf32, #tpu.memory_space<hbm>> -> memref<50x1024xf32, #tpu.memory_space<hbm>>
    %dma_wait3A_818 = arith.constant 0 : i32
    %dma_wait3A_819 = tpu.memref_slice %dma_wait3A_817[%multiple_of3A_806, %dma_wait3A_818] : memref<50x1024xf32, #tpu.memory_space<hbm>> -> memref<8x1024xf32, #tpu.memory_space<hbm>>
    tpu.wait_dma2 semaphore(%arg37 : memref<!tpu.dma_semaphore, #tpu.memory_space<semaphore_mem>>) src(%arg19 : memref<8x1024xf32, #tpu.memory_space<vmem>>) dst(%dma_wait3A_819 : memref<8x1024xf32, #tpu.memory_space<hbm>>)
    %multiple_of3A_820 = arith.constant 3472 : i32
    %multiple_of3A_821 = tpu.assume_multiple %multiple_of3A_820, 16 : i32
    %get3A_822 = arith.index_cast %multiple_of3A_821 : i32 to index
    %get3A_823 = tpu.vector_load %arg18[%get3A_822] {strides = array<i32>} : memref<3584xi32, #tpu.memory_space<vmem>>, vector<16xi32>,
    %get3A_824 = vector.shape_cast %get3A_823 : vector<16xi32> to vector<16xi32>
    %slice3A_825 = vector.extract_strided_slice %get3A_824 {offsets = [0], sizes = [1], strides = [1]} : vector<16xi32> to vector<1xi32>
    %squeeze3A_826 = vector.extract %slice3A_825[0] : i32 from vector<1xi32>
    %mul3A_827 = arith.constant 56 : i32
    %mul3A_828 = arith.muli %squeeze3A_826, %mul3A_827 : i32
    %sub3A_829 = arith.constant 1736 : i32
    %sub3A_830 = arith.subi %sub3A_829, %mul3A_828 : i32
    %multiple_of3A_831 = tpu.assume_multiple %sub3A_830, 8 : i32
    %add3A_832 = arith.addi %mul3A_4, %squeeze3A_826 : i32
    %dma_wait3A_833 = arith.constant 0 : i32
    %dma_wait3A_834 = arith.constant 0 : i32
    %dma_wait3A_835 = tpu.memref_slice %arg9[%add3A_832, %dma_wait3A_833, %dma_wait3A_834] : memref<1024x50x1024xf32, #tpu.memory_space<hbm>> -> memref<1x50x1024xf32, #tpu.memory_space<hbm>>
    %dma_wait3A_836 = tpu.memref_squeeze %dma_wait3A_835 : memref<1x50x1024xf32, #tpu.memory_space<hbm>> -> memref<50x1024xf32, #tpu.memory_space<hbm>>
    %dma_wait3A_837 = arith.constant 0 : i32
    %dma_wait3A_838 = tpu.memref_slice %dma_wait3A_836[%multiple_of3A_831, %dma_wait3A_837] : memref<50x1024xf32, #tpu.memory_space<hbm>> -> memref<8x1024xf32, #tpu.memory_space<hbm>>
    %dma_wait3A_839 = arith.constant 0 : i32
    %dma_wait3A_840 = arith.constant 0 : i32
    %dma_wait3A_841 = tpu.memref_slice %arg9[%add3A_832, %dma_wait3A_839, %dma_wait3A_840] : memref<1024x50x1024xf32, #tpu.memory_space<hbm>> -> memref<1x50x1024xf32, #tpu.memory_space<hbm>>
    %dma_wait3A_842 = tpu.memref_squeeze %dma_wait3A_841 : memref<1x50x1024xf32, #tpu.memory_space<hbm>> -> memref<50x1024xf32, #tpu.memory_space<hbm>>
    %dma_wait3A_843 = arith.constant 0 : i32
    %dma_wait3A_844 = tpu.memref_slice %dma_wait3A_842[%multiple_of3A_831, %dma_wait3A_843] : memref<50x1024xf32, #tpu.memory_space<hbm>> -> memref<8x1024xf32, #tpu.memory_space<hbm>>
    tpu.wait_dma2 semaphore(%arg38 : memref<!tpu.dma_semaphore, #tpu.memory_space<semaphore_mem>>) src(%arg20 : memref<8x1024xf32, #tpu.memory_space<vmem>>) dst(%dma_wait3A_844 : memref<8x1024xf32, #tpu.memory_space<hbm>>)
    %multiple_of3A_845 = arith.constant 3488 : i32
    %multiple_of3A_846 = tpu.assume_multiple %multiple_of3A_845, 16 : i32
    %get3A_847 = arith.index_cast %multiple_of3A_846 : i32 to index
    %get3A_848 = tpu.vector_load %arg18[%get3A_847] {strides = array<i32>} : memref<3584xi32, #tpu.memory_space<vmem>>, vector<16xi32>,
    %get3A_849 = vector.shape_cast %get3A_848 : vector<16xi32> to vector<16xi32>
    %slice3A_850 = vector.extract_strided_slice %get3A_849 {offsets = [0], sizes = [1], strides = [1]} : vector<16xi32> to vector<1xi32>
    %squeeze3A_851 = vector.extract %slice3A_850[0] : i32 from vector<1xi32>
    %mul3A_852 = arith.constant 56 : i32
    %mul3A_853 = arith.muli %squeeze3A_851, %mul3A_852 : i32
    %sub3A_854 = arith.constant 1744 : i32
    %sub3A_855 = arith.subi %sub3A_854, %mul3A_853 : i32
    %multiple_of3A_856 = tpu.assume_multiple %sub3A_855, 8 : i32
    %add3A_857 = arith.addi %mul3A_4, %squeeze3A_851 : i32
    %dma_wait3A_858 = arith.constant 0 : i32
    %dma_wait3A_859 = arith.constant 0 : i32
    %dma_wait3A_860 = tpu.memref_slice %arg9[%add3A_857, %dma_wait3A_858, %dma_wait3A_859] : memref<1024x50x1024xf32, #tpu.memory_space<hbm>> -> memref<1x50x1024xf32, #tpu.memory_space<hbm>>
    %dma_wait3A_861 = tpu.memref_squeeze %dma_wait3A_860 : memref<1x50x1024xf32, #tpu.memory_space<hbm>> -> memref<50x1024xf32, #tpu.memory_space<hbm>>
    %dma_wait3A_862 = arith.constant 0 : i32
    %dma_wait3A_863 = tpu.memref_slice %dma_wait3A_861[%multiple_of3A_856, %dma_wait3A_862] : memref<50x1024xf32, #tpu.memory_space<hbm>> -> memref<8x1024xf32, #tpu.memory_space<hbm>>
    %dma_wait3A_864 = arith.constant 0 : i32
    %dma_wait3A_865 = arith.constant 0 : i32
    %dma_wait3A_866 = tpu.memref_slice %arg9[%add3A_857, %dma_wait3A_864, %dma_wait3A_865] : memref<1024x50x1024xf32, #tpu.memory_space<hbm>> -> memref<1x50x1024xf32, #tpu.memory_space<hbm>>
    %dma_wait3A_867 = tpu.memref_squeeze %dma_wait3A_866 : memref<1x50x1024xf32, #tpu.memory_space<hbm>> -> memref<50x1024xf32, #tpu.memory_space<hbm>>
    %dma_wait3A_868 = arith.constant 0 : i32
    %dma_wait3A_869 = tpu.memref_slice %dma_wait3A_867[%multiple_of3A_856, %dma_wait3A_868] : memref<50x1024xf32, #tpu.memory_space<hbm>> -> memref<8x1024xf32, #tpu.memory_space<hbm>>
    tpu.wait_dma2 semaphore(%arg39 : memref<!tpu.dma_semaphore, #tpu.memory_space<semaphore_mem>>) src(%arg21 : memref<8x1024xf32, #tpu.memory_space<vmem>>) dst(%dma_wait3A_869 : memref<8x1024xf32, #tpu.memory_space<hbm>>)
    %multiple_of3A_870 = arith.constant 3504 : i32
    %multiple_of3A_871 = tpu.assume_multiple %multiple_of3A_870, 16 : i32
    %get3A_872 = arith.index_cast %multiple_of3A_871 : i32 to index
    %get3A_873 = tpu.vector_load %arg18[%get3A_872] {strides = array<i32>} : memref<3584xi32, #tpu.memory_space<vmem>>, vector<16xi32>,
    %get3A_874 = vector.shape_cast %get3A_873 : vector<16xi32> to vector<16xi32>
    %slice3A_875 = vector.extract_strided_slice %get3A_874 {offsets = [0], sizes = [1], strides = [1]} : vector<16xi32> to vector<1xi32>
    %squeeze3A_876 = vector.extract %slice3A_875[0] : i32 from vector<1xi32>
    %mul3A_877 = arith.constant 56 : i32
    %mul3A_878 = arith.muli %squeeze3A_876, %mul3A_877 : i32
    %sub3A_879 = arith.constant 1752 : i32
    %sub3A_880 = arith.subi %sub3A_879, %mul3A_878 : i32
    %multiple_of3A_881 = tpu.assume_multiple %sub3A_880, 8 : i32
    %add3A_882 = arith.addi %mul3A_4, %squeeze3A_876 : i32
    %dma_wait3A_883 = arith.constant 0 : i32
    %dma_wait3A_884 = arith.constant 0 : i32
    %dma_wait3A_885 = tpu.memref_slice %arg9[%add3A_882, %dma_wait3A_883, %dma_wait3A_884] : memref<1024x50x1024xf32, #tpu.memory_space<hbm>> -> memref<1x50x1024xf32, #tpu.memory_space<hbm>>
    %dma_wait3A_886 = tpu.memref_squeeze %dma_wait3A_885 : memref<1x50x1024xf32, #tpu.memory_space<hbm>> -> memref<50x1024xf32, #tpu.memory_space<hbm>>
    %dma_wait3A_887 = arith.constant 0 : i32
    %dma_wait3A_888 = tpu.memref_slice %dma_wait3A_886[%multiple_of3A_881, %dma_wait3A_887] : memref<50x1024xf32, #tpu.memory_space<hbm>> -> memref<8x1024xf32, #tpu.memory_space<hbm>>
    %dma_wait3A_889 = arith.constant 0 : i32
    %dma_wait3A_890 = arith.constant 0 : i32
    %dma_wait3A_891 = tpu.memref_slice %arg9[%add3A_882, %dma_wait3A_889, %dma_wait3A_890] : memref<1024x50x1024xf32, #tpu.memory_space<hbm>> -> memref<1x50x1024xf32, #tpu.memory_space<hbm>>
    %dma_wait3A_892 = tpu.memref_squeeze %dma_wait3A_891 : memref<1x50x1024xf32, #tpu.memory_space<hbm>> -> memref<50x1024xf32, #tpu.memory_space<hbm>>
    %dma_wait3A_893 = arith.constant 0 : i32
    %dma_wait3A_894 = tpu.memref_slice %dma_wait3A_892[%multiple_of3A_881, %dma_wait3A_893] : memref<50x1024xf32, #tpu.memory_space<hbm>> -> memref<8x1024xf32, #tpu.memory_space<hbm>>
    tpu.wait_dma2 semaphore(%arg40 : memref<!tpu.dma_semaphore, #tpu.memory_space<semaphore_mem>>) src(%arg22 : memref<8x1024xf32, #tpu.memory_space<vmem>>) dst(%dma_wait3A_894 : memref<8x1024xf32, #tpu.memory_space<hbm>>)
    %multiple_of3A_895 = arith.constant 3520 : i32
    %multiple_of3A_896 = tpu.assume_multiple %multiple_of3A_895, 16 : i32
    %get3A_897 = arith.index_cast %multiple_of3A_896 : i32 to index
    %get3A_898 = tpu.vector_load %arg18[%get3A_897] {strides = array<i32>} : memref<3584xi32, #tpu.memory_space<vmem>>, vector<16xi32>,
    %get3A_899 = vector.shape_cast %get3A_898 : vector<16xi32> to vector<16xi32>
    %slice3A_900 = vector.extract_strided_slice %get3A_899 {offsets = [0], sizes = [1], strides = [1]} : vector<16xi32> to vector<1xi32>
    %squeeze3A_901 = vector.extract %slice3A_900[0] : i32 from vector<1xi32>
    %mul3A_902 = arith.constant 56 : i32
    %mul3A_903 = arith.muli %squeeze3A_901, %mul3A_902 : i32
    %sub3A_904 = arith.constant 1760 : i32
    %sub3A_905 = arith.subi %sub3A_904, %mul3A_903 : i32
    %multiple_of3A_906 = tpu.assume_multiple %sub3A_905, 8 : i32
    %add3A_907 = arith.addi %mul3A_4, %squeeze3A_901 : i32
    %dma_wait3A_908 = arith.constant 0 : i32
    %dma_wait3A_909 = arith.constant 0 : i32
    %dma_wait3A_910 = tpu.memref_slice %arg9[%add3A_907, %dma_wait3A_908, %dma_wait3A_909] : memref<1024x50x1024xf32, #tpu.memory_space<hbm>> -> memref<1x50x1024xf32, #tpu.memory_space<hbm>>
    %dma_wait3A_911 = tpu.memref_squeeze %dma_wait3A_910 : memref<1x50x1024xf32, #tpu.memory_space<hbm>> -> memref<50x1024xf32, #tpu.memory_space<hbm>>
    %dma_wait3A_912 = arith.constant 0 : i32
    %dma_wait3A_913 = tpu.memref_slice %dma_wait3A_911[%multiple_of3A_906, %dma_wait3A_912] : memref<50x1024xf32, #tpu.memory_space<hbm>> -> memref<8x1024xf32, #tpu.memory_space<hbm>>
    %dma_wait3A_914 = arith.constant 0 : i32
    %dma_wait3A_915 = arith.constant 0 : i32
    %dma_wait3A_916 = tpu.memref_slice %arg9[%add3A_907, %dma_wait3A_914, %dma_wait3A_915] : memref<1024x50x1024xf32, #tpu.memory_space<hbm>> -> memref<1x50x1024xf32, #tpu.memory_space<hbm>>
    %dma_wait3A_917 = tpu.memref_squeeze %dma_wait3A_916 : memref<1x50x1024xf32, #tpu.memory_space<hbm>> -> memref<50x1024xf32, #tpu.memory_space<hbm>>
    %dma_wait3A_918 = arith.constant 0 : i32
    %dma_wait3A_919 = tpu.memref_slice %dma_wait3A_917[%multiple_of3A_906, %dma_wait3A_918] : memref<50x1024xf32, #tpu.memory_space<hbm>> -> memref<8x1024xf32, #tpu.memory_space<hbm>>
    tpu.wait_dma2 semaphore(%arg41 : memref<!tpu.dma_semaphore, #tpu.memory_space<semaphore_mem>>) src(%arg23 : memref<8x1024xf32, #tpu.memory_space<vmem>>) dst(%dma_wait3A_919 : memref<8x1024xf32, #tpu.memory_space<hbm>>)
    %multiple_of3A_920 = arith.constant 3536 : i32
    %multiple_of3A_921 = tpu.assume_multiple %multiple_of3A_920, 16 : i32
    %get3A_922 = arith.index_cast %multiple_of3A_921 : i32 to index
    %get3A_923 = tpu.vector_load %arg18[%get3A_922] {strides = array<i32>} : memref<3584xi32, #tpu.memory_space<vmem>>, vector<16xi32>,
    %get3A_924 = vector.shape_cast %get3A_923 : vector<16xi32> to vector<16xi32>
    %slice3A_925 = vector.extract_strided_slice %get3A_924 {offsets = [0], sizes = [1], strides = [1]} : vector<16xi32> to vector<1xi32>
    %squeeze3A_926 = vector.extract %slice3A_925[0] : i32 from vector<1xi32>
    %mul3A_927 = arith.constant 56 : i32
    %mul3A_928 = arith.muli %squeeze3A_926, %mul3A_927 : i32
    %sub3A_929 = arith.constant 1768 : i32
    %sub3A_930 = arith.subi %sub3A_929, %mul3A_928 : i32
    %multiple_of3A_931 = tpu.assume_multiple %sub3A_930, 8 : i32
    %add3A_932 = arith.addi %mul3A_4, %squeeze3A_926 : i32
    %dma_wait3A_933 = arith.constant 0 : i32
    %dma_wait3A_934 = arith.constant 0 : i32
    %dma_wait3A_935 = tpu.memref_slice %arg9[%add3A_932, %dma_wait3A_933, %dma_wait3A_934] : memref<1024x50x1024xf32, #tpu.memory_space<hbm>> -> memref<1x50x1024xf32, #tpu.memory_space<hbm>>
    %dma_wait3A_936 = tpu.memref_squeeze %dma_wait3A_935 : memref<1x50x1024xf32, #tpu.memory_space<hbm>> -> memref<50x1024xf32, #tpu.memory_space<hbm>>
    %dma_wait3A_937 = arith.constant 0 : i32
    %dma_wait3A_938 = tpu.memref_slice %dma_wait3A_936[%multiple_of3A_931, %dma_wait3A_937] : memref<50x1024xf32, #tpu.memory_space<hbm>> -> memref<8x1024xf32, #tpu.memory_space<hbm>>
    %dma_wait3A_939 = arith.constant 0 : i32
    %dma_wait3A_940 = arith.constant 0 : i32
    %dma_wait3A_941 = tpu.memref_slice %arg9[%add3A_932, %dma_wait3A_939, %dma_wait3A_940] : memref<1024x50x1024xf32, #tpu.memory_space<hbm>> -> memref<1x50x1024xf32, #tpu.memory_space<hbm>>
    %dma_wait3A_942 = tpu.memref_squeeze %dma_wait3A_941 : memref<1x50x1024xf32, #tpu.memory_space<hbm>> -> memref<50x1024xf32, #tpu.memory_space<hbm>>
    %dma_wait3A_943 = arith.constant 0 : i32
    %dma_wait3A_944 = tpu.memref_slice %dma_wait3A_942[%multiple_of3A_931, %dma_wait3A_943] : memref<50x1024xf32, #tpu.memory_space<hbm>> -> memref<8x1024xf32, #tpu.memory_space<hbm>>
    tpu.wait_dma2 semaphore(%arg42 : memref<!tpu.dma_semaphore, #tpu.memory_space<semaphore_mem>>) src(%arg24 : memref<8x1024xf32, #tpu.memory_space<vmem>>) dst(%dma_wait3A_944 : memref<8x1024xf32, #tpu.memory_space<hbm>>)
    %multiple_of3A_945 = arith.constant 3552 : i32
    %multiple_of3A_946 = tpu.assume_multiple %multiple_of3A_945, 16 : i32
    %get3A_947 = arith.index_cast %multiple_of3A_946 : i32 to index
    %get3A_948 = tpu.vector_load %arg18[%get3A_947] {strides = array<i32>} : memref<3584xi32, #tpu.memory_space<vmem>>, vector<16xi32>,
    %get3A_949 = vector.shape_cast %get3A_948 : vector<16xi32> to vector<16xi32>
    %slice3A_950 = vector.extract_strided_slice %get3A_949 {offsets = [0], sizes = [1], strides = [1]} : vector<16xi32> to vector<1xi32>
    %squeeze3A_951 = vector.extract %slice3A_950[0] : i32 from vector<1xi32>
    %mul3A_952 = arith.constant 56 : i32
    %mul3A_953 = arith.muli %squeeze3A_951, %mul3A_952 : i32
    %sub3A_954 = arith.constant 1776 : i32
    %sub3A_955 = arith.subi %sub3A_954, %mul3A_953 : i32
    %multiple_of3A_956 = tpu.assume_multiple %sub3A_955, 8 : i32
    %add3A_957 = arith.addi %mul3A_4, %squeeze3A_951 : i32
    %dma_wait3A_958 = arith.constant 0 : i32
    %dma_wait3A_959 = arith.constant 0 : i32
    %dma_wait3A_960 = tpu.memref_slice %arg9[%add3A_957, %dma_wait3A_958, %dma_wait3A_959] : memref<1024x50x1024xf32, #tpu.memory_space<hbm>> -> memref<1x50x1024xf32, #tpu.memory_space<hbm>>
    %dma_wait3A_961 = tpu.memref_squeeze %dma_wait3A_960 : memref<1x50x1024xf32, #tpu.memory_space<hbm>> -> memref<50x1024xf32, #tpu.memory_space<hbm>>
    %dma_wait3A_962 = arith.constant 0 : i32
    %dma_wait3A_963 = tpu.memref_slice %dma_wait3A_961[%multiple_of3A_956, %dma_wait3A_962] : memref<50x1024xf32, #tpu.memory_space<hbm>> -> memref<8x1024xf32, #tpu.memory_space<hbm>>
    %dma_wait3A_964 = arith.constant 0 : i32
    %dma_wait3A_965 = arith.constant 0 : i32
    %dma_wait3A_966 = tpu.memref_slice %arg9[%add3A_957, %dma_wait3A_964, %dma_wait3A_965] : memref<1024x50x1024xf32, #tpu.memory_space<hbm>> -> memref<1x50x1024xf32, #tpu.memory_space<hbm>>
    %dma_wait3A_967 = tpu.memref_squeeze %dma_wait3A_966 : memref<1x50x1024xf32, #tpu.memory_space<hbm>> -> memref<50x1024xf32, #tpu.memory_space<hbm>>
    %dma_wait3A_968 = arith.constant 0 : i32
    %dma_wait3A_969 = tpu.memref_slice %dma_wait3A_967[%multiple_of3A_956, %dma_wait3A_968] : memref<50x1024xf32, #tpu.memory_space<hbm>> -> memref<8x1024xf32, #tpu.memory_space<hbm>>
    tpu.wait_dma2 semaphore(%arg43 : memref<!tpu.dma_semaphore, #tpu.memory_space<semaphore_mem>>) src(%arg25 : memref<8x1024xf32, #tpu.memory_space<vmem>>) dst(%dma_wait3A_969 : memref<8x1024xf32, #tpu.memory_space<hbm>>)
    %multiple_of3A_970 = arith.constant 3568 : i32
    %multiple_of3A_971 = tpu.assume_multiple %multiple_of3A_970, 16 : i32
    %get3A_972 = arith.index_cast %multiple_of3A_971 : i32 to index
    %get3A_973 = tpu.vector_load %arg18[%get3A_972] {strides = array<i32>} : memref<3584xi32, #tpu.memory_space<vmem>>, vector<16xi32>,
    %get3A_974 = vector.shape_cast %get3A_973 : vector<16xi32> to vector<16xi32>
    %slice3A_975 = vector.extract_strided_slice %get3A_974 {offsets = [0], sizes = [1], strides = [1]} : vector<16xi32> to vector<1xi32>
    %squeeze3A_976 = vector.extract %slice3A_975[0] : i32 from vector<1xi32>
    %mul3A_977 = arith.constant 56 : i32
    %mul3A_978 = arith.muli %squeeze3A_976, %mul3A_977 : i32
    %sub3A_979 = arith.constant 1784 : i32
    %sub3A_980 = arith.subi %sub3A_979, %mul3A_978 : i32
    %multiple_of3A_981 = tpu.assume_multiple %sub3A_980, 8 : i32
    %add3A_982 = arith.addi %mul3A_4, %squeeze3A_976 : i32
    %dma_wait3A_983 = arith.constant 0 : i32
    %dma_wait3A_984 = arith.constant 0 : i32
    %dma_wait3A_985 = tpu.memref_slice %arg9[%add3A_982, %dma_wait3A_983, %dma_wait3A_984] : memref<1024x50x1024xf32, #tpu.memory_space<hbm>> -> memref<1x50x1024xf32, #tpu.memory_space<hbm>>
    %dma_wait3A_986 = tpu.memref_squeeze %dma_wait3A_985 : memref<1x50x1024xf32, #tpu.memory_space<hbm>> -> memref<50x1024xf32, #tpu.memory_space<hbm>>
    %dma_wait3A_987 = arith.constant 0 : i32
    %dma_wait3A_988 = tpu.memref_slice %dma_wait3A_986[%multiple_of3A_981, %dma_wait3A_987] : memref<50x1024xf32, #tpu.memory_space<hbm>> -> memref<8x1024xf32, #tpu.memory_space<hbm>>
    %dma_wait3A_989 = arith.constant 0 : i32
    %dma_wait3A_990 = arith.constant 0 : i32
    %dma_wait3A_991 = tpu.memref_slice %arg9[%add3A_982, %dma_wait3A_989, %dma_wait3A_990] : memref<1024x50x1024xf32, #tpu.memory_space<hbm>> -> memref<1x50x1024xf32, #tpu.memory_space<hbm>>
    %dma_wait3A_992 = tpu.memref_squeeze %dma_wait3A_991 : memref<1x50x1024xf32, #tpu.memory_space<hbm>> -> memref<50x1024xf32, #tpu.memory_space<hbm>>
    %dma_wait3A_993 = arith.constant 0 : i32
    %dma_wait3A_994 = tpu.memref_slice %dma_wait3A_992[%multiple_of3A_981, %dma_wait3A_993] : memref<50x1024xf32, #tpu.memory_space<hbm>> -> memref<8x1024xf32, #tpu.memory_space<hbm>>
    tpu.wait_dma2 semaphore(%arg44 : memref<!tpu.dma_semaphore, #tpu.memory_space<semaphore_mem>>) src(%arg26 : memref<8x1024xf32, #tpu.memory_space<vmem>>) dst(%dma_wait3A_994 : memref<8x1024xf32, #tpu.memory_space<hbm>>)
    return
  }
}

module attributes {stable_mosaic.version = 14 : i64} {
  func.func @_lse_body(%arg0: memref<1000x1000xf32, #tpu.memory_space<vmem>>, %arg1: memref<1000x1xf32, #tpu.memory_space<vmem>>) attributes {dimension_semantics = [], scalar_prefetch = 0 : i64, scratch_operands = 0 : i64, tpu.core_type = #tpu.core_type<tc>} {
    %get3A = arith.constant 0 : index
    %get3A_0 = arith.constant 0 : index
    %get3A_1 = vector.load %arg0[%get3A, %get3A_0] : memref<1000x1000xf32, #tpu.memory_space<vmem>>, vector<1000x1000xf32>
    %reduce_max3A = arith.constant dense<0xFF800000> : vector<1000xf32>
    %reduce_max3A_2 = vector.multi_reduction <maximumf>, %get3A_1, %reduce_max3A [1] : vector<1000x1000xf32> to vector<1000xf32>
    %broadcast_in_dim3A = vector.shape_cast %reduce_max3A_2 : vector<1000xf32> to vector<1000x1xf32>
    %sub3A = vector.broadcast %broadcast_in_dim3A : vector<1000x1xf32> to vector<1000x1000xf32>
    %sub3A_3 = arith.subf %get3A_1, %sub3A : vector<1000x1000xf32>
    %exp3A = math.exp %sub3A_3 : vector<1000x1000xf32>
    %reduce_sum3A = arith.constant dense<0.000000e+00> : vector<1000xf32>
    %reduce_sum3A_4 = vector.multi_reduction <add>, %exp3A, %reduce_sum3A [1] : vector<1000x1000xf32> to vector<1000xf32>
    %broadcast_in_dim3A_5 = vector.shape_cast %reduce_sum3A_4 : vector<1000xf32> to vector<1000x1xf32>
    %log3A = math.log %broadcast_in_dim3A_5 : vector<1000x1xf32>
    %add3A = arith.addf %broadcast_in_dim3A, %log3A : vector<1000x1xf32>
    %swap3A = arith.constant 0 : index
    %swap3A_6 = arith.constant 0 : index
    %swap3A_7 = vector.load %arg1[%swap3A, %swap3A_6] : memref<1000x1xf32, #tpu.memory_space<vmem>>, vector<1000x1xf32>
    tpu.vector_store %arg1[%swap3A, %swap3A_6], %add3A {strides = array<i32>} : memref<1000x1xf32, #tpu.memory_space<vmem>>, vector<1000x1xf32>,
    return
  }
}

</mosaic_0001>

<sc_bundles>
// kernel: kernel.4.cloned.1.call-start
scs
__scs_entry_jumppad:
0x0: {  	(pc) =	sbr.rel $0x88, $3  }
0x1: {  	(tag) =	ssettag $0x0;
	lr =	simm.s32 $0x1  }
0x2: {  	[smem:$0x3F9E] =	sst lr;
	_ =	strace $0xD0000000  }
0x3: {  	_ = 	snop  }
0x4: {  	_ = 	snop  }
0x5: {  	_ = 	snop  }
0x6: {  	_ = 	snop  }
0x7: {  	_ = 	snop  }
__scs_overlays_trampoline_lowered:
0x8: {  	[smem:$0x3FAD] =	sst s0  }
0x9: {  	[smem:$0x3FAE] =	sst s1  }
0xa: {  	[smem:$0x3FAF] =	sst s2  }
0xb: {  	[smem:$0x3FB0] =	sst s3  }
0xc: {  	[smem:$0x3FB1] =	sst s4  }
0xd: {  	[smem:$0x3FB2] =	sst s5  }
0xe: {  	[smem:$0x3FB3] =	sst s6  }
0xf: {  	[smem:$0x3FB4] =	sst s7  }
0x10: {  	[smem:$0x3FB5] =	sst s8  }
0x11: {  	[smem:$0x3FB6] =	sst s9;
	s0 =	simm.s32 @!p0 $0x0  }
0x12: {  	s1 =	sld [smem:$0x3F9C];
	s0 =	simm.s32 @p0 $0x1  }
0x13: {  	[smem:$0x3FB7] =	sst s0;
	s0 =	simm.s32 @!p1 $0x0  }
0x14: {  	s2 =	sld [smem:$0x3F9B];
	s0 =	simm.s32 @p1 $0x1  }
0x15: {  	[smem:$0x3FB8] =	sst s0;
	s0 =	simm.s32 @!p2 $0x0  }
0x16: {  	s3 =	sld [smem:$0x3FDB];
	s0 =	simm.s32 @p2 $0x1  }
0x17: {  	s4 =	simm.s32 $0x1BF5;
	[smem:$0x3FBA] =	sst s0  }
0x18: {  	s0 =	sld [smem:$0x3F9D];
	_ =	swait.ge [sflag:s4], $0x0  }
0x19: {  	s7 =	sld [smem:$0x3F9E]  }
0x1a: {  	s8 =	sadd.s32 $0xFFFFE003, lr  }
0x1b: {  	s9 =	sadd.s32 $0xFFFFFEF7, lr;
	s5 =	simm.s32 $0xFFFFFFFF;
	p2 =	slt.u32 s8, $0xFFFFF086  }
0x1c: {  	p1 =	slt.u32 s9, $0xF7A;
	s5 =	simm.s32 @!p2 $0x0  }
0x1d: {  	s5 =	simm.s32 @p1 $0x1;
	p0 =	seq.s32 s7, s2  }
0x1e: {  	s7 =	smul.u32 @!p0 $0xF7A, s2;
	p2 =	seq.s32 @!p0 s5, $0x0  }
0x1f: {  	s9 =	smul.u32 $0xF7A, s1;
	s8 =	simm.s32 @!p0 $0x1BF5;
	p2 =	por !p2, p0  }
0x20: {  	[sflag:s8] =	ssyncset.s32 @!p0 $0xFFFFF086;
	s6 =	sadd.s32 @!p0 s3, s7;
	s7 =	simm.s32 @!p0 $0x108  }
0x21: {  	s3 =	sadd.s32 s3, s9;
	s6 =	sadd.s32 @!p0 $0x88, s6;
	s7 =	simm.s32 @p2 $0x1082  }
0x22: {  	[simem:s7], [sflag:s8] =	dma.local @!p0 [hbm:s6], $0xF7A  }
0x23: {  	s9 =	sor.u32 $0xD0000000, s2;
	s6 =	simm.s32 $0x108;
	_ =	swait.ge @!p0 [sflag:s8], $0x0  }
0x24: {  	s3 =	sadd.s32 $0x88, s3;
	s6 =	simm.s32 @!p1 $0x1082;
	[sflag:s4] =	ssyncset.s32 $0xFFFFF086  }
0x25: {  	[simem:s6], [sflag:s4] =	dma.local [hbm:s3], $0xF7A  }
0x26: {  	[smem:$0x3F9E] =	sst s1;
	(tag) =	ssettag s2;
	_ =	strace s9  }
0x27: {  	s1 =	sld [smem:$0x3FAE]  }
0x28: {  	s2 =	sld [smem:$0x3FAF]  }
0x29: {  	s4 =	sld [smem:$0x3FB1]  }
0x2a: {  	p0 =	seq.s32 s5, $0x0;
	s5 =	sld [smem:$0x3FB2]  }
0x2b: {  	s6 =	sld [smem:$0x3FB3]  }
0x2c: {  	s7 =	sld [smem:$0x3FB4]  }
0x2d: {  	s3 =	simm.s32 $0x108;
	s8 =	sld [smem:$0x3FB5]  }
0x2e: {  	s3 =	simm.s32 @!p0 $0x1082;
	s9 =	sld [smem:$0x3FB6]  }
0x2f: {  	lr =	sadd.s32 s0, s3;
	s0 =	sld [smem:$0x3FAD]  }
0x30: {  	s3 =	sld [smem:$0x3FB0]  }
0x31: {  	[smem:$0x3FB9] =	sst s10  }
0x32: {  	s10 =	sld [smem:$0x3FB7];
	_ =	sdelay $0x3  }
0x33: {  	p0 =	seq.s32 s10, $0x1;
	s10 =	sld [smem:$0x3FB9];
	_ =	sdelay $0x3  }
0x34: {  	[smem:$0x3FB9] =	sst s10  }
0x35: {  	s10 =	sld [smem:$0x3FB8];
	_ =	sdelay $0x3  }
0x36: {  	p1 =	seq.s32 s10, $0x1;
	s10 =	sld [smem:$0x3FB9];
	_ =	sdelay $0x3  }
0x37: {  	[smem:$0x3FB9] =	sst s10  }
0x38: {  	s10 =	sld [smem:$0x3FBA]  }
0x39: {  	_ = 	snop;
	(pc) =	sbr.ind lr, $3  }
0x3a: {  	_ = 	snop  }
0x3b: {  	_ = 	snop  }
0x3c: {  	p2 =	seq.s32 s10, $0x1;
	s10 =	sld [smem:$0x3FB9]  }
0x3d: {  	_ =	shalt  }
0x3e: {  	_ =	shalt  }
0x3f: {  	_ =	shalt  }
0x40: {  	_ =	shalt  }
0x41: {  	_ =	shalt  }
0x42: {  	_ =	shalt  }
0x43: {  	_ =	shalt  }
0x44: {  	_ =	shalt  }
0x45: {  	_ =	shalt  }
0x46: {  	_ =	shalt  }
0x47: {  	_ =	shalt  }
0x48: {  	_ =	shalt  }
0x49: {  	_ =	shalt  }
0x4a: {  	_ =	shalt  }
0x4b: {  	_ =	shalt  }
0x4c: {  	_ =	shalt  }
0x4d: {  	_ =	shalt  }
0x4e: {  	_ =	shalt  }
0x4f: {  	_ =	shalt  }
0x50: {  	_ =	shalt  }
0x51: {  	_ =	shalt  }
0x52: {  	_ =	shalt  }
0x53: {  	_ =	shalt  }
0x54: {  	_ =	shalt  }
0x55: {  	_ =	shalt  }
0x56: {  	_ =	shalt  }
0x57: {  	_ =	shalt  }
0x58: {  	_ =	shalt  }
0x59: {  	_ =	shalt  }
0x5a: {  	_ =	shalt  }
0x5b: {  	_ =	shalt  }
0x5c: {  	_ =	shalt  }
0x5d: {  	_ =	shalt  }
0x5e: {  	_ =	shalt  }
0x5f: {  	_ =	shalt  }
0x60: {  	_ =	shalt  }
0x61: {  	_ =	shalt  }
0x62: {  	_ =	shalt  }
0x63: {  	_ =	shalt  }
0x64: {  	_ =	shalt  }
0x65: {  	_ =	shalt  }
0x66: {  	_ =	shalt  }
0x67: {  	_ =	shalt  }
0x68: {  	_ =	shalt  }
0x69: {  	_ =	shalt  }
0x6a: {  	_ =	shalt  }
0x6b: {  	_ =	shalt  }
0x6c: {  	_ =	shalt  }
0x6d: {  	_ =	shalt  }
0x6e: {  	_ =	shalt  }
0x6f: {  	_ =	shalt  }
0x70: {  	_ =	shalt  }
0x71: {  	_ =	shalt  }
0x72: {  	_ =	shalt  }
0x73: {  	_ =	shalt  }
0x74: {  	_ =	shalt  }
0x75: {  	_ =	shalt  }
0x76: {  	_ =	shalt  }
0x77: {  	_ =	shalt  }
0x78: {  	_ =	shalt  }
0x79: {  	_ =	shalt  }
0x7a: {  	_ =	shalt  }
0x7b: {  	_ =	shalt  }
0x7c: {  	_ =	shalt  }
0x7d: {  	_ =	shalt  }
0x7e: {  	_ =	shalt  }
0x7f: {  	_ =	shalt  }
0x80: {  	_ =	shalt  }
0x81: {  	_ =	shalt  }
0x82: {  	_ =	shalt  }
0x83: {  	_ =	shalt  }
0x84: {  	_ =	shalt  }
0x85: {  	_ =	shalt  }
0x86: {  	_ =	shalt  }
0x87: {  	_ =	shalt  }
.Lfunc_end0:
.L_simem_size_0:
called_computation.1_lowered:
.L_overlay_start_0:
0x88: {  	s2 =	sld [smem:$0x3FD9]  }
0x89: {  	s3 =	sld [smem:$0x3FFE];
	_ =	sdelay $0x1  }
0x8a: {  	s1 =	srdreg.scid  }
0x8b: {  	s0 =	sand.u32 $0x1, s1  }
0x8c: {  	s14 =	sshll.u32 s0, $0xA;
	s2 =	sadd.s32 s3, s2  }
0x8d: {  	s2 =	sadd.s32 s2, s14  }
0x8e: {  	[smem:$0x3FC5] =	sst s2  }
0x8f: {  	_ = 	snop  }
0x90: {  	s2 =	sld [smem:$0x3FD0];
	_ =	sdelay $0x2  }
0x91: {  	s15 =	simm.s32 $0xA;
	s4 =	simm.s32 $0x10  }
0x92: {  	[smem:s4], [sflag:s15] =	dma.local [hbm:s2], $0x1  }
0x93: {  	_ =	swait.eq [sflag:s15], $0x1  }
0x94: {  	[sflag:s15] =	ssyncset.done $0x0  }
0x95: {  	[sflag:s15] =	ssyncadd.s32 $0xFFFFFFFF  }
0x96: {  	s16 =	sld [smem:$0x10];
	(tm) =	ssettm $0x1  }
0x97: {  	s17 =	sld [smem:$0x3FFB];
	_ =	sdelay $0x3  }
0x98: {  	_ =	strace s17  }
0x99: {  	s3 =	sld [smem:$0x3FFC];
	_ =	sdelay $0x3  }
0x9a: {  	_ =	strace s3  }
0x9b: {  	s3 =	sld [smem:$0x3FFD];
	_ =	sdelay $0x3  }
0x9c: {  	_ =	strace s3  }
0x9d: {  	_ =	strace $0x8FFFFFFF  }
0x9e: {  	s18 =	sld [smem:$0x3FDB];
	_ =	sdelay $0x1  }
0x9f: {  	s19 =	simm.s32 $_scs_section_size  }
0xa0: {  	s5 =	simm.s32 $_size__tile_overlayer_lowered;
	s6 =	simm.s32 $_tile_overlayer_lowered  }
0xa1: {  	s22 =	simm.s32 $0x1BFF;
	s21 =	sshll.u32 s6, $0x1;
	s3 =	sadd.s32 s19, s18  }
0xa2: {  	s7 =	simm.s32 $0x0;
	s20 =	sshll.u32 s5, $0x1;
	s5 =	sadd.s32 s21, s3  }
0xa3: {  	[timem:s7], [sflag:s22] =	dma.local [hbm:s5], s20  }
0xa4: {  	_ =	swait.ge [sflag:s22], s20  }
0xa5: {  	s4 =	ssub.s32 $0x0, s20;
	[sflag:s22] =	ssyncset.done $0x0  }
0xa6: {  	[sflag:s22] =	ssyncadd.s32 s4;
	_ =	sdelay $0x1  }
0xa7: {  	s23 =	simm.s32 $0x1B8B  }
0xa8: {  	_ =	swait.ge [sflag:s23], $0x1  }
0xa9: {  	[sflag:s23] =	ssyncset.done $0x0  }
0xaa: {  	s25 =	simm.s32 $0x1B8E;
	s24 =	sld [smem:$0x3FFE];
	[sflag:s23] =	ssyncadd.s32 $0xFFFFFFFF  }
0xab: {  	s26 =	simm.s32 $execute0_lowered;
	[smem:$0x3FD2] =	sst s25  }
0xac: {  	s5 =	sshll.u32 s26, $0x1;
	_ =	strace $0x80000046;
	[dreg:$0x1] =	wrdreg $0xFFFFFFFF  }
0xad: {  	s28 =	simm.s32 $_size_execute0_lowered;
	s3 =	sadd.s32 s3, s5;
	[dreg:$0x0] =	wrdreg $0x0  }
0xae: {  	s5 =	sshll.u32 s28, $0x1;
	[dreg:$0x2] =	wrdreg s3  }
0xaf: {  	[dreg:$0x3] =	wrdreg s5  }
0xb0: {  	[dreg:$0x4] =	wrdreg $0xC0  }
0xb1: {  	_ =	task [dreg:s7], $0x5FFFF  }
0xb2: {  	[dreg:$0x1] =	wrdreg $0xFFFFFFFF  }
0xb3: {  	[dreg:$0x0] =	wrdreg $0x60  }
0xb4: {  	[dreg:$0x2] =	wrdreg s16  }
0xb5: {  	[dreg:$0x3] =	wrdreg s24  }
0xb6: {  	[dreg:$0x4] =	wrdreg $0x9  }
0xb7: {  	_ =	task.clear_ibuf [dreg:s7], $0x5FFFF;
	_ =	strace $0x90000046  }
0xb8: {  	s29 =	simm.s32 $0x9;
	_ =	strace $0x80000048  }
0xb9: {  	_ =	swait.ge [sflag:s29], $0x1  }
0xba: {  	[sflag:s29] =	ssyncadd.s32 $0xFFFFFFFF  }
0xbb: {  	_ =	strace $0x90000048  }
0xbc: {  	_ =	sfence  }
0xbd: {  	s30 =	sld [smem:$0x0];
	_ =	sdelay $0x2  }
0xbe: {  	s31 =	sshll.u32 s1, $0xD;
	s1 =	sshrl.u32 s1, $0x2  }
0xbf: {  	s3 =	sand.u32 $0x4000, s31;
	s1 =	sadd.s32 s1, s30  }
0xc0: {  	s0 =	sor.u32 s3, s0;
	s1 =	sshll.u32 s1, $0x11  }
0xc1: {  	s0 =	sor.u32 s1, s0  }
0xc2: {  	s0 =	sadd.s32 $0x8F2B, s0  }
0xc3: {  	[sflag:s0] =	ssyncadd.remote.s32 $0x1  }
0xc4: {  	_ =	sfence.sel $0xFFFF  }
0xc5: {  	[dreg:$0x0] =	wrdreg $0xFFFFFFFF;
	(pc) =	sbr.abs _section_cstart, $3  }
0xc6: {  	[dreg:$0x1] =	wrdreg $0xFFFFFFFF  }
0xc7: {  	_ =	task.clear_ibuf [dreg:s7], $0x2FFFF;
	_ =	strace $0x9FFFFFFF  }
0xc8: {  	(tm) =	ssettm $0x7FFFFFFF  }
0xc9: {  	_ =	shalt  }
tec
execute0_lowered:
.L_overlay_start_1:
0x0: {  	(tag) =	ssettag $0x1  }
0x1: {  	s2 =	rddreg [dreg:$0x0];
	s0 =	srdreg.scid  }
0x2: {  	s3 =	stileid.u32;
	s1 =	rddreg [dreg:$0x1]  }
0x3: {  	s29 =	simm.s32 $0x13;
	s31 =	simm.s32 $0x700;
	s10 =	simm.s32 $0x12E00  }
0x4: {  	s22 =	simm.s32 $0x7;
	s16 =	simm.s32 $0xA;
	s21 =	simm.s32 $0x3  }
0x5: {  	s28 =	simm.s32 $0xD600;
	s19 =	simm.s32 $0x11600;
	s0 =	sand.u32 $0x1, s0  }
0x6: {  	s4 =	sshll.u32 s3, $0x1;
	s3 =	simm.s32 $0x0;
	s7 =	sadd.s32 $0x800, s1  }
0x7: {  	s23 =	sadd.s32 $0x24400, s1;
	s24 =	sadd.s32 $0x1F200, s1;
	s13 =	sadd.s32 $0x100, s2  }
0x8: {  	s14 =	sadd.s32 $0x200, s2;
	s15 =	sadd.s32 $0x300, s2;
	[smem:$0x7FF] =	sst s3  }
0x9: {  	s4 =	sor.u32 s0, s4;
	_ =	strace $0x80000047;
	[dreg:$0x3] =	wrdreg s7  }
0xa: {  	s0 =	ssub.s32 $0x2, s0;
	s5 =	smul.u32 $0xE0, s4;
	[dreg:$0x4] =	wrdreg s23  }
0xb: {  	s6 =	smul.u32 $0xC8, s4;
	[dreg:$0x5] =	wrdreg s24;
	s7 =	sadd.s32 $0x24800, s1  }
0xc: {  	s8 =	sshll.u32 s4, $0x4;
	s9 =	sshrl.u32 s0, $0x1;
	s23 =	simm.s32 $0xB  }
0xd: {  	s24 =	simm.s32 $0x3600;
	s0 =	ssub.s32 s0, s9;
	s5 =	sadd.s32 s5, s1  }
0xe: {  	s6 =	sadd.s32 s6, s1;
	s1 =	sadd.s32 s8, s1;
	s0 =	smax.u32 s0, $0x1  }
0xf: {  	s8 =	sshll.u32 s4, $0x5;
	s25 =	sadd.s32 $0x22800, s5;
	[dreg:$0xa] =	wrdreg s0  }
0x10: {  	s4 =	simm.s32 $0x11E00;
	s26 =	sadd.s32 $0x20E00, s6;
	[dreg:$0x6] =	wrdreg s25  }
0x11: {  	v0 =	vlaneseq.u32;
	s30 =	sadd.s32 $0x1F400, s6;
	s1 =	sadd.s32 $0x24600, s1;
	[dreg:$0x7] =	wrdreg s26  }
0x12: {  	v1 =	vshrl.u32 v0, $0x3;
	s6 =	simm.s32 $0x11600;
	s5 =	simm.s32 $0x12600;
	[dreg:$0x8] =	wrdreg s30  }
0x13: {  	vm0 =	vmmov $0xffff;
	v0 =	vand.u32 $0x7, v0;
	v1 =	vmul.u32 $0x8, v1;
	s0 =	simm.s32 $0x0;
	[dreg:$0x9] =	wrdreg s1;
	s25 =	simm.s32 $0x8  }
.LBB2_1:
0x14: {  	s12 =	rddreg [dreg:$0x6]  }
0x15: {  	[tilespmem:s3], [sflag:$0x13] =	stream.linear.gather [hbm4b:s12+s3], $0x700, $0x38;
	[tilespmem:$0x13600] =	vst v63  }
0x16: {  	_ =	swait.ge [sflag:s29], $0x700  }
0x17: {  	[sflag:s29] =	ssyncset.done $0x0  }
0x18: {  	s18 =	rddreg [dreg:$0x7];
	[sflag:s29] =	ssyncadd.s32 $0xFFFFF900  }
0x19: {  	[tilespmem:s31], [sflag:$0x13] =	stream.linear.gather [hbm4b:s18+s3], $0x640, $0x38;
	[tilespmem:$0x13600] =	vst v63  }
0x1a: {  	_ =	swait.ge [sflag:s29], $0x640  }
0x1b: {  	[sflag:s29] =	ssyncset.done $0x0  }
0x1c: {  	s18 =	simm.s32 $0xD80;
	s20 =	rddreg [dreg:$0x8];
	[sflag:s29] =	ssyncadd.s32 $0xFFFFF9C0  }
0x1d: {  	[tilespmem:s18], [sflag:$0x13] =	stream.linear.gather [hbm4b:s20+s3], $0x640, $0x38;
	[tilespmem:$0x13600] =	vst v63  }
0x1e: {  	_ =	swait.ge [sflag:s29], $0x640  }
0x1f: {  	[sflag:s29] =	ssyncset.done $0x0  }
0x20: {  	s30 =	simm.s32 $0x2800;
	s26 =	rddreg [dreg:$0x5];
	[sflag:s29] =	ssyncadd.s32 $0xFFFFF9C0  }
0x21: {  	[tilespmem:s30], [sflag:$0x13] =	stream.linear.gather [hbm4b:s26+s3], $0xE00, $0x38;
	[tilespmem:$0x13600] =	vst v63  }
0x22: {  	_ =	swait.ge [sflag:s29], $0xE00  }
0x23: {  	[sflag:s29] =	ssyncset.done $0x0  }
0x24: {  	s18 =	simm.s32 $0x0;
	[sflag:s29] =	ssyncadd.s32 $0xFFFFF200  }
0x25: {  	v2 =	vld [tilespmem:s18+$0x700]  }
0x26: {  	s20 =	simm.s32 $0x40;
	v3 =	vld [tilespmem:s18+$0xD80]  }
.LBB2_2:
0x27: {  	_ = 	snop  }
0x28: {  	p0 =	sne.s32 s20, $0x18C0  }
.Ltmp0:
0x29: {  	_ = 	snop;
	(pc) =	sbr.rel @p0 .LBB2_2-.Ltmp0, $4  }
0x2a: {  	v4 =	vmul.u32 $0x3E8, v2  }
0x2b: {  	s26 =	sshra.s32 s20, $0x2  }
0x2c: {  	v2 =	vld [tilespmem:s26+$0x700];
	v4 =	vadd.s32 v3, v4  }
0x2d: {  	s20 =	sadd.s32 $0x40, s20;
	v3 =	vld [tilespmem:s26+$0xD80];
	[tilespmem:s18+$0x1400] =	vst v4;
	s18 =	smov.u32 s26  }
0x2e: {  	_ =	sdelay $0x2  }
0x2f: {  	v2 =	vmul.u32 $0x3E8, v2  }
0x30: {  	[dreg:$0xb] =	wrdreg s0  }
0x31: {  	s12 =	rddreg [dreg:$0x3];
	v2 =	vadd.s32 v3, v2  }
0x32: {  	s20 =	simm.s32 $0x50;
	s30 =	simm.s32 $0x1400;
	s26 =	simm.s32 $0x1A80;
	[tilespmem:s18+$0x1400] =	vst v2  }
0x33: {  	[tilespmem:s26], [sflag:$0x1] =	stream.indirect.gather [hbm4b:s12+s20], $0x1, s30, s20, $0xb8;
	[tilespmem:$0x13600] =	vst v63  }
0x34: {  	s0 =	simm.s32 $0x2100;
	s18 =	rddreg [dreg:$0x4]  }
0x35: {  	[tilespmem:s0], [sflag:$0x2] =	stream.indirect.gather [hbm4b:s18+s20], $0x1, s31, s20, $0xb8;
	[tilespmem:$0x13600] =	vst v63  }
0x36: {  	s1 =	simm.s32 $0x1450;
	s9 =	simm.s32 $0x1AD0  }
0x37: {  	[tilespmem:s9], [sflag:$0x1] =	stream.indirect.gather [hbm4b:s12+s20], $0x1, s1, s20, $0xb8;
	[tilespmem:$0x13600] =	vst v63  }
0x38: {  	s11 =	simm.s32 $0x750;
	s17 =	simm.s32 $0x2150  }
0x39: {  	[tilespmem:s17], [sflag:$0x2] =	stream.indirect.gather [hbm4b:s18+s20], $0x1, s11, s20, $0xb8;
	[tilespmem:$0x13600] =	vst v63  }
0x3a: {  	s30 =	simm.s32 $0x14A0;
	s0 =	simm.s32 $0x1B20  }
0x3b: {  	[tilespmem:s0], [sflag:$0x1] =	stream.indirect.gather [hbm4b:s12+s20], $0x1, s30, s20, $0xb8;
	[tilespmem:$0x13600] =	vst v63  }
0x3c: {  	s1 =	simm.s32 $0x7A0;
	s9 =	simm.s32 $0x21A0  }
0x3d: {  	[tilespmem:s9], [sflag:$0x2] =	stream.indirect.gather [hbm4b:s18+s20], $0x1, s1, s20, $0xb8;
	[tilespmem:$0x13600] =	vst v63  }
0x3e: {  	s11 =	simm.s32 $0x14F0;
	s17 =	simm.s32 $0x1B70  }
0x3f: {  	[tilespmem:s17], [sflag:$0x1] =	stream.indirect.gather [hbm4b:s12+s20], $0x1, s11, s20, $0xb8;
	[tilespmem:$0x13600] =	vst v63  }
0x40: {  	s30 =	simm.s32 $0x7F0;
	s0 =	simm.s32 $0x21F0  }
0x41: {  	[tilespmem:s0], [sflag:$0x2] =	stream.indirect.gather [hbm4b:s18+s20], $0x1, s30, s20, $0xb8;
	[tilespmem:$0x13600] =	vst v63  }
0x42: {  	s1 =	simm.s32 $0x1540;
	s9 =	simm.s32 $0x1BC0  }
0x43: {  	[tilespmem:s9], [sflag:$0x1] =	stream.indirect.gather [hbm4b:s12+s20], $0x1, s1, s20, $0xb8;
	[tilespmem:$0x13600] =	vst v63  }
0x44: {  	s11 =	simm.s32 $0x840;
	s17 =	simm.s32 $0x2240  }
0x45: {  	[tilespmem:s17], [sflag:$0x2] =	stream.indirect.gather [hbm4b:s18+s20], $0x1, s11, s20, $0xb8;
	[tilespmem:$0x13600] =	vst v63  }
0x46: {  	s30 =	simm.s32 $0x1590;
	s0 =	simm.s32 $0x1C10  }
0x47: {  	[tilespmem:s0], [sflag:$0x1] =	stream.indirect.gather [hbm4b:s12+s20], $0x1, s30, s20, $0xb8;
	[tilespmem:$0x13600] =	vst v63  }
0x48: {  	s1 =	simm.s32 $0x890;
	s9 =	simm.s32 $0x2290  }
0x49: {  	[tilespmem:s9], [sflag:$0x2] =	stream.indirect.gather [hbm4b:s18+s20], $0x1, s1, s20, $0xb8;
	[tilespmem:$0x13600] =	vst v63  }
0x4a: {  	s11 =	simm.s32 $0x15E0;
	s17 =	simm.s32 $0x1C60  }
0x4b: {  	[tilespmem:s17], [sflag:$0x1] =	stream.indirect.gather [hbm4b:s12+s20], $0x1, s11, s20, $0xb8;
	[tilespmem:$0x13600] =	vst v63  }
0x4c: {  	s30 =	simm.s32 $0x8E0;
	s0 =	simm.s32 $0x22E0  }
0x4d: {  	[tilespmem:s0], [sflag:$0x2] =	stream.indirect.gather [hbm4b:s18+s20], $0x1, s30, s20, $0xb8;
	[tilespmem:$0x13600] =	vst v63  }
0x4e: {  	s1 =	simm.s32 $0x1630;
	s9 =	simm.s32 $0x1CB0  }
0x4f: {  	[tilespmem:s9], [sflag:$0x1] =	stream.indirect.gather [hbm4b:s12+s20], $0x1, s1, s20, $0xb8;
	[tilespmem:$0x13600] =	vst v63  }
0x50: {  	s11 =	simm.s32 $0x930;
	s17 =	simm.s32 $0x2330  }
0x51: {  	[tilespmem:s17], [sflag:$0x2] =	stream.indirect.gather [hbm4b:s18+s20], $0x1, s11, s20, $0xb8;
	[tilespmem:$0x13600] =	vst v63  }
0x52: {  	s30 =	simm.s32 $0x1680;
	s0 =	simm.s32 $0x1D00  }
0x53: {  	[tilespmem:s0], [sflag:$0x1] =	stream.indirect.gather [hbm4b:s12+s20], $0x1, s30, s20, $0xb8;
	[tilespmem:$0x13600] =	vst v63  }
0x54: {  	s1 =	simm.s32 $0x980;
	s9 =	simm.s32 $0x2380  }
0x55: {  	[tilespmem:s9], [sflag:$0x2] =	stream.indirect.gather [hbm4b:s18+s20], $0x1, s1, s20, $0xb8;
	[tilespmem:$0x13600] =	vst v63  }
0x56: {  	s11 =	simm.s32 $0x16D0;
	s17 =	simm.s32 $0x1D50  }
0x57: {  	[tilespmem:s17], [sflag:$0x1] =	stream.indirect.gather [hbm4b:s12+s20], $0x1, s11, s20, $0xb8;
	[tilespmem:$0x13600] =	vst v63  }
0x58: {  	s30 =	simm.s32 $0x9D0;
	s0 =	simm.s32 $0x23D0  }
0x59: {  	[tilespmem:s0], [sflag:$0x2] =	stream.indirect.gather [hbm4b:s18+s20], $0x1, s30, s20, $0xb8;
	[tilespmem:$0x13600] =	vst v63  }
0x5a: {  	s1 =	simm.s32 $0x1720;
	s9 =	simm.s32 $0x1DA0  }
0x5b: {  	[tilespmem:s9], [sflag:$0x1] =	stream.indirect.gather [hbm4b:s12+s20], $0x1, s1, s20, $0xb8;
	[tilespmem:$0x13600] =	vst v63  }
0x5c: {  	s11 =	simm.s32 $0xA20;
	s17 =	simm.s32 $0x2420  }
0x5d: {  	[tilespmem:s17], [sflag:$0x2] =	stream.indirect.gather [hbm4b:s18+s20], $0x1, s11, s20, $0xb8;
	[tilespmem:$0x13600] =	vst v63  }
0x5e: {  	s30 =	simm.s32 $0x1770;
	s0 =	simm.s32 $0x1DF0  }
0x5f: {  	[tilespmem:s0], [sflag:$0x1] =	stream.indirect.gather [hbm4b:s12+s20], $0x1, s30, s20, $0xb8;
	[tilespmem:$0x13600] =	vst v63  }
0x60: {  	s1 =	simm.s32 $0xA70;
	s9 =	simm.s32 $0x2470  }
0x61: {  	[tilespmem:s9], [sflag:$0x2] =	stream.indirect.gather [hbm4b:s18+s20], $0x1, s1, s20, $0xb8;
	[tilespmem:$0x13600] =	vst v63  }
0x62: {  	s11 =	simm.s32 $0x17C0;
	s17 =	simm.s32 $0x1E40  }
0x63: {  	[tilespmem:s17], [sflag:$0x1] =	stream.indirect.gather [hbm4b:s12+s20], $0x1, s11, s20, $0xb8;
	[tilespmem:$0x13600] =	vst v63  }
0x64: {  	s30 =	simm.s32 $0xAC0;
	s0 =	simm.s32 $0x24C0  }
0x65: {  	[tilespmem:s0], [sflag:$0x2] =	stream.indirect.gather [hbm4b:s18+s20], $0x1, s30, s20, $0xb8;
	[tilespmem:$0x13600] =	vst v63  }
0x66: {  	s1 =	simm.s32 $0x1810;
	s9 =	simm.s32 $0x1E90  }
0x67: {  	[tilespmem:s9], [sflag:$0x1] =	stream.indirect.gather [hbm4b:s12+s20], $0x1, s1, s20, $0xb8;
	[tilespmem:$0x13600] =	vst v63  }
0x68: {  	s11 =	simm.s32 $0xB10;
	s17 =	simm.s32 $0x2510  }
0x69: {  	[tilespmem:s17], [sflag:$0x2] =	stream.indirect.gather [hbm4b:s18+s20], $0x1, s11, s20, $0xb8;
	[tilespmem:$0x13600] =	vst v63  }
0x6a: {  	s30 =	simm.s32 $0x1860;
	s0 =	simm.s32 $0x1EE0  }
0x6b: {  	[tilespmem:s0], [sflag:$0x1] =	stream.indirect.gather [hbm4b:s12+s20], $0x1, s30, s20, $0xb8;
	[tilespmem:$0x13600] =	vst v63  }
0x6c: {  	s1 =	simm.s32 $0xB60;
	s9 =	simm.s32 $0x2560  }
0x6d: {  	[tilespmem:s9], [sflag:$0x2] =	stream.indirect.gather [hbm4b:s18+s20], $0x1, s1, s20, $0xb8;
	[tilespmem:$0x13600] =	vst v63  }
0x6e: {  	s11 =	simm.s32 $0x18B0;
	s17 =	simm.s32 $0x1F30  }
0x6f: {  	[tilespmem:s17], [sflag:$0x1] =	stream.indirect.gather [hbm4b:s12+s20], $0x1, s11, s20, $0xb8;
	[tilespmem:$0x13600] =	vst v63  }
0x70: {  	s30 =	simm.s32 $0xBB0;
	s0 =	simm.s32 $0x25B0  }
0x71: {  	[tilespmem:s0], [sflag:$0x2] =	stream.indirect.gather [hbm4b:s18+s20], $0x1, s30, s20, $0xb8;
	[tilespmem:$0x13600] =	vst v63  }
0x72: {  	s1 =	simm.s32 $0x1900;
	s9 =	simm.s32 $0x1F80  }
0x73: {  	[tilespmem:s9], [sflag:$0x1] =	stream.indirect.gather [hbm4b:s12+s20], $0x1, s1, s20, $0xb8;
	[tilespmem:$0x13600] =	vst v63  }
0x74: {  	s11 =	simm.s32 $0xC00;
	s17 =	simm.s32 $0x2600  }
0x75: {  	[tilespmem:s17], [sflag:$0x2] =	stream.indirect.gather [hbm4b:s18+s20], $0x1, s11, s20, $0xb8;
	[tilespmem:$0x13600] =	vst v63  }
0x76: {  	s30 =	simm.s32 $0x1950;
	s0 =	simm.s32 $0x1FD0  }
0x77: {  	[tilespmem:s0], [sflag:$0x1] =	stream.indirect.gather [hbm4b:s12+s20], $0x1, s30, s20, $0xb8;
	[tilespmem:$0x13600] =	vst v63  }
0x78: {  	s1 =	simm.s32 $0xC50;
	s9 =	simm.s32 $0x2650  }
0x79: {  	[tilespmem:s9], [sflag:$0x2] =	stream.indirect.gather [hbm4b:s18+s20], $0x1, s1, s20, $0xb8;
	[tilespmem:$0x13600] =	vst v63  }
0x7a: {  	s11 =	simm.s32 $0x19A0;
	s17 =	simm.s32 $0x2020  }
0x7b: {  	[tilespmem:s17], [sflag:$0x1] =	stream.indirect.gather [hbm4b:s12+s20], $0x1, s11, s20, $0xb8;
	[tilespmem:$0x13600] =	vst v63  }
0x7c: {  	s30 =	simm.s32 $0xCA0;
	s0 =	simm.s32 $0x26A0  }
0x7d: {  	[tilespmem:s0], [sflag:$0x2] =	stream.indirect.gather [hbm4b:s18+s20], $0x1, s30, s20, $0xb8;
	[tilespmem:$0x13600] =	vst v63  }
0x7e: {  	s1 =	simm.s32 $0x19F0;
	s9 =	simm.s32 $0x2070  }
0x7f: {  	[tilespmem:s9], [sflag:$0x1] =	stream.indirect.gather [hbm4b:s12+s20], $0x1, s1, s20, $0xb8;
	[tilespmem:$0x13600] =	vst v63  }
0x80: {  	s26 =	simm.s32 $0x1;
	s11 =	simm.s32 $0xCF0;
	s17 =	simm.s32 $0x26F0  }
0x81: {  	[tilespmem:s17], [sflag:$0x2] =	stream.indirect.gather [hbm4b:s18+s20], $0x1, s11, s20, $0xb8;
	[tilespmem:$0x13600] =	vst v63  }
0x82: {  	_ =	swait.ge [sflag:s26], $0x50  }
0x83: {  	[sflag:s26] =	ssyncset.done $0x0  }
0x84: {  	s30 =	simm.s32 $0x2;
	[sflag:s26] =	ssyncadd.s32 $0xFFFFFFB0  }
0x85: {  	_ =	swait.ge [sflag:s30], $0x50  }
0x86: {  	[sflag:s30] =	ssyncset.done $0x0  }
0x87: {  	[sflag:s30] =	ssyncadd.s32 $0xFFFFFFB0  }
0x88: {  	_ =	swait.ge [sflag:s26], $0x50  }
0x89: {  	[sflag:s26] =	ssyncset.done $0x0  }
0x8a: {  	[sflag:s26] =	ssyncadd.s32 $0xFFFFFFB0  }
0x8b: {  	_ =	swait.ge [sflag:s30], $0x50  }
0x8c: {  	[sflag:s30] =	ssyncset.done $0x0  }
0x8d: {  	[sflag:s30] =	ssyncadd.s32 $0xFFFFFFB0  }
0x8e: {  	_ =	swait.ge [sflag:s26], $0x50  }
0x8f: {  	[sflag:s26] =	ssyncset.done $0x0  }
0x90: {  	[sflag:s26] =	ssyncadd.s32 $0xFFFFFFB0  }
0x91: {  	_ =	swait.ge [sflag:s30], $0x50  }
0x92: {  	[sflag:s30] =	ssyncset.done $0x0  }
0x93: {  	[sflag:s30] =	ssyncadd.s32 $0xFFFFFFB0  }
0x94: {  	_ =	swait.ge [sflag:s26], $0x50  }
0x95: {  	[sflag:s26] =	ssyncset.done $0x0  }
0x96: {  	[sflag:s26] =	ssyncadd.s32 $0xFFFFFFB0  }
0x97: {  	_ =	swait.ge [sflag:s30], $0x50  }
0x98: {  	[sflag:s30] =	ssyncset.done $0x0  }
0x99: {  	[sflag:s30] =	ssyncadd.s32 $0xFFFFFFB0  }
0x9a: {  	_ =	swait.ge [sflag:s26], $0x50  }
0x9b: {  	[sflag:s26] =	ssyncset.done $0x0  }
0x9c: {  	[sflag:s26] =	ssyncadd.s32 $0xFFFFFFB0  }
0x9d: {  	_ =	swait.ge [sflag:s30], $0x50  }
0x9e: {  	[sflag:s30] =	ssyncset.done $0x0  }
0x9f: {  	[sflag:s30] =	ssyncadd.s32 $0xFFFFFFB0  }
0xa0: {  	_ =	swait.ge [sflag:s26], $0x50  }
0xa1: {  	[sflag:s26] =	ssyncset.done $0x0  }
0xa2: {  	[sflag:s26] =	ssyncadd.s32 $0xFFFFFFB0  }
0xa3: {  	_ =	swait.ge [sflag:s30], $0x50  }
0xa4: {  	[sflag:s30] =	ssyncset.done $0x0  }
0xa5: {  	[sflag:s30] =	ssyncadd.s32 $0xFFFFFFB0  }
0xa6: {  	_ =	swait.ge [sflag:s26], $0x50  }
0xa7: {  	[sflag:s26] =	ssyncset.done $0x0  }
0xa8: {  	[sflag:s26] =	ssyncadd.s32 $0xFFFFFFB0  }
0xa9: {  	_ =	swait.ge [sflag:s30], $0x50  }
0xaa: {  	[sflag:s30] =	ssyncset.done $0x0  }
0xab: {  	[sflag:s30] =	ssyncadd.s32 $0xFFFFFFB0  }
0xac: {  	_ =	swait.ge [sflag:s26], $0x50  }
0xad: {  	[sflag:s26] =	ssyncset.done $0x0  }
0xae: {  	[sflag:s26] =	ssyncadd.s32 $0xFFFFFFB0  }
0xaf: {  	_ =	swait.ge [sflag:s30], $0x50  }
0xb0: {  	[sflag:s30] =	ssyncset.done $0x0  }
0xb1: {  	[sflag:s30] =	ssyncadd.s32 $0xFFFFFFB0  }
0xb2: {  	_ =	swait.ge [sflag:s26], $0x50  }
0xb3: {  	[sflag:s26] =	ssyncset.done $0x0  }
0xb4: {  	[sflag:s26] =	ssyncadd.s32 $0xFFFFFFB0  }
0xb5: {  	_ =	swait.ge [sflag:s30], $0x50  }
0xb6: {  	[sflag:s30] =	ssyncset.done $0x0  }
0xb7: {  	[sflag:s30] =	ssyncadd.s32 $0xFFFFFFB0  }
0xb8: {  	_ =	swait.ge [sflag:s26], $0x50  }
0xb9: {  	[sflag:s26] =	ssyncset.done $0x0  }
0xba: {  	[sflag:s26] =	ssyncadd.s32 $0xFFFFFFB0  }
0xbb: {  	_ =	swait.ge [sflag:s30], $0x50  }
0xbc: {  	[sflag:s30] =	ssyncset.done $0x0  }
0xbd: {  	[sflag:s30] =	ssyncadd.s32 $0xFFFFFFB0  }
0xbe: {  	_ =	swait.ge [sflag:s26], $0x50  }
0xbf: {  	[sflag:s26] =	ssyncset.done $0x0  }
0xc0: {  	[sflag:s26] =	ssyncadd.s32 $0xFFFFFFB0  }
0xc1: {  	_ =	swait.ge [sflag:s30], $0x50  }
0xc2: {  	[sflag:s30] =	ssyncset.done $0x0  }
0xc3: {  	[sflag:s30] =	ssyncadd.s32 $0xFFFFFFB0  }
0xc4: {  	_ =	swait.ge [sflag:s26], $0x50  }
0xc5: {  	[sflag:s26] =	ssyncset.done $0x0  }
0xc6: {  	[sflag:s26] =	ssyncadd.s32 $0xFFFFFFB0  }
0xc7: {  	_ =	swait.ge [sflag:s30], $0x50  }
0xc8: {  	[sflag:s30] =	ssyncset.done $0x0  }
0xc9: {  	[sflag:s30] =	ssyncadd.s32 $0xFFFFFFB0  }
0xca: {  	_ =	swait.ge [sflag:s26], $0x50  }
0xcb: {  	[sflag:s26] =	ssyncset.done $0x0  }
0xcc: {  	[sflag:s26] =	ssyncadd.s32 $0xFFFFFFB0  }
0xcd: {  	_ =	swait.ge [sflag:s30], $0x50  }
0xce: {  	[sflag:s30] =	ssyncset.done $0x0  }
0xcf: {  	[sflag:s30] =	ssyncadd.s32 $0xFFFFFFB0  }
0xd0: {  	_ =	swait.ge [sflag:s26], $0x50  }
0xd1: {  	[sflag:s26] =	ssyncset.done $0x0  }
0xd2: {  	[sflag:s26] =	ssyncadd.s32 $0xFFFFFFB0  }
0xd3: {  	_ =	swait.ge [sflag:s30], $0x50  }
0xd4: {  	[sflag:s30] =	ssyncset.done $0x0  }
0xd5: {  	[sflag:s30] =	ssyncadd.s32 $0xFFFFFFB0  }
0xd6: {  	_ =	swait.ge [sflag:s26], $0x50  }
0xd7: {  	[sflag:s26] =	ssyncset.done $0x0  }
0xd8: {  	[sflag:s26] =	ssyncadd.s32 $0xFFFFFFB0  }
0xd9: {  	_ =	swait.ge [sflag:s30], $0x50  }
0xda: {  	[sflag:s30] =	ssyncset.done $0x0  }
0xdb: {  	[sflag:s30] =	ssyncadd.s32 $0xFFFFFFB0  }
0xdc: {  	_ =	swait.ge [sflag:s26], $0x50  }
0xdd: {  	[sflag:s26] =	ssyncset.done $0x0  }
0xde: {  	[sflag:s26] =	ssyncadd.s32 $0xFFFFFFB0  }
0xdf: {  	_ =	swait.ge [sflag:s30], $0x50  }
0xe0: {  	[sflag:s30] =	ssyncset.done $0x0  }
0xe1: {  	[sflag:s30] =	ssyncadd.s32 $0xFFFFFFB0  }
0xe2: {  	_ =	swait.ge [sflag:s26], $0x50  }
0xe3: {  	[sflag:s26] =	ssyncset.done $0x0  }
0xe4: {  	[sflag:s26] =	ssyncadd.s32 $0xFFFFFFB0  }
0xe5: {  	_ =	swait.ge [sflag:s30], $0x50  }
0xe6: {  	[sflag:s30] =	ssyncset.done $0x0  }
0xe7: {  	[sflag:s30] =	ssyncadd.s32 $0xFFFFFFB0  }
0xe8: {  	_ =	swait.ge [sflag:s26], $0x50  }
0xe9: {  	[sflag:s26] =	ssyncset.done $0x0  }
0xea: {  	[sflag:s26] =	ssyncadd.s32 $0xFFFFFFB0  }
0xeb: {  	_ =	swait.ge [sflag:s30], $0x50  }
0xec: {  	[sflag:s30] =	ssyncset.done $0x0  }
0xed: {  	[sflag:s30] =	ssyncadd.s32 $0xFFFFFFB0  }
0xee: {  	_ =	swait.ge [sflag:s26], $0x50  }
0xef: {  	[sflag:s26] =	ssyncset.done $0x0  }
0xf0: {  	[sflag:s26] =	ssyncadd.s32 $0xFFFFFFB0  }
0xf1: {  	_ =	swait.ge [sflag:s30], $0x50  }
0xf2: {  	[sflag:s30] =	ssyncset.done $0x0  }
0xf3: {  	[sflag:s30] =	ssyncadd.s32 $0xFFFFFFB0  }
0xf4: {  	_ =	swait.ge [sflag:s26], $0x50  }
0xf5: {  	[sflag:s26] =	ssyncset.done $0x0  }
0xf6: {  	[sflag:s26] =	ssyncadd.s32 $0xFFFFFFB0  }
0xf7: {  	_ =	swait.ge [sflag:s30], $0x50  }
0xf8: {  	[sflag:s30] =	ssyncset.done $0x0  }
0xf9: {  	s31 =	simm.s32 $0x0;
	[sflag:s30] =	ssyncadd.s32 $0xFFFFFFB0  }
0xfa: {  	v3 =	vld [tilespmem:s31+$0x2100]  }
0xfb: {  	v2 =	vimm.f32 $0.0e+00;
	s18 =	simm.s32 $0x40;
	v4 =	vld [tilespmem:s31+$0x1A80]  }
.LBB2_4:
0xfc: {  	_ = 	snop  }
0xfd: {  	p0 =	sne.s32 s18, $0x18C0  }
.Ltmp1:
0xfe: {  	_ = 	snop;
	(pc) =	sbr.rel @p0 .LBB2_4-.Ltmp1, $4  }
0xff: {  	_ = 	snop  }
0x100: {  	s20 =	sshra.s32 s18, $0x2;
	v5 =	vsub.f32 v3, v4  }
0x101: {  	v3 =	vld [tilespmem:s20+$0x2100]  }
0x102: {  	s18 =	sadd.s32 $0x40, s18;
	v4 =	vld [tilespmem:s20+$0x1A80];
	v2 =	vadd.f32 v5, v2  }
0x103: {  	_ =	sdelay $0x3  }
0x104: {  	v3 =	vsub.f32 v3, v4;
	_ =	sdelay $0x1  }
0x105: {  	v2 =	vadd.f32 v3, v2;
	_ =	sdelay $0x1  }
0x106: {  	s26 =	simm.s32 $0x0;
	s12 =	rddreg [dreg:$0x9];
	s18 =	simm.s32 $0x2780;
	[tilespmem:$0x2780] =	vst v2  }
0x107: {  	[hbm4b:s12+s26] =	stream.linear.scatter [tilespmem:s18], [sflag:$0x13], $0x80, $0x38;
	[tilespmem:$0x13600] =	vst v63  }
0x108: {  	_ =	swait.ge [sflag:s29], $0x80  }
0x109: {  	[sflag:s29] =	ssyncset.done $0x0  }
0x10a: {  	[sflag:s29] =	ssyncadd.s32 $0xFFFFFF80  }
0x10b: {  	v2 =	vld.msk [tilespmem:$0x0], $0xff;
	_ =	sdelay $0x4  }
0x10c: {  	v3 =	vshll.u32 v2, $0x3  }
0x10d: {  	v2 =	vand.u32 $0x7, v2;
	v3 =	vand.u32 $0xFFFFFFC0, v3  }
0x10e: {  	v2 =	vor.u32 v2, v3  }
0x10f: {  	v2 =	vperm.xlane v2, v0;
	_ =	sdelay $0x1  }
0x110: {  	v2 =	vadd.s32 v1, v2;
	_ =	sdelay $0x3  }
0x111: {  	s0 =	simm.s32 $0x3600  }
0x112: {  	[tilespmem:s0], [sflag:$0x3] =	stream.indirect_vreg.gather [hbm4b:s2+s26], $0x80, v2, vm0, $0xb8;
	[tilespmem:$0x13600] =	vst v63  }
0x113: {  	s1 =	simm.s32 $0x3E00  }
0x114: {  	[tilespmem:s1], [sflag:$0x3] =	stream.indirect_vreg.gather [hbm4b:s13+s26], $0x80, v2, vm0, $0xb8;
	[tilespmem:$0x13600] =	vst v63  }
0x115: {  	s9 =	simm.s32 $0x4600  }
0x116: {  	[tilespmem:s9], [sflag:$0x3] =	stream.indirect_vreg.gather [hbm4b:s14+s26], $0x80, v2, vm0, $0xb8;
	[tilespmem:$0x13600] =	vst v63  }
0x117: {  	s11 =	simm.s32 $0x4E00  }
0x118: {  	[tilespmem:s11], [sflag:$0x3] =	stream.indirect_vreg.gather [hbm4b:s15+s26], $0x80, v2, vm0, $0xb8;
	[tilespmem:$0x13600] =	vst v63  }
0x119: {  	v2 =	vld.msk [tilespmem:$0x8], $0xff;
	_ =	sdelay $0x4  }
0x11a: {  	v3 =	vshll.u32 v2, $0x3  }
0x11b: {  	v2 =	vand.u32 $0x7, v2;
	v3 =	vand.u32 $0xFFFFFFC0, v3  }
0x11c: {  	v2 =	vor.u32 v2, v3  }
0x11d: {  	v2 =	vperm.xlane v2, v0;
	_ =	sdelay $0x1  }
0x11e: {  	v2 =	vadd.s32 v1, v2;
	_ =	sdelay $0x3  }
0x11f: {  	s12 =	simm.s32 $0x5600  }
0x120: {  	[tilespmem:s12], [sflag:$0x4] =	stream.indirect_vreg.gather [hbm4b:s2+s26], $0x80, v2, vm0, $0xb8;
	[tilespmem:$0x13600] =	vst v63  }
0x121: {  	s17 =	simm.s32 $0x5E00  }
0x122: {  	[tilespmem:s17], [sflag:$0x4] =	stream.indirect_vreg.gather [hbm4b:s13+s26], $0x80, v2, vm0, $0xb8;
	[tilespmem:$0x13600] =	vst v63  }
0x123: {  	s18 =	simm.s32 $0x6600  }
0x124: {  	[tilespmem:s18], [sflag:$0x4] =	stream.indirect_vreg.gather [hbm4b:s14+s26], $0x80, v2, vm0, $0xb8;
	[tilespmem:$0x13600] =	vst v63  }
0x125: {  	s20 =	simm.s32 $0x6E00  }
0x126: {  	[tilespmem:s20], [sflag:$0x4] =	stream.indirect_vreg.gather [hbm4b:s15+s26], $0x80, v2, vm0, $0xb8;
	[tilespmem:$0x13600] =	vst v63  }
0x127: {  	v2 =	vld.msk [tilespmem:$0x10], $0xff;
	_ =	sdelay $0x4  }
0x128: {  	v3 =	vshll.u32 v2, $0x3  }
0x129: {  	v2 =	vand.u32 $0x7, v2;
	v3 =	vand.u32 $0xFFFFFFC0, v3  }
0x12a: {  	v2 =	vor.u32 v2, v3  }
0x12b: {  	v2 =	vperm.xlane v2, v0;
	_ =	sdelay $0x1  }
0x12c: {  	v2 =	vadd.s32 v1, v2;
	_ =	sdelay $0x3  }
0x12d: {  	s29 =	simm.s32 $0x7600  }
0x12e: {  	[tilespmem:s29], [sflag:$0x5] =	stream.indirect_vreg.gather [hbm4b:s2+s26], $0x80, v2, vm0, $0xb8;
	[tilespmem:$0x13600] =	vst v63  }
0x12f: {  	s30 =	simm.s32 $0x7E00  }
0x130: {  	[tilespmem:s30], [sflag:$0x5] =	stream.indirect_vreg.gather [hbm4b:s13+s26], $0x80, v2, vm0, $0xb8;
	[tilespmem:$0x13600] =	vst v63  }
0x131: {  	s1 =	simm.s32 $0x8600  }
0x132: {  	[tilespmem:s1], [sflag:$0x5] =	stream.indirect_vreg.gather [hbm4b:s14+s26], $0x80, v2, vm0, $0xb8;
	[tilespmem:$0x13600] =	vst v63  }
0x133: {  	s9 =	simm.s32 $0x8E00  }
0x134: {  	[tilespmem:s9], [sflag:$0x5] =	stream.indirect_vreg.gather [hbm4b:s15+s26], $0x80, v2, vm0, $0xb8;
	[tilespmem:$0x13600] =	vst v63  }
0x135: {  	v2 =	vld.msk [tilespmem:$0x18], $0xff;
	_ =	sdelay $0x4  }
0x136: {  	v3 =	vshll.u32 v2, $0x3  }
0x137: {  	v2 =	vand.u32 $0x7, v2;
	v3 =	vand.u32 $0xFFFFFFC0, v3  }
0x138: {  	v2 =	vor.u32 v2, v3  }
0x139: {  	v2 =	vperm.xlane v2, v0;
	_ =	sdelay $0x1  }
0x13a: {  	v2 =	vadd.s32 v1, v2;
	_ =	sdelay $0x3  }
0x13b: {  	s11 =	simm.s32 $0x9600  }
0x13c: {  	[tilespmem:s11], [sflag:$0x6] =	stream.indirect_vreg.gather [hbm4b:s2+s26], $0x80, v2, vm0, $0xb8;
	[tilespmem:$0x13600] =	vst v63  }
0x13d: {  	s12 =	simm.s32 $0x9E00  }
0x13e: {  	[tilespmem:s12], [sflag:$0x6] =	stream.indirect_vreg.gather [hbm4b:s13+s26], $0x80, v2, vm0, $0xb8;
	[tilespmem:$0x13600] =	vst v63  }
0x13f: {  	s17 =	simm.s32 $0xA600  }
0x140: {  	[tilespmem:s17], [sflag:$0x6] =	stream.indirect_vreg.gather [hbm4b:s14+s26], $0x80, v2, vm0, $0xb8;
	[tilespmem:$0x13600] =	vst v63  }
0x141: {  	s18 =	simm.s32 $0xAE00  }
0x142: {  	[tilespmem:s18], [sflag:$0x6] =	stream.indirect_vreg.gather [hbm4b:s15+s26], $0x80, v2, vm0, $0xb8;
	[tilespmem:$0x13600] =	vst v63  }
0x143: {  	v2 =	vld.msk [tilespmem:$0x20], $0xff;
	_ =	sdelay $0x4  }
0x144: {  	v3 =	vshll.u32 v2, $0x3  }
0x145: {  	v2 =	vand.u32 $0x7, v2;
	v3 =	vand.u32 $0xFFFFFFC0, v3  }
0x146: {  	v2 =	vor.u32 v2, v3  }
0x147: {  	v2 =	vperm.xlane v2, v0;
	_ =	sdelay $0x1  }
0x148: {  	v2 =	vadd.s32 v1, v2;
	_ =	sdelay $0x3  }
0x149: {  	s20 =	simm.s32 $0xB600  }
0x14a: {  	[tilespmem:s20], [sflag:$0x7] =	stream.indirect_vreg.gather [hbm4b:s2+s26], $0x80, v2, vm0, $0xb8;
	[tilespmem:$0x13600] =	vst v63  }
0x14b: {  	s29 =	simm.s32 $0xBE00  }
0x14c: {  	[tilespmem:s29], [sflag:$0x7] =	stream.indirect_vreg.gather [hbm4b:s13+s26], $0x80, v2, vm0, $0xb8;
	[tilespmem:$0x13600] =	vst v63  }
0x14d: {  	s30 =	simm.s32 $0xC600  }
0x14e: {  	[tilespmem:s30], [sflag:$0x7] =	stream.indirect_vreg.gather [hbm4b:s14+s26], $0x80, v2, vm0, $0xb8;
	[tilespmem:$0x13600] =	vst v63  }
0x14f: {  	s1 =	simm.s32 $0xCE00  }
0x150: {  	[tilespmem:s1], [sflag:$0x7] =	stream.indirect_vreg.gather [hbm4b:s15+s26], $0x80, v2, vm0, $0xb8;
	[tilespmem:$0x13600] =	vst v63  }
0x151: {  	v2 =	vld.msk [tilespmem:$0x28], $0xff;
	_ =	sdelay $0x4  }
0x152: {  	v3 =	vshll.u32 v2, $0x3  }
0x153: {  	v2 =	vand.u32 $0x7, v2;
	v3 =	vand.u32 $0xFFFFFFC0, v3  }
0x154: {  	v2 =	vor.u32 v2, v3  }
0x155: {  	v2 =	vperm.xlane v2, v0;
	_ =	sdelay $0x1  }
0x156: {  	v2 =	vadd.s32 v1, v2;
	_ =	sdelay $0x3  }
0x157: {  	s9 =	simm.s32 $0xD600  }
0x158: {  	[tilespmem:s9], [sflag:$0x8] =	stream.indirect_vreg.gather [hbm4b:s2+s26], $0x80, v2, vm0, $0xb8;
	[tilespmem:$0x13600] =	vst v63  }
0x159: {  	s11 =	simm.s32 $0xDE00  }
0x15a: {  	[tilespmem:s11], [sflag:$0x8] =	stream.indirect_vreg.gather [hbm4b:s13+s26], $0x80, v2, vm0, $0xb8;
	[tilespmem:$0x13600] =	vst v63  }
0x15b: {  	s12 =	simm.s32 $0xE600  }
0x15c: {  	[tilespmem:s12], [sflag:$0x8] =	stream.indirect_vreg.gather [hbm4b:s14+s26], $0x80, v2, vm0, $0xb8;
	[tilespmem:$0x13600] =	vst v63  }
0x15d: {  	s17 =	simm.s32 $0xEE00  }
0x15e: {  	[tilespmem:s17], [sflag:$0x8] =	stream.indirect_vreg.gather [hbm4b:s15+s26], $0x80, v2, vm0, $0xb8;
	[tilespmem:$0x13600] =	vst v63  }
0x15f: {  	v2 =	vld.msk [tilespmem:$0x30], $0xff;
	_ =	sdelay $0x4  }
0x160: {  	v3 =	vshll.u32 v2, $0x3  }
0x161: {  	v2 =	vand.u32 $0x7, v2;
	v3 =	vand.u32 $0xFFFFFFC0, v3  }
0x162: {  	v2 =	vor.u32 v2, v3  }
0x163: {  	v2 =	vperm.xlane v2, v0;
	_ =	sdelay $0x1  }
0x164: {  	v2 =	vadd.s32 v1, v2;
	_ =	sdelay $0x3  }
0x165: {  	s18 =	simm.s32 $0xF600  }
0x166: {  	[tilespmem:s18], [sflag:$0x9] =	stream.indirect_vreg.gather [hbm4b:s2+s26], $0x80, v2, vm0, $0xb8;
	[tilespmem:$0x13600] =	vst v63  }
0x167: {  	s20 =	simm.s32 $0xFE00  }
0x168: {  	[tilespmem:s20], [sflag:$0x9] =	stream.indirect_vreg.gather [hbm4b:s13+s26], $0x80, v2, vm0, $0xb8;
	[tilespmem:$0x13600] =	vst v63  }
0x169: {  	s29 =	simm.s32 $0x10600  }
0x16a: {  	[tilespmem:s29], [sflag:$0x9] =	stream.indirect_vreg.gather [hbm4b:s14+s26], $0x80, v2, vm0, $0xb8;
	[tilespmem:$0x13600] =	vst v63  }
0x16b: {  	s30 =	simm.s32 $0x10E00  }
0x16c: {  	[tilespmem:s30], [sflag:$0x9] =	stream.indirect_vreg.gather [hbm4b:s15+s26], $0x80, v2, vm0, $0xb8;
	[tilespmem:$0x13600] =	vst v63  }
0x16d: {  	v2 =	vld.msk [tilespmem:$0x38], $0xff;
	_ =	sdelay $0x4  }
0x16e: {  	v3 =	vshll.u32 v2, $0x3  }
0x16f: {  	v2 =	vand.u32 $0x7, v2;
	v3 =	vand.u32 $0xFFFFFFC0, v3  }
0x170: {  	v2 =	vor.u32 v2, v3  }
0x171: {  	v2 =	vperm.xlane v2, v0;
	_ =	sdelay $0x1  }
0x172: {  	v2 =	vadd.s32 v1, v2;
	_ =	sdelay $0x4  }
0x173: {  	[tilespmem:s6], [sflag:$0xA] =	stream.indirect_vreg.gather [hbm4b:s2+s26], $0x80, v2, vm0, $0xb8;
	[tilespmem:$0x13600] =	vst v63  }
0x174: {  	_ = 	snop  }
0x175: {  	[tilespmem:s4], [sflag:$0xA] =	stream.indirect_vreg.gather [hbm4b:s13+s26], $0x80, v2, vm0, $0xb8;
	[tilespmem:$0x13600] =	vst v63  }
0x176: {  	s31 =	simm.s32 $0x1C00  }
0x177: {  	[tilespmem:s5], [sflag:$0xA] =	stream.indirect_vreg.gather [hbm4b:s14+s26], $0x80, v2, vm0, $0xb8;
	[tilespmem:$0x13600] =	vst v63  }
0x178: {  	s18 =	simm.s32 $0x78;
	s20 =	simm.s32 $0x2840;
	s6 =	simm.s32 $0x6  }
0x179: {  	[tilespmem:s10], [sflag:$0xA] =	stream.indirect_vreg.gather [hbm4b:s15+s26], $0x80, v2, vm0, $0xb8;
	[tilespmem:$0x13600] =	vst v63  }
0x17a: {  	s4 =	simm.s32 $0x5;
	s5 =	simm.s32 $0x4;
	s10 =	simm.s32 $0x9  }
.LBB2_6:
0x17b: {  	_ =	swait.ge [sflag:s21], $0x2000  }
0x17c: {  	[sflag:s21] =	ssyncset.done $0x0  }
0x17d: {  	[sflag:s21] =	ssyncadd.s32 $0xFFFFE000  }
0x17e: {  	v2 =	vld [tilespmem:s20+$0xFFFFFFC0];
	_ =	sdelay $0x4  }
0x17f: {  	(v2sf) =	vpush v2, $0x0;
	_ =	sdelay $0xe  }
0x180: {  	s12 =	spop (v2sf)  }
0x181: {  	s29 =	sadd.s32 s8, s12;
	s12 =	smul.u32 $0xFFFF2000, s12  }
0x182: {  	s29 =	smul.u32 $0xE000, s29;
	_ =	sdelay $0x1  }
0x183: {  	s12 =	sadd.s32 s12, s26;
	s29 =	sshrl.u32 s29, $0x3  }
0x184: {  	s12 =	sshrl.u32 s12, $0x3;
	s29 =	sadd.s32 s7, s29  }
0x185: {  	s11 =	simm.s32 $0x3600;
	s12 =	sadd.s32 s29, s12  }
0x186: {  	[hbm4b:s12+s3] =	stream.linear.scatter [tilespmem:s11], [sflag:$0xB], $0x2000, $0x38;
	[tilespmem:$0x13600] =	vst v63  }
0x187: {  	_ =	swait.ge [sflag:s5], $0x2000  }
0x188: {  	[sflag:s5] =	ssyncset.done $0x0  }
0x189: {  	[sflag:s5] =	ssyncadd.s32 $0xFFFFE000  }
0x18a: {  	v2 =	vld [tilespmem:s20+$0xFFFFFFD0];
	_ =	sdelay $0x4  }
0x18b: {  	(v2sf) =	vpush v2, $0x0;
	_ =	sdelay $0xe  }
0x18c: {  	s0 =	spop (v2sf)  }
0x18d: {  	s29 =	sadd.s32 s8, s0  }
0x18e: {  	s29 =	smul.u32 $0xE000, s29;
	_ =	sdelay $0x1  }
0x18f: {  	s12 =	smul.u32 $0x1C00, s0;
	s29 =	sshrl.u32 s29, $0x3  }
0x190: {  	s29 =	sadd.s32 s7, s29  }
0x191: {  	s12 =	ssub.s32 s29, s12  }
0x192: {  	s12 =	sadd.s32 s12, s31  }
0x193: {  	s0 =	simm.s32 $0x5600;
	s12 =	sadd.s32 $0xFFFFE800, s12  }
0x194: {  	[hbm4b:s12+s3] =	stream.linear.scatter [tilespmem:s0], [sflag:$0xC], $0x2000, $0x38;
	[tilespmem:$0x13600] =	vst v63  }
0x195: {  	_ =	swait.ge [sflag:s4], $0x2000  }
0x196: {  	[sflag:s4] =	ssyncset.done $0x0  }
0x197: {  	[sflag:s4] =	ssyncadd.s32 $0xFFFFE000  }
0x198: {  	v2 =	vld [tilespmem:s20+$0xFFFFFFE0];
	_ =	sdelay $0x4  }
0x199: {  	(v2sf) =	vpush v2, $0x0;
	_ =	sdelay $0xe  }
0x19a: {  	s1 =	spop (v2sf)  }
0x19b: {  	s29 =	sadd.s32 s8, s1  }
0x19c: {  	s29 =	smul.u32 $0xE000, s29;
	_ =	sdelay $0x1  }
0x19d: {  	s12 =	smul.u32 $0x1C00, s1;
	s29 =	sshrl.u32 s29, $0x3  }
0x19e: {  	s29 =	sadd.s32 s7, s29  }
0x19f: {  	s12 =	ssub.s32 s29, s12  }
0x1a0: {  	s12 =	sadd.s32 s12, s31  }
0x1a1: {  	s1 =	simm.s32 $0x7600;
	s12 =	sadd.s32 $0xFFFFEC00, s12  }
0x1a2: {  	[hbm4b:s12+s3] =	stream.linear.scatter [tilespmem:s1], [sflag:$0xD], $0x2000, $0x38;
	[tilespmem:$0x13600] =	vst v63  }
0x1a3: {  	_ =	swait.ge [sflag:s6], $0x2000  }
0x1a4: {  	[sflag:s6] =	ssyncset.done $0x0  }
0x1a5: {  	[sflag:s6] =	ssyncadd.s32 $0xFFFFE000  }
0x1a6: {  	v2 =	vld [tilespmem:s20+$0xFFFFFFF0];
	_ =	sdelay $0x4  }
0x1a7: {  	(v2sf) =	vpush v2, $0x0;
	_ =	sdelay $0xe  }
0x1a8: {  	s9 =	spop (v2sf)  }
0x1a9: {  	s29 =	sadd.s32 s8, s9  }
0x1aa: {  	s29 =	smul.u32 $0xE000, s29;
	_ =	sdelay $0x1  }
0x1ab: {  	s12 =	smul.u32 $0x1C00, s9;
	s29 =	sshrl.u32 s29, $0x3  }
0x1ac: {  	s29 =	sadd.s32 s7, s29  }
0x1ad: {  	s12 =	ssub.s32 s29, s12  }
0x1ae: {  	s12 =	sadd.s32 s12, s31  }
0x1af: {  	s30 =	simm.s32 $0x9600;
	s12 =	sadd.s32 $0xFFFFF000, s12  }
0x1b0: {  	[hbm4b:s12+s3] =	stream.linear.scatter [tilespmem:s30], [sflag:$0xE], $0x2000, $0x38;
	[tilespmem:$0x13600] =	vst v63  }
0x1b1: {  	_ =	swait.ge [sflag:s22], $0x2000  }
0x1b2: {  	[sflag:s22] =	ssyncset.done $0x0  }
0x1b3: {  	[sflag:s22] =	ssyncadd.s32 $0xFFFFE000  }
0x1b4: {  	v2 =	vld [tilespmem:s20+$0x0];
	_ =	sdelay $0x4  }
0x1b5: {  	(v2sf) =	vpush v2, $0x0;
	_ =	sdelay $0xe  }
0x1b6: {  	s17 =	spop (v2sf)  }
0x1b7: {  	s29 =	sadd.s32 s8, s17  }
0x1b8: {  	s29 =	smul.u32 $0xE000, s29;
	_ =	sdelay $0x1  }
0x1b9: {  	s12 =	smul.u32 $0x1C00, s17;
	s29 =	sshrl.u32 s29, $0x3  }
0x1ba: {  	s29 =	sadd.s32 s7, s29  }
0x1bb: {  	s12 =	ssub.s32 s29, s12  }
0x1bc: {  	s12 =	sadd.s32 s12, s31  }
0x1bd: {  	s17 =	simm.s32 $0xB600;
	s12 =	sadd.s32 $0xFFFFF400, s12  }
0x1be: {  	[hbm4b:s12+s3] =	stream.linear.scatter [tilespmem:s17], [sflag:$0xF], $0x2000, $0x38;
	[tilespmem:$0x13600] =	vst v63  }
0x1bf: {  	_ =	swait.ge [sflag:s25], $0x2000  }
0x1c0: {  	[sflag:s25] =	ssyncset.done $0x0  }
0x1c1: {  	[sflag:s25] =	ssyncadd.s32 $0xFFFFE000  }
0x1c2: {  	v2 =	vld [tilespmem:s20+$0x10];
	_ =	sdelay $0x4  }
0x1c3: {  	(v2sf) =	vpush v2, $0x0;
	_ =	sdelay $0xe  }
0x1c4: {  	s9 =	spop (v2sf)  }
0x1c5: {  	s29 =	sadd.s32 s8, s9  }
0x1c6: {  	s29 =	smul.u32 $0xE000, s29;
	_ =	sdelay $0x1  }
0x1c7: {  	s12 =	smul.u32 $0x1C00, s9;
	s29 =	sshrl.u32 s29, $0x3  }
0x1c8: {  	s29 =	sadd.s32 s7, s29  }
0x1c9: {  	s12 =	ssub.s32 s29, s12  }
0x1ca: {  	s12 =	sadd.s32 s12, s31  }
0x1cb: {  	s12 =	sadd.s32 $0xFFFFF800, s12  }
0x1cc: {  	[hbm4b:s12+s3] =	stream.linear.scatter [tilespmem:s28], [sflag:$0x10], $0x2000, $0x38;
	[tilespmem:$0x13600] =	vst v63  }
0x1cd: {  	_ =	swait.ge [sflag:s10], $0x2000  }
0x1ce: {  	[sflag:s10] =	ssyncset.done $0x0  }
0x1cf: {  	[sflag:s10] =	ssyncadd.s32 $0xFFFFE000  }
0x1d0: {  	v2 =	vld [tilespmem:s20+$0x20];
	_ =	sdelay $0x4  }
0x1d1: {  	(v2sf) =	vpush v2, $0x0;
	_ =	sdelay $0xe  }
0x1d2: {  	s9 =	spop (v2sf)  }
0x1d3: {  	s29 =	sadd.s32 s8, s9  }
0x1d4: {  	s29 =	smul.u32 $0xE000, s29;
	_ =	sdelay $0x1  }
0x1d5: {  	s12 =	smul.u32 $0x1C00, s9;
	s29 =	sshrl.u32 s29, $0x3  }
0x1d6: {  	s29 =	sadd.s32 s7, s29  }
0x1d7: {  	s12 =	ssub.s32 s29, s12  }
0x1d8: {  	s12 =	sadd.s32 s12, s31  }
0x1d9: {  	s9 =	simm.s32 $0xF600;
	s12 =	sadd.s32 $0xFFFFFC00, s12  }
0x1da: {  	[hbm4b:s12+s3] =	stream.linear.scatter [tilespmem:s9], [sflag:$0x11], $0x2000, $0x38;
	[tilespmem:$0x13600] =	vst v63  }
0x1db: {  	_ =	swait.ge [sflag:s16], $0x2000  }
0x1dc: {  	[sflag:s16] =	ssyncset.done $0x0  }
0x1dd: {  	[sflag:s16] =	ssyncadd.s32 $0xFFFFE000  }
0x1de: {  	v2 =	vld [tilespmem:s20+$0x30];
	_ =	sdelay $0x4  }
0x1df: {  	(v2sf) =	vpush v2, $0x0;
	_ =	sdelay $0xe  }
0x1e0: {  	s12 =	spop (v2sf)  }
0x1e1: {  	s29 =	sadd.s32 s8, s12  }
0x1e2: {  	s29 =	smul.u32 $0xE000, s29;
	_ =	sdelay $0x1  }
0x1e3: {  	s12 =	smul.u32 $0x1C00, s12;
	s29 =	sshrl.u32 s29, $0x3  }
0x1e4: {  	s29 =	sadd.s32 s7, s29  }
0x1e5: {  	s12 =	ssub.s32 s29, s12  }
0x1e6: {  	s12 =	sadd.s32 s12, s31  }
0x1e7: {  	[hbm4b:s12+s3] =	stream.linear.scatter [tilespmem:s19], [sflag:$0x12], $0x2000, $0x38;
	[tilespmem:$0x13600] =	vst v63  }
0x1e8: {  	_ =	swait.ge [sflag:s23], $0x2000  }
0x1e9: {  	[sflag:s23] =	ssyncset.done $0x0  }
0x1ea: {  	[sflag:s23] =	ssyncadd.s32 $0xFFFFE000  }
0x1eb: {  	v2 =	vld.msk [tilespmem:s18+$0xFFFFFFC8], $0xff;
	_ =	sdelay $0x4  }
0x1ec: {  	v3 =	vshll.u32 v2, $0x3  }
0x1ed: {  	v2 =	vand.u32 $0x7, v2;
	v3 =	vand.u32 $0xFFFFFFC0, v3  }
0x1ee: {  	v2 =	vor.u32 v2, v3  }
0x1ef: {  	v2 =	vperm.xlane v2, v0;
	_ =	sdelay $0x1  }
0x1f0: {  	v2 =	vadd.s32 v1, v2;
	_ =	sdelay $0x4  }
0x1f1: {  	[tilespmem:s11], [sflag:$0x3] =	stream.indirect_vreg.gather [hbm4b:s2+s3], $0x80, v2, vm0, $0xb8;
	[tilespmem:$0x13600] =	vst v63  }
0x1f2: {  	s12 =	simm.s32 $0x3E00  }
0x1f3: {  	[tilespmem:s12], [sflag:$0x3] =	stream.indirect_vreg.gather [hbm4b:s13+s3], $0x80, v2, vm0, $0xb8;
	[tilespmem:$0x13600] =	vst v63  }
0x1f4: {  	s12 =	simm.s32 $0x4600  }
0x1f5: {  	[tilespmem:s12], [sflag:$0x3] =	stream.indirect_vreg.gather [hbm4b:s14+s3], $0x80, v2, vm0, $0xb8;
	[tilespmem:$0x13600] =	vst v63  }
0x1f6: {  	s12 =	simm.s32 $0x4E00  }
0x1f7: {  	[tilespmem:s12], [sflag:$0x3] =	stream.indirect_vreg.gather [hbm4b:s15+s3], $0x80, v2, vm0, $0xb8;
	[tilespmem:$0x13600] =	vst v63  }
0x1f8: {  	s12 =	simm.s32 $0xC  }
0x1f9: {  	_ =	swait.ge [sflag:s12], $0x2000  }
0x1fa: {  	[sflag:s12] =	ssyncset.done $0x0  }
0x1fb: {  	[sflag:s12] =	ssyncadd.s32 $0xFFFFE000  }
0x1fc: {  	v2 =	vld.msk [tilespmem:s18+$0xFFFFFFD0], $0xff;
	_ =	sdelay $0x4  }
0x1fd: {  	v3 =	vshll.u32 v2, $0x3  }
0x1fe: {  	v2 =	vand.u32 $0x7, v2;
	v3 =	vand.u32 $0xFFFFFFC0, v3  }
0x1ff: {  	v2 =	vor.u32 v2, v3  }
0x200: {  	v2 =	vperm.xlane v2, v0;
	_ =	sdelay $0x1  }
0x201: {  	v2 =	vadd.s32 v1, v2;
	_ =	sdelay $0x4  }
0x202: {  	[tilespmem:s0], [sflag:$0x4] =	stream.indirect_vreg.gather [hbm4b:s2+s3], $0x80, v2, vm0, $0xb8;
	[tilespmem:$0x13600] =	vst v63  }
0x203: {  	s12 =	simm.s32 $0x5E00  }
0x204: {  	[tilespmem:s12], [sflag:$0x4] =	stream.indirect_vreg.gather [hbm4b:s13+s3], $0x80, v2, vm0, $0xb8;
	[tilespmem:$0x13600] =	vst v63  }
0x205: {  	s12 =	simm.s32 $0x6600  }
0x206: {  	[tilespmem:s12], [sflag:$0x4] =	stream.indirect_vreg.gather [hbm4b:s14+s3], $0x80, v2, vm0, $0xb8;
	[tilespmem:$0x13600] =	vst v63  }
0x207: {  	s12 =	simm.s32 $0x6E00  }
0x208: {  	[tilespmem:s12], [sflag:$0x4] =	stream.indirect_vreg.gather [hbm4b:s15+s3], $0x80, v2, vm0, $0xb8;
	[tilespmem:$0x13600] =	vst v63  }
0x209: {  	s12 =	simm.s32 $0xD  }
0x20a: {  	_ =	swait.ge [sflag:s12], $0x2000  }
0x20b: {  	[sflag:s12] =	ssyncset.done $0x0  }
0x20c: {  	[sflag:s12] =	ssyncadd.s32 $0xFFFFE000  }
0x20d: {  	v2 =	vld.msk [tilespmem:s18+$0xFFFFFFD8], $0xff;
	_ =	sdelay $0x4  }
0x20e: {  	v3 =	vshll.u32 v2, $0x3  }
0x20f: {  	v2 =	vand.u32 $0x7, v2;
	v3 =	vand.u32 $0xFFFFFFC0, v3  }
0x210: {  	v2 =	vor.u32 v2, v3  }
0x211: {  	v2 =	vperm.xlane v2, v0;
	_ =	sdelay $0x1  }
0x212: {  	v2 =	vadd.s32 v1, v2;
	_ =	sdelay $0x4  }
0x213: {  	[tilespmem:s1], [sflag:$0x5] =	stream.indirect_vreg.gather [hbm4b:s2+s3], $0x80, v2, vm0, $0xb8;
	[tilespmem:$0x13600] =	vst v63  }
0x214: {  	s12 =	simm.s32 $0x7E00  }
0x215: {  	[tilespmem:s12], [sflag:$0x5] =	stream.indirect_vreg.gather [hbm4b:s13+s3], $0x80, v2, vm0, $0xb8;
	[tilespmem:$0x13600] =	vst v63  }
0x216: {  	s12 =	simm.s32 $0x8600  }
0x217: {  	[tilespmem:s12], [sflag:$0x5] =	stream.indirect_vreg.gather [hbm4b:s14+s3], $0x80, v2, vm0, $0xb8;
	[tilespmem:$0x13600] =	vst v63  }
0x218: {  	s12 =	simm.s32 $0x8E00  }
0x219: {  	[tilespmem:s12], [sflag:$0x5] =	stream.indirect_vreg.gather [hbm4b:s15+s3], $0x80, v2, vm0, $0xb8;
	[tilespmem:$0x13600] =	vst v63  }
0x21a: {  	s12 =	simm.s32 $0xE  }
0x21b: {  	_ =	swait.ge [sflag:s12], $0x2000  }
0x21c: {  	[sflag:s12] =	ssyncset.done $0x0  }
0x21d: {  	[sflag:s12] =	ssyncadd.s32 $0xFFFFE000  }
0x21e: {  	v2 =	vld.msk [tilespmem:s18+$0xFFFFFFE0], $0xff;
	_ =	sdelay $0x4  }
0x21f: {  	v3 =	vshll.u32 v2, $0x3  }
0x220: {  	v2 =	vand.u32 $0x7, v2;
	v3 =	vand.u32 $0xFFFFFFC0, v3  }
0x221: {  	v2 =	vor.u32 v2, v3  }
0x222: {  	v2 =	vperm.xlane v2, v0;
	_ =	sdelay $0x1  }
0x223: {  	v2 =	vadd.s32 v1, v2;
	_ =	sdelay $0x4  }
0x224: {  	[tilespmem:s30], [sflag:$0x6] =	stream.indirect_vreg.gather [hbm4b:s2+s3], $0x80, v2, vm0, $0xb8;
	[tilespmem:$0x13600] =	vst v63  }
0x225: {  	s12 =	simm.s32 $0x9E00  }
0x226: {  	[tilespmem:s12], [sflag:$0x6] =	stream.indirect_vreg.gather [hbm4b:s13+s3], $0x80, v2, vm0, $0xb8;
	[tilespmem:$0x13600] =	vst v63  }
0x227: {  	s12 =	simm.s32 $0xA600  }
0x228: {  	[tilespmem:s12], [sflag:$0x6] =	stream.indirect_vreg.gather [hbm4b:s14+s3], $0x80, v2, vm0, $0xb8;
	[tilespmem:$0x13600] =	vst v63  }
0x229: {  	s12 =	simm.s32 $0xAE00  }
0x22a: {  	[tilespmem:s12], [sflag:$0x6] =	stream.indirect_vreg.gather [hbm4b:s15+s3], $0x80, v2, vm0, $0xb8;
	[tilespmem:$0x13600] =	vst v63  }
0x22b: {  	s12 =	simm.s32 $0xF  }
0x22c: {  	_ =	swait.ge [sflag:s12], $0x2000  }
0x22d: {  	[sflag:s12] =	ssyncset.done $0x0  }
0x22e: {  	[sflag:s12] =	ssyncadd.s32 $0xFFFFE000  }
0x22f: {  	v2 =	vld.msk [tilespmem:s18+$0xFFFFFFE8], $0xff;
	_ =	sdelay $0x4  }
0x230: {  	v3 =	vshll.u32 v2, $0x3  }
0x231: {  	v2 =	vand.u32 $0x7, v2;
	v3 =	vand.u32 $0xFFFFFFC0, v3  }
0x232: {  	v2 =	vor.u32 v2, v3  }
0x233: {  	v2 =	vperm.xlane v2, v0;
	_ =	sdelay $0x1  }
0x234: {  	v2 =	vadd.s32 v1, v2;
	_ =	sdelay $0x4  }
0x235: {  	[tilespmem:s17], [sflag:$0x7] =	stream.indirect_vreg.gather [hbm4b:s2+s3], $0x80, v2, vm0, $0xb8;
	[tilespmem:$0x13600] =	vst v63  }
0x236: {  	s17 =	simm.s32 $0xBE00  }
0x237: {  	[tilespmem:s17], [sflag:$0x7] =	stream.indirect_vreg.gather [hbm4b:s13+s3], $0x80, v2, vm0, $0xb8;
	[tilespmem:$0x13600] =	vst v63  }
0x238: {  	s17 =	simm.s32 $0xC600  }
0x239: {  	[tilespmem:s17], [sflag:$0x7] =	stream.indirect_vreg.gather [hbm4b:s14+s3], $0x80, v2, vm0, $0xb8;
	[tilespmem:$0x13600] =	vst v63  }
0x23a: {  	s17 =	simm.s32 $0xCE00  }
0x23b: {  	[tilespmem:s17], [sflag:$0x7] =	stream.indirect_vreg.gather [hbm4b:s15+s3], $0x80, v2, vm0, $0xb8;
	[tilespmem:$0x13600] =	vst v63  }
0x23c: {  	s17 =	simm.s32 $0x10  }
0x23d: {  	_ =	swait.ge [sflag:s17], $0x2000  }
0x23e: {  	[sflag:s17] =	ssyncset.done $0x0  }
0x23f: {  	[sflag:s17] =	ssyncadd.s32 $0xFFFFE000  }
0x240: {  	v2 =	vld.msk [tilespmem:s18+$0xFFFFFFF0], $0xff;
	_ =	sdelay $0x4  }
0x241: {  	v3 =	vshll.u32 v2, $0x3  }
0x242: {  	v2 =	vand.u32 $0x7, v2;
	v3 =	vand.u32 $0xFFFFFFC0, v3  }
0x243: {  	v2 =	vor.u32 v2, v3  }
0x244: {  	v2 =	vperm.xlane v2, v0;
	_ =	sdelay $0x1  }
0x245: {  	v2 =	vadd.s32 v1, v2;
	_ =	sdelay $0x4  }
0x246: {  	[tilespmem:s28], [sflag:$0x8] =	stream.indirect_vreg.gather [hbm4b:s2+s3], $0x80, v2, vm0, $0xb8;
	[tilespmem:$0x13600] =	vst v63  }
0x247: {  	s12 =	simm.s32 $0xDE00  }
0x248: {  	[tilespmem:s12], [sflag:$0x8] =	stream.indirect_vreg.gather [hbm4b:s13+s3], $0x80, v2, vm0, $0xb8;
	[tilespmem:$0x13600] =	vst v63  }
0x249: {  	s12 =	simm.s32 $0xE600  }
0x24a: {  	[tilespmem:s12], [sflag:$0x8] =	stream.indirect_vreg.gather [hbm4b:s14+s3], $0x80, v2, vm0, $0xb8;
	[tilespmem:$0x13600] =	vst v63  }
0x24b: {  	s12 =	simm.s32 $0xEE00  }
0x24c: {  	[tilespmem:s12], [sflag:$0x8] =	stream.indirect_vreg.gather [hbm4b:s15+s3], $0x80, v2, vm0, $0xb8;
	[tilespmem:$0x13600] =	vst v63  }
0x24d: {  	s12 =	simm.s32 $0x11  }
0x24e: {  	_ =	swait.ge [sflag:s12], $0x2000  }
0x24f: {  	[sflag:s12] =	ssyncset.done $0x0  }
0x250: {  	[sflag:s12] =	ssyncadd.s32 $0xFFFFE000  }
0x251: {  	v2 =	vld.msk [tilespmem:s18+$0xFFFFFFF8], $0xff;
	_ =	sdelay $0x4  }
0x252: {  	v3 =	vshll.u32 v2, $0x3  }
0x253: {  	v2 =	vand.u32 $0x7, v2;
	v3 =	vand.u32 $0xFFFFFFC0, v3  }
0x254: {  	v2 =	vor.u32 v2, v3  }
0x255: {  	v2 =	vperm.xlane v2, v0;
	_ =	sdelay $0x1  }
0x256: {  	v2 =	vadd.s32 v1, v2;
	_ =	sdelay $0x4  }
0x257: {  	[tilespmem:s9], [sflag:$0x9] =	stream.indirect_vreg.gather [hbm4b:s2+s3], $0x80, v2, vm0, $0xb8;
	[tilespmem:$0x13600] =	vst v63  }
0x258: {  	s12 =	simm.s32 $0xFE00  }
0x259: {  	[tilespmem:s12], [sflag:$0x9] =	stream.indirect_vreg.gather [hbm4b:s13+s3], $0x80, v2, vm0, $0xb8;
	[tilespmem:$0x13600] =	vst v63  }
0x25a: {  	s12 =	simm.s32 $0x10600  }
0x25b: {  	[tilespmem:s12], [sflag:$0x9] =	stream.indirect_vreg.gather [hbm4b:s14+s3], $0x80, v2, vm0, $0xb8;
	[tilespmem:$0x13600] =	vst v63  }
0x25c: {  	s12 =	simm.s32 $0x10E00  }
0x25d: {  	[tilespmem:s12], [sflag:$0x9] =	stream.indirect_vreg.gather [hbm4b:s15+s3], $0x80, v2, vm0, $0xb8;
	[tilespmem:$0x13600] =	vst v63  }
0x25e: {  	s12 =	simm.s32 $0x12  }
0x25f: {  	_ =	swait.ge [sflag:s12], $0x2000  }
0x260: {  	[sflag:s12] =	ssyncset.done $0x0  }
0x261: {  	[sflag:s12] =	ssyncadd.s32 $0xFFFFE000  }
0x262: {  	v2 =	vld.msk [tilespmem:s18+$0x0], $0xff;
	_ =	sdelay $0x4  }
0x263: {  	v3 =	vshll.u32 v2, $0x3  }
0x264: {  	v2 =	vand.u32 $0x7, v2;
	v3 =	vand.u32 $0xFFFFFFC0, v3  }
0x265: {  	v2 =	vor.u32 v2, v3  }
0x266: {  	v2 =	vperm.xlane v2, v0;
	_ =	sdelay $0x1  }
0x267: {  	v2 =	vadd.s32 v1, v2;
	_ =	sdelay $0x2  }
0x268: {  	p0 =	sne.s32 s31, $0x35C00  }
0x269: {  	s26 =	sadd.s32 $0x10000, s26;
	s20 =	sadd.s32 $0x80, s20;
	s29 =	simm.s32 $0xF600  }
0x26a: {  	[tilespmem:s19], [sflag:$0xA] =	stream.indirect_vreg.gather [hbm4b:s2+s3], $0x80, v2, vm0, $0xb8;
	[tilespmem:$0x13600] =	vst v63  }
0x26b: {  	s31 =	sadd.s32 $0x2000, s31;
	s11 =	simm.s32 $0x5600;
	s12 =	simm.s32 $0x11E00  }
0x26c: {  	[tilespmem:s12], [sflag:$0xA] =	stream.indirect_vreg.gather [hbm4b:s13+s3], $0x80, v2, vm0, $0xb8;
	[tilespmem:$0x13600] =	vst v63  }
.Ltmp2:
0x26d: {  	s0 =	simm.s32 $0x7600;
	s1 =	simm.s32 $0x9600;
	(pc) =	sbr.rel @p0 .LBB2_6-.Ltmp2, $4  }
0x26e: {  	s30 =	simm.s32 $0xB600;
	s17 =	simm.s32 $0xD600;
	s12 =	simm.s32 $0x12600  }
0x26f: {  	[tilespmem:s12], [sflag:$0xA] =	stream.indirect_vreg.gather [hbm4b:s14+s3], $0x80, v2, vm0, $0xb8;
	[tilespmem:$0x13600] =	vst v63  }
0x270: {  	s9 =	simm.s32 $0x11600;
	s18 =	sadd.s32 $0x40, s18;
	s12 =	simm.s32 $0x12E00  }
0x271: {  	[tilespmem:s12], [sflag:$0xA] =	stream.indirect_vreg.gather [hbm4b:s15+s3], $0x80, v2, vm0, $0xb8;
	[tilespmem:$0x13600] =	vst v63  }
0x272: {  	_ =	swait.ge [sflag:s21], $0x2000  }
0x273: {  	[sflag:s21] =	ssyncset.done $0x0  }
0x274: {  	[sflag:s21] =	ssyncadd.s32 $0xFFFFE000  }
0x275: {  	v2 =	vld [tilespmem:$0x3580];
	_ =	sdelay $0x4  }
0x276: {  	(v2sf) =	vpush v2, $0x0;
	_ =	sdelay $0xe  }
0x277: {  	s12 =	spop (v2sf)  }
0x278: {  	s18 =	sadd.s32 s8, s12;
	s12 =	smul.u32 $0xFFFF2000, s12  }
0x279: {  	s18 =	smul.u32 $0xE000, s18;
	_ =	sdelay $0x1  }
0x27a: {  	s12 =	sadd.s32 $0x1B0000, s12;
	s18 =	sshrl.u32 s18, $0x3  }
0x27b: {  	s12 =	sshrl.u32 s12, $0x3;
	s18 =	sadd.s32 s7, s18  }
0x27c: {  	s12 =	sadd.s32 s18, s12  }
0x27d: {  	[hbm4b:s12+s3] =	stream.linear.scatter [tilespmem:s24], [sflag:$0xB], $0x2000, $0x38;
	[tilespmem:$0x13600] =	vst v63  }
0x27e: {  	_ =	swait.ge [sflag:s5], $0x2000  }
0x27f: {  	[sflag:s5] =	ssyncset.done $0x0  }
0x280: {  	[sflag:s5] =	ssyncadd.s32 $0xFFFFE000  }
0x281: {  	v2 =	vld [tilespmem:$0x3590];
	_ =	sdelay $0x4  }
0x282: {  	(v2sf) =	vpush v2, $0x0;
	_ =	sdelay $0xe  }
0x283: {  	s20 =	spop (v2sf)  }
0x284: {  	s26 =	sadd.s32 s8, s20;
	s12 =	smul.u32 $0xFFFF2000, s20  }
0x285: {  	s18 =	smul.u32 $0xE000, s26;
	_ =	sdelay $0x1  }
0x286: {  	s12 =	sadd.s32 $0x1B2000, s12;
	s18 =	sshrl.u32 s18, $0x3  }
0x287: {  	s12 =	sshrl.u32 s12, $0x3;
	s18 =	sadd.s32 s7, s18  }
0x288: {  	s12 =	sadd.s32 s18, s12  }
0x289: {  	[hbm4b:s12+s3] =	stream.linear.scatter [tilespmem:s11], [sflag:$0xC], $0x2000, $0x38;
	[tilespmem:$0x13600] =	vst v63  }
0x28a: {  	_ =	swait.ge [sflag:s4], $0x2000  }
0x28b: {  	[sflag:s4] =	ssyncset.done $0x0  }
0x28c: {  	[sflag:s4] =	ssyncadd.s32 $0xFFFFE000  }
0x28d: {  	v2 =	vld [tilespmem:$0x35A0];
	_ =	sdelay $0x4  }
0x28e: {  	(v2sf) =	vpush v2, $0x0;
	_ =	sdelay $0xe  }
0x28f: {  	s4 =	spop (v2sf)  }
0x290: {  	s5 =	sadd.s32 s8, s4;
	s12 =	smul.u32 $0xFFFF2000, s4  }
0x291: {  	s18 =	smul.u32 $0xE000, s5;
	_ =	sdelay $0x1  }
0x292: {  	s12 =	sadd.s32 $0x1B4000, s12;
	s18 =	sshrl.u32 s18, $0x3  }
0x293: {  	s12 =	sshrl.u32 s12, $0x3;
	s18 =	sadd.s32 s7, s18  }
0x294: {  	s12 =	sadd.s32 s18, s12  }
0x295: {  	[hbm4b:s12+s3] =	stream.linear.scatter [tilespmem:s0], [sflag:$0xD], $0x2000, $0x38;
	[tilespmem:$0x13600] =	vst v63  }
0x296: {  	_ =	swait.ge [sflag:s6], $0x2000  }
0x297: {  	[sflag:s6] =	ssyncset.done $0x0  }
0x298: {  	[sflag:s6] =	ssyncadd.s32 $0xFFFFE000  }
0x299: {  	v2 =	vld [tilespmem:$0x35B0];
	_ =	sdelay $0x4  }
0x29a: {  	(v2sf) =	vpush v2, $0x0;
	_ =	sdelay $0xe  }
0x29b: {  	s6 =	spop (v2sf)  }
0x29c: {  	s11 =	sadd.s32 s8, s6;
	s12 =	smul.u32 $0xFFFF2000, s6  }
0x29d: {  	s18 =	smul.u32 $0xE000, s11;
	_ =	sdelay $0x1  }
0x29e: {  	s12 =	sadd.s32 $0x1B6000, s12;
	s18 =	sshrl.u32 s18, $0x3  }
0x29f: {  	s12 =	sshrl.u32 s12, $0x3;
	s18 =	sadd.s32 s7, s18  }
0x2a0: {  	s12 =	sadd.s32 s18, s12  }
0x2a1: {  	[hbm4b:s12+s3] =	stream.linear.scatter [tilespmem:s1], [sflag:$0xE], $0x2000, $0x38;
	[tilespmem:$0x13600] =	vst v63  }
0x2a2: {  	_ =	swait.ge [sflag:s22], $0x2000  }
0x2a3: {  	[sflag:s22] =	ssyncset.done $0x0  }
0x2a4: {  	[sflag:s22] =	ssyncadd.s32 $0xFFFFE000  }
0x2a5: {  	v2 =	vld [tilespmem:$0x35C0];
	_ =	sdelay $0x4  }
0x2a6: {  	(v2sf) =	vpush v2, $0x0;
	_ =	sdelay $0xe  }
0x2a7: {  	s20 =	spop (v2sf)  }
0x2a8: {  	s26 =	sadd.s32 s8, s20;
	s12 =	smul.u32 $0xFFFF2000, s20  }
0x2a9: {  	s18 =	smul.u32 $0xE000, s26;
	_ =	sdelay $0x1  }
0x2aa: {  	s12 =	sadd.s32 $0x1B8000, s12;
	s18 =	sshrl.u32 s18, $0x3  }
0x2ab: {  	s12 =	sshrl.u32 s12, $0x3;
	s18 =	sadd.s32 s7, s18  }
0x2ac: {  	s12 =	sadd.s32 s18, s12  }
0x2ad: {  	[hbm4b:s12+s3] =	stream.linear.scatter [tilespmem:s30], [sflag:$0xF], $0x2000, $0x38;
	[tilespmem:$0x13600] =	vst v63  }
0x2ae: {  	_ =	swait.ge [sflag:s25], $0x2000  }
0x2af: {  	[sflag:s25] =	ssyncset.done $0x0  }
0x2b0: {  	[sflag:s25] =	ssyncadd.s32 $0xFFFFE000  }
0x2b1: {  	v2 =	vld [tilespmem:$0x35D0];
	_ =	sdelay $0x4  }
0x2b2: {  	(v2sf) =	vpush v2, $0x0;
	_ =	sdelay $0xe  }
0x2b3: {  	s30 =	spop (v2sf)  }
0x2b4: {  	s0 =	sadd.s32 s8, s30;
	s12 =	smul.u32 $0xFFFF2000, s30  }
0x2b5: {  	s18 =	smul.u32 $0xE000, s0;
	_ =	sdelay $0x1  }
0x2b6: {  	s12 =	sadd.s32 $0x1BA000, s12;
	s18 =	sshrl.u32 s18, $0x3  }
0x2b7: {  	s12 =	sshrl.u32 s12, $0x3;
	s18 =	sadd.s32 s7, s18  }
0x2b8: {  	s12 =	sadd.s32 s18, s12  }
0x2b9: {  	[hbm4b:s12+s3] =	stream.linear.scatter [tilespmem:s17], [sflag:$0x10], $0x2000, $0x38;
	[tilespmem:$0x13600] =	vst v63  }
0x2ba: {  	_ =	swait.ge [sflag:s10], $0x2000  }
0x2bb: {  	[sflag:s10] =	ssyncset.done $0x0  }
0x2bc: {  	[sflag:s10] =	ssyncadd.s32 $0xFFFFE000  }
0x2bd: {  	v2 =	vld [tilespmem:$0x35E0];
	_ =	sdelay $0x4  }
0x2be: {  	(v2sf) =	vpush v2, $0x0;
	_ =	sdelay $0xe  }
0x2bf: {  	s1 =	spop (v2sf)  }
0x2c0: {  	s4 =	sadd.s32 s8, s1;
	s12 =	smul.u32 $0xFFFF2000, s1  }
0x2c1: {  	s18 =	smul.u32 $0xE000, s4;
	_ =	sdelay $0x1  }
0x2c2: {  	s12 =	sadd.s32 $0x1BC000, s12;
	s18 =	sshrl.u32 s18, $0x3  }
0x2c3: {  	s12 =	sshrl.u32 s12, $0x3;
	s18 =	sadd.s32 s7, s18  }
0x2c4: {  	s12 =	sadd.s32 s18, s12  }
0x2c5: {  	[hbm4b:s12+s3] =	stream.linear.scatter [tilespmem:s29], [sflag:$0x11], $0x2000, $0x38;
	[tilespmem:$0x13600] =	vst v63  }
0x2c6: {  	_ =	swait.ge [sflag:s16], $0x2000  }
0x2c7: {  	[sflag:s16] =	ssyncset.done $0x0  }
0x2c8: {  	[sflag:s16] =	ssyncadd.s32 $0xFFFFE000  }
0x2c9: {  	v2 =	vld [tilespmem:$0x35F0];
	_ =	sdelay $0x4  }
0x2ca: {  	(v2sf) =	vpush v2, $0x0;
	_ =	sdelay $0xe  }
0x2cb: {  	s5 =	spop (v2sf)  }
0x2cc: {  	s6 =	sadd.s32 s8, s5;
	s12 =	smul.u32 $0xFFFF2000, s5  }
0x2cd: {  	s18 =	smul.u32 $0xE000, s6;
	_ =	sdelay $0x1  }
0x2ce: {  	s12 =	sadd.s32 $0x1BE000, s12;
	s18 =	sshrl.u32 s18, $0x3  }
0x2cf: {  	s12 =	sshrl.u32 s12, $0x3;
	s18 =	sadd.s32 s7, s18  }
0x2d0: {  	s12 =	sadd.s32 s18, s12  }
0x2d1: {  	[hbm4b:s12+s3] =	stream.linear.scatter [tilespmem:s9], [sflag:$0x12], $0x2000, $0x38;
	[tilespmem:$0x13600] =	vst v63  }
0x2d2: {  	_ =	swait.ge [sflag:s23], $0x2000  }
0x2d3: {  	[sflag:s23] =	ssyncset.done $0x0  }
0x2d4: {  	s9 =	simm.s32 $0xC;
	[sflag:s23] =	ssyncadd.s32 $0xFFFFE000  }
0x2d5: {  	_ =	swait.ge [sflag:s9], $0x2000  }
0x2d6: {  	[sflag:s9] =	ssyncset.done $0x0  }
0x2d7: {  	s10 =	simm.s32 $0xD;
	[sflag:s9] =	ssyncadd.s32 $0xFFFFE000  }
0x2d8: {  	_ =	swait.ge [sflag:s10], $0x2000  }
0x2d9: {  	[sflag:s10] =	ssyncset.done $0x0  }
0x2da: {  	s11 =	simm.s32 $0xE;
	[sflag:s10] =	ssyncadd.s32 $0xFFFFE000  }
0x2db: {  	_ =	swait.ge [sflag:s11], $0x2000  }
0x2dc: {  	[sflag:s11] =	ssyncset.done $0x0  }
0x2dd: {  	s12 =	simm.s32 $0xF;
	[sflag:s11] =	ssyncadd.s32 $0xFFFFE000  }
0x2de: {  	_ =	swait.ge [sflag:s12], $0x2000  }
0x2df: {  	[sflag:s12] =	ssyncset.done $0x0  }
0x2e0: {  	s17 =	simm.s32 $0x10;
	[sflag:s12] =	ssyncadd.s32 $0xFFFFE000  }
0x2e1: {  	_ =	swait.ge [sflag:s17], $0x2000  }
0x2e2: {  	[sflag:s17] =	ssyncset.done $0x0  }
0x2e3: {  	s18 =	simm.s32 $0x11;
	[sflag:s17] =	ssyncadd.s32 $0xFFFFE000  }
0x2e4: {  	_ =	swait.ge [sflag:s18], $0x2000  }
0x2e5: {  	[sflag:s18] =	ssyncset.done $0x0  }
0x2e6: {  	s20 =	simm.s32 $0x12;
	[sflag:s18] =	ssyncadd.s32 $0xFFFFE000  }
0x2e7: {  	_ =	swait.ge [sflag:s20], $0x2000  }
0x2e8: {  	s26 =	rddreg [dreg:$0xb]  }
0x2e9: {  	s30 =	rddreg [dreg:$0xa];
	s0 =	sadd.s32 $0x1, s26  }
0x2ea: {  	p0 =	sne.s32 s0, s30  }
.Ltmp3:
0x2eb: {  	_ = 	snop;
	(pc) =	sbr.rel @p0 .LBB2_1-.Ltmp3, $4  }
0x2ec: {  	_ = 	snop  }
0x2ed: {  	s31 =	simm.s32 $0x700;
	s4 =	simm.s32 $0x11E00  }
0x2ee: {  	s29 =	simm.s32 $0x13;
	s5 =	simm.s32 $0x12600;
	[sflag:s20] =	ssyncset.done $0x0  }
0x2ef: {  	s6 =	simm.s32 $0x11600;
	s10 =	simm.s32 $0x12E00;
	[sflag:s20] =	ssyncadd.s32 $0xFFFFE000  }
0x2f0: {  	_ =	sfence.sel $0x180000  }
0x2f1: {  	[bflag:$0x0] =	sbarrier.arrive $0xFFFF  }
0x2f2: {  	_ =	strace $0x90000047  }
0x2f3: {  	s0 =	stileid.u32;
	[bflag:$0x2] =	sbarrier.arrive $0xFFFF  }
0x2f4: {  	p0 =	sne.s32 s0, $0x0;
	s0 =	rddreg [dreg:$0x2]  }
0x2f5: {  	s0 =	sadd.s32 @!p0 $0x100000, s0  }
0x2f6: {  	[sflag:s0] =	ssyncadd.tile.s32 @!p0 $0x1;
	_ =	shalt  }
.Lfunc_end2:
_tile_overlayer_lowered:
.L_overlay_start_2:
0x2f7: {  	(tag) =	ssettag $0x2  }
0x2f8: {  	s0 =	rddreg [dreg:$0x0];
	s2 =	stileid.u32  }
0x2f9: {  	s1 =	rddreg [dreg:$0x1];
	p0 =	sne.s32 s2, $0x0  }
0x2fa: {  	s3 =	rddreg [dreg:$0x2];
	[bflag:$0x3] =	sbarrier.arrive $0xFFFF;
	s2 =	simm.s32 @!p0 $0x1C13  }
0x2fb: {  	[timem:s3], [sflag:s2] =	dma.local @!p0 [hbm:s0], s1  }
0x2fc: {  	s0 =	simm.s32 @!p0 $0x13  }
0x2fd: {  	_ =	swait.ge @!p0 [sflag:s0], s1  }
0x2fe: {  	s1 =	ssub.s32 @!p0 $0x0, s1;
	[sflag:s0] =	ssyncset.done @!p0 $0x0  }
0x2ff: {  	[sflag:s0] =	ssyncadd.s32 @!p0 s1  }
0x300: {  	[bflag:$0x3] =	sbarrier.arrive $0xFFFF  }
0x301: {  	_ =	shalt  }

// kernel: sparse-core-data-format-call.cloned.1.call-start
scs
called_computation_lowered:
.L_overlay_start_0:
0x0: {  	s2 =	sld [smem:$0x3FD9]  }
0x1: {  	s3 =	sld [smem:$0x3FFE];
	_ =	sdelay $0x1  }
0x2: {  	s1 =	srdreg.scid  }
0x3: {  	s0 =	sand.u32 $0x1, s1  }
0x4: {  	s15 =	sshll.u32 s0, $0xA;
	s2 =	sadd.s32 s3, s2  }
0x5: {  	s2 =	sadd.s32 s2, s15  }
0x6: {  	[smem:$0x3FC5] =	sst s2  }
0x7: {  	_ = 	snop  }
0x8: {  	s2 =	sld [smem:$0x3FD0];
	_ =	sdelay $0x2  }
0x9: {  	s16 =	simm.s32 $0xA;
	s4 =	simm.s32 $0x10  }
0xa: {  	[smem:s4], [sflag:s16] =	dma.local [hbm:s2], $0x1  }
0xb: {  	_ =	swait.eq [sflag:s16], $0x1  }
0xc: {  	[sflag:s16] =	ssyncset.done $0x0  }
0xd: {  	[sflag:s16] =	ssyncadd.s32 $0xFFFFFFFF  }
0xe: {  	s17 =	sld [smem:$0x10];
	(tm) =	ssettm $0x1  }
0xf: {  	s18 =	sld [smem:$0x3FFB];
	_ =	sdelay $0x3  }
0x10: {  	_ =	strace s18  }
0x11: {  	s3 =	sld [smem:$0x3FFC];
	_ =	sdelay $0x3  }
0x12: {  	_ =	strace s3  }
0x13: {  	s3 =	sld [smem:$0x3FFD];
	_ =	sdelay $0x3  }
0x14: {  	_ =	strace s3  }
0x15: {  	_ =	strace $0x8FFFFFFF  }
0x16: {  	s19 =	sld [smem:$0x3FDB];
	_ =	sdelay $0x1  }
0x17: {  	s20 =	simm.s32 $_scs_section_size  }
0x18: {  	s5 =	simm.s32 $_size__tile_overlayer_lowered;
	s6 =	simm.s32 $_tile_overlayer_lowered  }
0x19: {  	s23 =	simm.s32 $0x1BFF;
	s22 =	sshll.u32 s6, $0x1;
	s3 =	sadd.s32 s20, s19  }
0x1a: {  	s7 =	simm.s32 $0x0;
	s21 =	sshll.u32 s5, $0x1;
	s5 =	sadd.s32 s22, s3  }
0x1b: {  	[timem:s7], [sflag:s23] =	dma.local [hbm:s5], s21  }
0x1c: {  	_ =	swait.ge [sflag:s23], s21  }
0x1d: {  	s4 =	ssub.s32 $0x0, s21;
	[sflag:s23] =	ssyncset.done $0x0  }
0x1e: {  	[sflag:s23] =	ssyncadd.s32 s4;
	_ =	sdelay $0x1  }
0x1f: {  	s24 =	simm.s32 $0x1B8B  }
0x20: {  	_ =	swait.ge [sflag:s24], $0x1  }
0x21: {  	[sflag:s24] =	ssyncset.done $0x0  }
0x22: {  	s26 =	simm.s32 $0x1B8E;
	s25 =	sld [smem:$0x3FFE];
	[sflag:s24] =	ssyncadd.s32 $0xFFFFFFFF  }
0x23: {  	s27 =	simm.s32 $execute0_lowered;
	[smem:$0x3FD2] =	sst s26  }
0x24: {  	s5 =	sshll.u32 s27, $0x1;
	_ =	strace $0x80000049;
	[dreg:$0x1] =	wrdreg $0xFFFFFFFF  }
0x25: {  	s28 =	simm.s32 $_size_execute0_lowered;
	s3 =	sadd.s32 s3, s5;
	[dreg:$0x0] =	wrdreg $0x0  }
0x26: {  	s5 =	sshll.u32 s28, $0x1;
	[dreg:$0x2] =	wrdreg s3  }
0x27: {  	[dreg:$0x3] =	wrdreg s5  }
0x28: {  	[dreg:$0x4] =	wrdreg $0xC0  }
0x29: {  	_ =	task [dreg:s7], $0x5FFFF  }
0x2a: {  	[dreg:$0x1] =	wrdreg $0xFFFFFFFF  }
0x2b: {  	[dreg:$0x0] =	wrdreg $0x60  }
0x2c: {  	[dreg:$0x2] =	wrdreg s25  }
0x2d: {  	[dreg:$0x3] =	wrdreg s17  }
0x2e: {  	[dreg:$0x4] =	wrdreg $0x9  }
0x2f: {  	_ =	task.clear_ibuf [dreg:s7], $0x5FFFF;
	_ =	strace $0x90000049  }
0x30: {  	s29 =	simm.s32 $0x9;
	_ =	strace $0x8000004B  }
0x31: {  	_ =	swait.ge [sflag:s29], $0x1  }
0x32: {  	[sflag:s29] =	ssyncadd.s32 $0xFFFFFFFF  }
0x33: {  	_ =	strace $0x9000004B  }
0x34: {  	_ =	sfence  }
0x35: {  	s30 =	sld [smem:$0x0];
	_ =	sdelay $0x2  }
0x36: {  	s31 =	sshll.u32 s1, $0xD;
	s1 =	sshrl.u32 s1, $0x2  }
0x37: {  	s3 =	sand.u32 $0x4000, s31;
	s1 =	sadd.s32 s1, s30  }
0x38: {  	s0 =	sor.u32 s3, s0;
	s1 =	sshll.u32 s1, $0x11  }
0x39: {  	s0 =	sor.u32 s1, s0  }
0x3a: {  	s0 =	sadd.s32 $0x8F2B, s0  }
0x3b: {  	[sflag:s0] =	ssyncadd.remote.s32 $0x1  }
0x3c: {  	_ =	sfence.sel $0xFFFF  }
0x3d: {  	[dreg:$0x0] =	wrdreg $0xFFFFFFFF;
	(pc) =	sbr.abs _section_cstart, $3  }
0x3e: {  	[dreg:$0x1] =	wrdreg $0xFFFFFFFF  }
0x3f: {  	_ =	task.clear_ibuf [dreg:s7], $0x2FFFF;
	_ =	strace $0x9FFFFFFF  }
0x40: {  	(tm) =	ssettm $0x7FFFFFFF  }
0x41: {  	_ =	shalt  }
tec
execute0_lowered:
.L_overlay_start_1:
0x0: {  	(tag) =	ssettag $0x1  }
0x1: {  	s4 =	rddreg [dreg:$0x0]  }
0x2: {  	s0 =	stileid.u32;
	s2 =	rddreg [dreg:$0x1]  }
0x3: {  	s7 =	srdreg.scid;
	s31 =	simm.s32 $0x2;
	s17 =	simm.s32 $0x0  }
0x4: {  	s9 =	simm.s32 $0x2000;
	s19 =	simm.s32 $0x0;
	s18 =	simm.s32 $0x0  }
0x5: {  	s10 =	simm.s32 $0x0;
	s11 =	simm.s32 $0x0;
	s1 =	sshll.u32 s0, $0x7  }
0x6: {  	s12 =	simm.s32 $0x0;
	s14 =	simm.s32 $0x0;
	s3 =	sand.u32 $0x380, s1  }
0x7: {  	s16 =	simm.s32 $0x0;
	s4 =	sadd.s32 $0x24800, s4;
	s5 =	ssub.s32 $0x400, s3  }
0x8: {  	s8 =	sshll.u32 s0, $0x4;
	s7 =	sshll.u32 s7, $0x8;
	s6 =	sand.u32 $0x380, s5  }
0x9: {  	s1 =	rddreg [dreg:$0x2];
	p0 =	sne.s32 s6, $0x0;
	s6 =	simm.s32 $0x1  }
.Ltmp0:
0xa: {  	s5 =	sshrl.u32 s5, $0xA;
	s6 =	simm.s32 @!p0 $0x0;
	(pc) =	sbr.rel .LBB1_1-.Ltmp0, $4  }
0xb: {  	_ =	strace $0x8000004A;
	s7 =	sor.u32 s8, s7;
	s6 =	sadd.s32 s6, s5  }
0xc: {  	s7 =	sand.u32 $0x180, s7;
	s5 =	simm.s32 $0x1;
	s6 =	smul.u32 $0x64, s6  }
0xd: {  	s15 =	smov.u32 s3;
	s13 =	smov.u32 s7;
	[sflag:s5] =	ssyncpa.u1 $0x0  }
0xe: {  	p0 =	por $0x0, $0x0;
	[sflag:s31] =	ssyncpa.u1 $0x0;
	s8 =	sor.u32 $0x1, s6  }
.LBB1_4:
0xf: {  	s25 =	sshll.u32 s10, $0xA;
	s24 =	sshra.s32 s24, $0x2;
	s26 =	sshll.u32 s12, $0x3  }
0x10: {  	p1 =	sgt.s32 s11, $0x31;
	s27 =	smov.u32 s11;
	s28 =	sshra.s32 s11, $0x1F  }
0x11: {  	p2 =	sgt.s32 s12, $0x380;
	s31 =	sshra.s32 s12, $0x1F;
	s25 =	sand.u32 $0xFFFFE000, s25  }
0x12: {  	s26 =	sand.u32 $0xFFFFFC00, s26;
	s27 =	simm.s32 @!p1 $0x31;
	s28 =	sand.u32 s28, s11  }
0x13: {  	[tilespmem:s22+$0x2040 ss:$0x81] =	vst.msk $0xffff, v4;
	s23 =	sadd.s32 s24, s23;
	s29 =	sadd.s32 s26, s25;
	s25 =	ssub.s32 s27, s28  }
0x14: {  	[tilespmem:s22+$0x2850 ss:$0x81] =	vst.msk $0xffff, v3;
	s27 =	smov.u32 s12;
	s28 =	smov.u32 s10;
	s26 =	sand.u32 s31, s12  }
0x15: {  	[tilespmem:s22+$0x3060 ss:$0x81] =	vst.msk $0xffff, v2;
	s24 =	sshrl.u32 s29, $0xA;
	s30 =	sadd.s32 $0xFFFFFFCF, s25;
	s27 =	simm.s32 @!p2 $0x380  }
0x16: {  	v5 =	vld [tilespmem:s21+$0xFFFFFFD0];
	[tilespmem:s22+$0x0 ss:$0x81] =	vst.msk $0xffff, v1;
	p2 =	sgt.s32 s10, $0x368;
	s29 =	sshra.s32 s10, $0x1F;
	s22 =	ssub.s32 $0x32, s25  }
0x17: {  	v58 =	vld [tilespmem:s21+$0xFFFFFFE0];
	p1 =	sgt.s32 s30, $0x0;
	s28 =	simm.s32 @!p2 $0x368;
	s29 =	sand.u32 s29, s10  }
0x18: {  	v59 =	vld [tilespmem:s21+$0xFFFFFFF0];
	s26 =	ssub.s32 s27, s26;
	s27 =	smulhi.u32 $0x418938, s24;
	s28 =	ssub.s32 s28, s29  }
0x19: {  	v60 =	vld [tilespmem:s21+$0x0];
	s30 =	sadd.s32 $0xFFFFFC80, s26;
	s25 =	ssub.s32 $0x400, s26;
	s22 =	simm.s32 @p1 $0x0  }
0x1a: {  	v61 =	vld [tilespmem:s21+$0x10];
	[tilespmem:s23+$0x3870 ss:$0x81] =	vst.msk $0xffff, v0;
	s29 =	sand.u32 $0x78, s12;
	p2 =	sgt.s32 s30, $0x7F;
	s31 =	sadd.s32 $0xFFFFFC98, s28  }
0x1b: {  	v62 =	vld [tilespmem:s21+$0x20];
	[tilespmem:s23+$0x810 ss:$0x81] =	vst.msk $0xffff, v5;
	s27 =	smul.u32 $0x3E8, s27;
	s30 =	sshll.u32 s10, $0x7;
	s28 =	ssub.s32 $0x3E8, s28  }
0x1c: {  	v63 =	vld [tilespmem:s21+$0xFFFFFFC0];
	[tilespmem:s23+$0x1020 ss:$0x81] =	vst.msk $0xffff, v58;
	s25 =	simm.s32 @p2 $0x0;
	p1 =	sgt.s32 s31, $0x7F;
	s31 =	smul.u32 $0x1F400, s11  }
0x1d: {  	[tilespmem:s23+$0x1830 ss:$0x81] =	vst.msk $0xffff, v59;
	s21 =	sand.u32 $0x380, s30;
	s22 =	smul.u32 s25, s22;
	s28 =	simm.s32 @p1 $0x0  }
0x1e: {  	[tilespmem:s23+$0x2040 ss:$0x81] =	vst.msk $0xffff, v60;
	s21 =	sor.u32 s29, s21;
	s24 =	ssub.s32 s24, s27;
	s29 =	sand.u32 $0x7, s12  }
0x1f: {  	[tilespmem:s23+$0x2850 ss:$0x81] =	vst.msk $0xffff, v61;
	s21 =	sshrl.u32 s21, $0x3;
	s25 =	sadd.s32 s2, s31;
	s22 =	smul.u32 s28, s22  }
0x20: {  	[tilespmem:s23+$0x3060 ss:$0x81] =	vst.msk $0xffff, v62;
	s24 =	sshll.u32 s24, $0x7;
	s30 =	sshll.u32 s29, $0x12;
	s21 =	sadd.s32 s21, s25  }
0x21: {  	[tilespmem:s23+$0x0 ss:$0x81] =	vst.msk $0xffff, v63;
	s31 =	sor.u32 $0x400, s30;
	s21 =	sadd.s32 s24, s21;
	s22 =	sand.u32 $0x3FFFFFFF, s22  }
0x22: {  	[hbm4b:s21+s31] =	stream.strided.scatter [tilespmem:s20], [sflag:$0x2], s22, s9, s31, $0x20;
	[tilespmem:$0x10100] =	vst v63  }
.LBB1_5:
0x23: {  	p1 =	slt.u32 s16, $0x2  }
0x24: {  	p2 =	sgt.s32 @!p1 s19, $0x31  }
0x25: {  	s20 =	smov.u32 s19;
	s21 =	sshra.s32 @!p1 s19, $0x1F;
	p2 =	por !p2, p1  }
0x26: {  	s19 =	sand.u32 @!p1 s21, s19;
	s20 =	simm.s32 @p2 $0x31  }
0x27: {  	p3 =	sgt.s32 @!p1 s17, $0x368;
	s19 =	ssub.s32 @!p1 s20, s19  }
0x28: {  	p4 =	sgt.s32 @!p1 s18, $0x380;
	s22 =	sshra.s32 @!p1 s18, $0x1F;
	s20 =	sadd.s32 @!p1 $0xFFFFFFCF, s19  }
0x29: {  	s21 =	smov.u32 s17;
	p2 =	sgt.s32 @!p1 s20, $0x0;
	s20 =	sshra.s32 @!p1 s17, $0x1F  }
0x2a: {  	p4 =	por !p4, p1;
	s17 =	sand.u32 @!p1 s20, s17;
	s20 =	smov.u32 s18  }
0x2b: {  	p3 =	por !p3, p1;
	s18 =	sand.u32 @!p1 s22, s18;
	s20 =	simm.s32 @p4 $0x380  }
0x2c: {  	s21 =	simm.s32 @p3 $0x368;
	s19 =	ssub.s32 @!p1 $0x32, s19;
	s18 =	ssub.s32 @!p1 s20, s18  }
0x2d: {  	p2 =	por !p2, p1;
	s17 =	ssub.s32 @!p1 s21, s17;
	s21 =	sadd.s32 @!p1 $0xFFFFFC80, s18  }
0x2e: {  	s19 =	simm.s32 @!p2 $0x0;
	p3 =	sgt.s32 @!p1 s21, $0x7F  }
0x2f: {  	s20 =	sadd.s32 @!p1 $0xFFFFFC98, s17;
	s18 =	ssub.s32 @!p1 $0x400, s18;
	p3 =	por !p3, p1  }
0x30: {  	p2 =	sgt.s32 @!p1 s20, $0x7F;
	s20 =	sadd.s32 $0x200, s13;
	s18 =	simm.s32 @!p3 $0x0  }
0x31: {  	p3 =	sgt.s32 s20, $0x3E7;
	s18 =	smul.u32 @!p1 s18, s19;
	s19 =	simm.s32 $0x1  }
0x32: {  	s17 =	ssub.s32 @!p1 $0x3E8, s17;
	p2 =	por !p2, p1;
	s19 =	simm.s32 @!p3 $0x0  }
0x33: {  	s22 =	smov.u32 s15;
	s17 =	simm.s32 @!p2 $0x0;
	s21 =	sadd.s32 s19, s14  }
0x34: {  	s17 =	smul.u32 @!p1 s17, s18;
	s18 =	sadd.s32 $0x400, s15;
	p2 =	sgt.s32 s21, $0x31  }
0x35: {  	p0 =	por !p0, !p0;
	s23 =	simm.s32 @!p1 $0x2;
	s22 =	smov.u32 @p2 s18  }
0x36: {  	s20 =	smov.u32 @p3 s7;
	s21 =	simm.s32 @p2 $0x0;
	p2 =	sgt.s32 s22, $0x3FF  }
0x37: {  	s19 =	smov.u32 s11;
	s22 =	smov.u32 @p2 s3;
	p2 =	sne.s32 s16, s8  }
.Ltmp1:
0x38: {  	s11 =	smov.u32 s14;
	s17 =	sand.u32 @!p1 $0x3FFFFFFF, s17;
	(pc) =	sbr.rel @!p2 .LBB1_6-.Ltmp1, $4  }
0x39: {  	s18 =	smov.u32 s12;
	s12 =	smov.u32 s15;
	_ =	swait.ge @!p1 [sflag:s23], s17  }
0x3a: {  	s24 =	ssub.s32 @!p1 $0x0, s17;
	s17 =	smov.u32 s10;
	s10 =	smov.u32 s13  }
0x3b: {  	s13 =	smov.u32 s20;
	s14 =	smov.u32 s21;
	[sflag:s23] =	ssyncset.done @!p1 $0x0  }
0x3c: {  	s16 =	sadd.s32 $0x1, s16;
	[sflag:s23] =	ssyncadd.s32 @!p1 s24;
	s15 =	smov.u32 s22  }
.LBB1_1:
0x3d: {  	p1 =	sge.u32 s16, s6  }
0x3e: {  	s20 =	sshll.u32 @!p1 s14, $0xA  }
0x3f: {  	s21 =	sshll.u32 @!p1 s13, $0x3;
	s20 =	sand.u32 @!p1 $0xFFFFE000, s20  }
0x40: {  	s20 =	sadd.s32 @!p1 s20, s21  }
0x41: {  	s20 =	sshrl.u32 @!p1 s20, $0xA  }
0x42: {  	s21 =	smulhi.u32 @!p1 $0x4924925, s20  }
0x43: {  	s22 =	sshll.u32 @!p1 s14, $0x7;
	s24 =	smul.u32 @!p1 $0x1C00, s15  }
0x44: {  	s23 =	sand.u32 @!p1 $0x78, s13;
	s22 =	sand.u32 @!p1 $0x380, s22;
	s21 =	smul.u32 @!p1 $0x38, s21  }
0x45: {  	s31 =	sadd.s32 $0xFFFFFFFF, s16;
	s22 =	sor.u32 @!p1 s23, s22;
	s23 =	sadd.s32 @!p1 s4, s24  }
0x46: {  	s22 =	sshrl.u32 @!p1 s22, $0x3;
	s20 =	ssub.s32 @!p1 s20, s21;
	s21 =	sxor.u32 @!p1 $0xFFFFFFFF, s16  }
0x47: {  	s22 =	sadd.s32 @!p1 s22, s23;
	s23 =	sand.u32 @!p1 $0x7, s13;
	s21 =	sshll.u32 @!p1 s21, $0xE  }
0x48: {  	s23 =	sshll.u32 @!p1 s23, $0x12;
	s20 =	sshll.u32 @!p1 s20, $0x7;
	s21 =	sand.u32 @!p1 $0x4000, s21  }
0x49: {  	s20 =	sadd.s32 @!p1 s20, s22;
	s22 =	sor.u32 @!p1 $0x80, s23;
	s23 =	simm.s32 @!p1 $0xE000  }
0x4a: {  	[tilespmem:s21], [sflag:$0x1] =	stream.strided.gather @!p1 [hbm4b:s20+s22], $0x4000, s23, s22, $0x38;
	[tilespmem:$0x10100] =	vst v63  }
0x4b: {  	p1 =	sge.u32 s31, s6  }
.Ltmp2:
0x4c: {  	_ = 	snop;
	(pc) =	sbr.rel @p1 .LBB1_5-.Ltmp2, $1  }
0x4d: {  	_ =	sdelay $0x3  }
0x4e: {  	s20 =	simm.s32 $0x1  }
0x4f: {  	_ =	swait.ge [sflag:s5], $0x4000;
	s20 =	simm.s32 @!p0 $0x0  }
0x50: {  	[sflag:s5] =	ssyncset.done $0x0;
	s21 =	sshll.u32 s20, $0xE  }
0x51: {  	[sflag:s5] =	ssyncadd.s32 $0xFFFFC000;
	s21 =	sor.u32 $0x40, s21  }
0x52: {  	s20 =	smul.u32 $0x10200, s20;
	v0 =	vld [tilespmem:s21+$0x30]  }
0x53: {  	v1 =	vld [tilespmem:s21+$0xFFFFFFD0]  }
0x54: {  	s20 =	sshrl.u32 s20, $0x2;
	v5 =	vld [tilespmem:s21+$0xFFFFFFE0]  }
0x55: {  	v6 =	vld [tilespmem:s21+$0xFFFFFFF0];
	s23 =	sor.u32 $0x8000, s20  }
0x56: {  	s31 =	sand.u32 $0x1, s16;
	v4 =	vld [tilespmem:s21+$0x0];
	s22 =	sadd.s32 $0x0, s23  }
0x57: {  	v3 =	vld [tilespmem:s21+$0x10];
	s20 =	smul.u32 $0x10200, s31;
	[tilespmem:s22+$0x3870 ss:$0x81] =	vst.msk $0xffff, v0  }
0x58: {  	v2 =	vld [tilespmem:s21+$0x20];
	[tilespmem:s22+$0x810 ss:$0x81] =	vst.msk $0xffff, v1  }
0x59: {  	s20 =	sshrl.u32 s20, $0x2;
	v1 =	vld [tilespmem:s21+$0xFFFFFFC0];
	[tilespmem:s22+$0x1020 ss:$0x81] =	vst.msk $0xffff, v5;
	s21 =	sadd.s32 $0x80, s21  }
0x5a: {  	s24 =	simm.s32 $0x4;
	s25 =	simm.s32 $0x8;
	s20 =	sor.u32 $0x8000, s20;
	[tilespmem:s22+$0x1830 ss:$0x81] =	vst.msk $0xffff, v6;
	v0 =	vld [tilespmem:s21+$0x30]  }
.LBB1_3:
0x5b: {  	p1 =	sne.s32 s25, $0x1FC;
	v5 =	vld [tilespmem:s21+$0xFFFFFFD0];
	[tilespmem:s22+$0x2040 ss:$0x81] =	vst.msk $0xffff, v4  }
0x5c: {  	v6 =	vld [tilespmem:s21+$0xFFFFFFE0];
	[tilespmem:s22+$0x2850 ss:$0x81] =	vst.msk $0xffff, v3  }
0x5d: {  	s26 =	sshra.s32 s24, $0x2;
	s24 =	smov.u32 s25;
	v7 =	vld [tilespmem:s21+$0xFFFFFFF0];
	[tilespmem:s22+$0x3060 ss:$0x81] =	vst.msk $0xffff, v2  }
.Ltmp3:
0x5e: {  	v4 =	vld [tilespmem:s21+$0x0];
	[tilespmem:s22+$0x0 ss:$0x81] =	vst.msk $0xffff, v1;
	s22 =	sadd.s32 s26, s23;
	(pc) =	sbr.rel @p1 .LBB1_3-.Ltmp3, $4  }
0x5f: {  	v3 =	vld [tilespmem:s21+$0x10];
	[tilespmem:s22+$0x3870 ss:$0x81] =	vst.msk $0xffff, v0  }
0x60: {  	[tilespmem:s22+$0x810 ss:$0x81] =	vst.msk $0xffff, v5;
	v2 =	vld [tilespmem:s21+$0x20]  }
0x61: {  	v1 =	vld [tilespmem:s21+$0xFFFFFFC0];
	[tilespmem:s22+$0x1020 ss:$0x81] =	vst.msk $0xffff, v6;
	s21 =	sadd.s32 $0x80, s21  }
0x62: {  	s25 =	sadd.s32 $0x4, s25;
	v0 =	vld [tilespmem:s21+$0x30];
	[tilespmem:s22+$0x1830 ss:$0x81] =	vst.msk $0xffff, v7  }
.Ltmp4:
0x63: {  	_ = 	snop;
	(pc) =	sbr.rel .LBB1_4-.Ltmp4, $1  }
0x64: {  	_ =	sdelay $0x3  }
.LBB1_6:
0x65: {  	_ =	sfence.sel $0x180000  }
0x66: {  	s2 =	simm.s32 $0x1;
	[bflag:$0x0] =	sbarrier.arrive $0xFFFF  }
0x67: {  	s31 =	simm.s32 $0x2;
	[sflag:s2] =	ssyncpa.u1 $0x1  }
0x68: {  	[sflag:s31] =	ssyncpa.u1 $0x1  }
0x69: {  	p0 =	sne.s32 s0, $0x0;
	_ =	strace $0x9000004A  }
0x6a: {  	s0 =	sadd.s32 @!p0 $0x100000, s1;
	[bflag:$0x2] =	sbarrier.arrive $0xFFFF  }
0x6b: {  	[sflag:s0] =	ssyncadd.tile.s32 @!p0 $0x1;
	_ =	shalt  }
.Lfunc_end1:
_tile_overlayer_lowered:
.L_overlay_start_2:
0x6c: {  	(tag) =	ssettag $0x2  }
0x6d: {  	s0 =	rddreg [dreg:$0x0];
	s2 =	stileid.u32  }
0x6e: {  	s1 =	rddreg [dreg:$0x1];
	p0 =	sne.s32 s2, $0x0  }
0x6f: {  	s3 =	rddreg [dreg:$0x2];
	[bflag:$0x3] =	sbarrier.arrive $0xFFFF;
	s2 =	simm.s32 @!p0 $0x1C01  }
0x70: {  	[timem:s3], [sflag:s2] =	dma.local @!p0 [hbm:s0], s1  }
0x71: {  	s0 =	simm.s32 @!p0 $0x1  }
0x72: {  	_ =	swait.ge @!p0 [sflag:s0], s1  }
0x73: {  	s1 =	ssub.s32 @!p0 $0x0, s1;
	[sflag:s0] =	ssyncset.done @!p0 $0x0  }
0x74: {  	[sflag:s0] =	ssyncadd.s32 @!p0 s1  }
0x75: {  	[bflag:$0x3] =	sbarrier.arrive $0xFFFF  }
0x76: {  	_ =	shalt  }

</sc_bundles>
